<compile_context>
chip_gen: v7x
topology: tpu7x:2x2x1
jax: 0.10.2.dev20260603
libtpu: 0.0.44.dev20260713+nightly
codegen_flags: <defaults>
</compile_context>

<pallas_src>
import jax
import jax.numpy as jnp
from jax import lax
from jax.experimental import pallas as pl
from jax.experimental.pallas import tpu as pltpu
from jax.experimental.pallas import tpu_sc as plsc

_TOK = 512
_CH = 32
_NCH = _TOK // _CH


def kernel(token_ids, embeddings):
    batch, seq = token_ids.shape
    dim = embeddings.shape[1]
    nj = batch // 128
    ni = dim // 8
    jb = _TOK // 128
    ids_t = token_ids.T

    mesh = plsc.VectorSubcoreMesh(core_axis_name="core",
                                  subcore_axis_name="subcore")

    @pl.kernel(
        out_type=jax.ShapeDtypeStruct((seq, ni, nj, 8, 128), embeddings.dtype),
        mesh=mesh,
        compiler_params=pltpu.CompilerParams(use_tc_tiling_on_sc=False,
                                             needs_layout_passes=False),
    )
    def sc_gather(table_hbm, ids_hbm, out_hbm):
        def body(ids_vmem, out_vmem):
            def inner(*scoped):
                bufs, sems = scoped[:_NCH], scoped[_NCH:]
                copies = []
                for q in range(_NCH):
                    copies.append(pltpu.async_copy(
                        table_hbm.at[ids_vmem.at[0, pl.ds(q * _CH, _CH)]],
                        bufs[q], sems[q]))
                lane = lax.iota(jnp.int32, 16)
                for q in range(_NCH):
                    copies[q].wait()
                    buf = bufs[q]
                    jq = q // 4
                    lq = q % 4

                    @plsc.parallel_loop(0, 2 * ni * 8, unroll=8)
                    def _(idx):
                        i = idx >> 4
                        c = (idx >> 1) & 7
                        kl = idx & 1
                        rows = kl * 16 + lane
                        d = jnp.full((16,), i * 8 + c, jnp.int32)
                        vals = plsc.load_gather(buf, [rows, d])
                        out_vmem[0, i, jq, c,
                                 pl.ds((lq * 2 + kl) * 16, 16)] = vals

            pl.run_scoped(inner,
                          *[pltpu.VMEM((_CH, dim), embeddings.dtype)
                            for _ in range(_NCH)],
                          *[pltpu.SemaphoreType.DMA for _ in range(_NCH)])

        pltpu.emit_pipeline(
            body,
            grid=(seq, nj // jb),
            in_specs=[pl.BlockSpec((1, _TOK), index_map=lambda s, j: (s, j))],
            out_specs=[pl.BlockSpec((1, ni, jb, 8, 128),
                                    index_map=lambda s, j: (s, 0, j, 0, 0))],
            core_axis_name=("core", "subcore"),
            dimension_semantics=(pltpu.PARALLEL, pltpu.PARALLEL),
        )(ids_hbm, out_hbm)

    o5 = sc_gather(embeddings, ids_t)
    return o5.transpose(2, 4, 0, 1, 3).reshape(batch, seq, dim)

# --- scband reference (transcript-rebuilt; emitter-appended) ---
"""Pipeline reference for scband-embedding-47493748359791 (READ-ONLY COPY).

The authoritative reference and input builder live on the scoring server;
editing this copy changes nothing except your own understanding.
"""

import jax, jax.numpy as jnp
import numpy as np

NUM_EMBEDDINGS = 1000000
EMBEDDING_DIM = 32

def setup_inputs(seed: int = 0) -> dict:
    key = jax.random.key(seed)
    k_idx, k_tab = jax.random.split(key)
    token_ids = jax.random.randint(k_idx, (16384, 50), 0, NUM_EMBEDDINGS, dtype=jnp.int64 if jax.config.jax_enable_x64 else jnp.int32)
    # truncated normal init, mean 0 std 1, clipped to [-3, 3]
    embeddings = jax.random.truncated_normal(k_tab, -3.0, 3.0, (NUM_EMBEDDINGS, EMBEDDING_DIM), dtype=jnp.float32)
    return {"token_ids": token_ids, "embeddings": embeddings}

def reference(token_ids, embeddings):
    # Faithful translation of: return self.embeddings[token_ids]
    return jnp.take(embeddings, token_ids, axis=0)

if __name__ == "__main__":
    import jax
    _d = setup_inputs()
    print(jax.jit(kernel)(*tuple(_d.values())))

</pallas_src>

<mosaic_0001>
#map = affine_map<(d0, d1) -> (0, 0)>
#map1 = affine_map<(d0, d1) -> (0, 0, 0, 0, 0)>
module attributes {stable_mosaic.version = 14 : i64} {
  func.func @sc_gather(%arg0: i32, %arg1: i32, %arg2: memref<1000000x32xf32, #tpu.memory_space<hbm>>, %arg3: memref<50x16384xi32, #tpu.memory_space<hbm>>, %arg4: memref<50x4x128x8x128xf32, #tpu.memory_space<hbm>>) attributes {dimension_semantics = [#tpu.dimension_semantics<core_parallel>, #tpu.dimension_semantics<subcore_parallel>], iteration_bounds = array<i64: 2, 16>, scalar_prefetch = 0 : i64, scratch_operands = 0 : i64, tpu.core_type = #tpu.core_type<sc_vector_subcore>, window_params = [{transform_indices = #map}, {transform_indices = #map}, {transform_indices = #map1}]} {
    %mul3A = arith.constant 1 : i32
    %mul3A_0 = arith.muli %arg1, %mul3A : i32
    %add3A = arith.constant 0 : i32
    %add3A_1 = arith.addi %add3A, %mul3A_0 : i32
    %mul3A_2 = arith.constant 16 : i32
    %mul3A_3 = arith.muli %arg0, %mul3A_2 : i32
    %add3A_4 = arith.addi %add3A_1, %mul3A_3 : i32
    %mul3A_5 = arith.constant 1 : i32
    %mul3A_6 = arith.muli %add3A_4, %mul3A_5 : i32
    "tpu.region"() ({
      %run_scoped3A = memref.alloca() : memref<2x1x512xi32, #tpu.memory_space<vmem>>
      %run_scoped3A_7 = tpu.sem_alloc : memref<2x!tpu.dma_semaphore, #tpu.memory_space<semaphore_mem>>
      %run_scoped3A_8 = memref.alloca() : memref<2x1x4x4x8x128xf32, #tpu.memory_space<vmem>>
      %run_scoped3A_9 = tpu.sem_alloc : memref<2x!tpu.dma_semaphore, #tpu.memory_space<semaphore_mem>>
      %add3A_10 = arith.constant 0 : i32
      %add3A_11 = arith.addi %add3A_10, %mul3A_6 : i32
      %select_n3A = arith.constant true
      %select_n3A_12 = arith.constant 0 : i32
      %select_n3A_13 = arith.constant -1 : i32
      %select_n3A_14 = arith.select %select_n3A, %select_n3A_13, %select_n3A_12 : i32
      %eq3A = arith.constant -1 : i32
      %eq3A_15 = arith.cmpi eq, %select_n3A_14, %eq3A : i32
      %select_n3A_16 = arith.constant 0 : i32
      %select_n3A_17 = arith.select %eq3A_15, %select_n3A_16, %select_n3A_14 : i32
      %select_n3A_18 = arith.constant 0 : i32
      %select_n3A_19 = arith.constant -1 : i32
      %select_n3A_20 = arith.select %eq3A_15, %select_n3A_19, %select_n3A_18 : i32
      %eq3A_21 = arith.constant -1 : i32
      %eq3A_22 = arith.cmpi eq, %select_n3A_20, %eq3A_21 : i32
      %select_n3A_23 = arith.constant 49 : i32
      %select_n3A_24 = arith.select %eq3A_22, %select_n3A_23, %select_n3A_20 : i32
      %add3A_25 = arith.constant 0 : i32
      %add3A_26 = arith.addi %select_n3A_24, %add3A_25 : i32
      %add3A_27 = arith.constant 0 : i32
      %add3A_28 = arith.addi %add3A_27, %mul3A_6 : i32
      %select_n3A_29 = arith.constant true
      %select_n3A_30 = arith.constant 0 : i32
      %select_n3A_31 = arith.constant 1 : i32
      %select_n3A_32 = arith.select %select_n3A_29, %select_n3A_31, %select_n3A_30 : i32
      %eq3A_33 = arith.constant 1 : i32
      %eq3A_34 = arith.cmpi eq, %select_n3A_32, %eq3A_33 : i32
      %select_n3A_35 = arith.constant 0 : i32
      %select_n3A_36 = arith.select %eq3A_34, %select_n3A_35, %select_n3A_32 : i32
      %select_n3A_37 = arith.constant 0 : i32
      %select_n3A_38 = arith.constant 1 : i32
      %select_n3A_39 = arith.select %eq3A_34, %select_n3A_38, %select_n3A_37 : i32
      %eq3A_40 = arith.constant 50 : i32
      %eq3A_41 = arith.cmpi eq, %select_n3A_39, %eq3A_40 : i32
      %select_n3A_42 = arith.constant 0 : i32
      %select_n3A_43 = arith.select %eq3A_41, %select_n3A_42, %select_n3A_39 : i32
      %add3A_44 = arith.constant 0 : i32
      %add3A_45 = arith.addi %select_n3A_43, %add3A_44 : i32
      %add3A_46 = arith.constant 0 : i32
      %add3A_47 = arith.addi %add3A_46, %mul3A_6 : i32
      %select_n3A_48 = arith.constant true
      %select_n3A_49 = arith.constant 0 : i32
      %select_n3A_50 = arith.constant 1 : i32
      %select_n3A_51 = arith.select %select_n3A_48, %select_n3A_50, %select_n3A_49 : i32
      %eq3A_52 = arith.constant 1 : i32
      %eq3A_53 = arith.cmpi eq, %select_n3A_51, %eq3A_52 : i32
      %select_n3A_54 = arith.constant 0 : i32
      %select_n3A_55 = arith.select %eq3A_53, %select_n3A_54, %select_n3A_51 : i32
      %add3A_56 = arith.constant 1 : i32
      %add3A_57 = arith.addi %select_n3A_43, %add3A_56 : i32
      %select_n3A_58 = arith.select %eq3A_53, %add3A_57, %select_n3A_43 : i32
      %eq3A_59 = arith.constant 50 : i32
      %eq3A_60 = arith.cmpi eq, %select_n3A_58, %eq3A_59 : i32
      %select_n3A_61 = arith.constant 0 : i32
      %select_n3A_62 = arith.select %eq3A_60, %select_n3A_61, %select_n3A_58 : i32
      %add3A_63 = arith.constant 0 : i32
      %add3A_64 = arith.addi %select_n3A_62, %add3A_63 : i32
      %add3A_65 = arith.constant 0 : i32
      %add3A_66 = arith.addi %add3A_65, %mul3A_6 : i32
      "tpu.trace_start"() <{level = 10 : i32, message = "ep_initialize_0"}> : () -> ()
      %rem3A = arith.constant 0 : i32
      %rem3A_67 = arith.constant 2 : i32
      %rem3A_68 = arith.remui %rem3A, %rem3A_67 : i32
      %mul3A_69 = arith.constant 512 : i32
      %mul3A_70 = arith.muli %mul3A_69, %add3A_11 : i32
      %dma_start3A = arith.constant 0 : i32
      %dma_start3A_71 = arith.constant 0 : i32
      %dma_start3A_72 = tpu.memref_slice %run_scoped3A[%rem3A_68, %dma_start3A, %dma_start3A_71] : memref<2x1x512xi32, #tpu.memory_space<vmem>> -> memref<1x1x512xi32, #tpu.memory_space<vmem>>
      %dma_start3A_73 = tpu.memref_squeeze %dma_start3A_72 : memref<1x1x512xi32, #tpu.memory_space<vmem>> -> memref<1x512xi32, #tpu.memory_space<vmem>>
      %dma_start3A_74 = arith.constant 0 : i32
      %dma_start3A_75 = tpu.memref_slice %arg3[%dma_start3A_74, %mul3A_70] : memref<50x16384xi32, #tpu.memory_space<hbm>> -> memref<1x512xi32, #tpu.memory_space<hbm>>
      %dma_start3A_76 = tpu.memref_slice %run_scoped3A_7[%rem3A_68] : memref<2x!tpu.dma_semaphore, #tpu.memory_space<semaphore_mem>> -> memref<1x!tpu.dma_semaphore, #tpu.memory_space<semaphore_mem>>
      %dma_start3A_77 = tpu.memref_squeeze %dma_start3A_76 : memref<1x!tpu.dma_semaphore, #tpu.memory_space<semaphore_mem>> -> memref<!tpu.dma_semaphore, #tpu.memory_space<semaphore_mem>>
      %dma_start3A_78 = arith.constant 0 : i32
      %dma_start3A_79 = arith.constant 0 : i32
      %dma_start3A_80 = tpu.memref_slice %run_scoped3A[%rem3A_68, %dma_start3A_78, %dma_start3A_79] : memref<2x1x512xi32, #tpu.memory_space<vmem>> -> memref<1x1x512xi32, #tpu.memory_space<vmem>>
      %dma_start3A_81 = tpu.memref_squeeze %dma_start3A_80 : memref<1x1x512xi32, #tpu.memory_space<vmem>> -> memref<1x512xi32, #tpu.memory_space<vmem>>
      %dma_start3A_82 = arith.constant 0 : i32
      %dma_start3A_83 = tpu.memref_slice %arg3[%dma_start3A_82, %mul3A_70] : memref<50x16384xi32, #tpu.memory_space<hbm>> -> memref<1x512xi32, #tpu.memory_space<hbm>>
      tpu.enqueue_dma source(%dma_start3A_83 : memref<1x512xi32, #tpu.memory_space<hbm>>) target(%dma_start3A_81 : memref<1x512xi32, #tpu.memory_space<vmem>>) target_semaphore(%dma_start3A_77 : memref<!tpu.dma_semaphore, #tpu.memory_space<semaphore_mem>>)
      %add3A_84 = arith.constant 0 : i32
      %add3A_85 = arith.constant 1 : i32
      %add3A_86 = arith.addi %add3A_84, %add3A_85 : i32
      %select_n3A_87 = arith.constant true
      %select_n3A_88 = arith.constant 0 : i32
      %select_n3A_89 = arith.select %select_n3A_87, %add3A_86, %select_n3A_88 : i32
      "tpu.trace_stop"() : () -> ()
      %scan3A = arith.constant 0 : i32
      %scan3A_90 = arith.constant 0 : i32
      %scan3A_91 = arith.constant 0 : i32
      %scan3A_92 = arith.constant 0 : i32
      %scan3A_93 = arith.constant 0 : i32
      %scan3A_94 = arith.constant 0 : i32
      %scan3A_95 = arith.constant 50 : i32
      %scan3A_96 = arith.addi %scan3A_94, %scan3A_95 : i32
      %scan3A_97 = arith.constant 1 : i32
      %scan3A_98:6 = scf.for %scan3A_204 = %scan3A_94 to %scan3A_96 step %scan3A_97 iter_args(%scan3A_205 = %select_n3A_89, %scan3A_206 = %scan3A, %scan3A_207 = %scan3A_90, %scan3A_208 = %scan3A_91, %scan3A_209 = %scan3A_92, %scan3A_210 = %scan3A_93) -> (i32, i32, i32, i32, i32, i32)  : i32 {
        %eq3A_211 = arith.constant 0 : i32
        %eq3A_212 = arith.cmpi eq, %scan3A_204, %eq3A_211 : i32
        %eq3A_213 = arith.constant 49 : i32
        %eq3A_214 = arith.cmpi eq, %scan3A_204, %eq3A_213 : i32
        %add3A_215 = arith.constant 0 : i32
        %add3A_216 = arith.addi %scan3A_209, %add3A_215 : i32
        %add3A_217 = arith.constant 0 : i32
        %add3A_218 = arith.addi %add3A_217, %mul3A_6 : i32
        %select_n3A_219 = arith.constant true
        %select_n3A_220 = arith.constant 0 : i32
        %select_n3A_221 = arith.constant -1 : i32
        %select_n3A_222 = arith.select %select_n3A_219, %select_n3A_221, %select_n3A_220 : i32
        %eq3A_223 = arith.constant -1 : i32
        %eq3A_224 = arith.cmpi eq, %select_n3A_222, %eq3A_223 : i32
        %select_n3A_225 = arith.constant 0 : i32
        %select_n3A_226 = arith.select %eq3A_224, %select_n3A_225, %select_n3A_222 : i32
        %sub3A_227 = arith.constant 1 : i32
        %sub3A_228 = arith.subi %scan3A_209, %sub3A_227 : i32
        %select_n3A_229 = arith.select %eq3A_224, %sub3A_228, %scan3A_209 : i32
        %eq3A_230 = arith.constant -1 : i32
        %eq3A_231 = arith.cmpi eq, %select_n3A_229, %eq3A_230 : i32
        %select_n3A_232 = arith.constant 49 : i32
        %select_n3A_233 = arith.select %eq3A_231, %select_n3A_232, %select_n3A_229 : i32
        %add3A_234 = arith.constant 0 : i32
        %add3A_235 = arith.addi %select_n3A_233, %add3A_234 : i32
        %add3A_236 = arith.constant 0 : i32
        %add3A_237 = arith.addi %add3A_236, %mul3A_6 : i32
        %select_n3A_238 = arith.constant true
        %select_n3A_239 = arith.constant 0 : i32
        %select_n3A_240 = arith.constant 1 : i32
        %select_n3A_241 = arith.select %select_n3A_238, %select_n3A_240, %select_n3A_239 : i32
        %eq3A_242 = arith.constant 1 : i32
        %eq3A_243 = arith.cmpi eq, %select_n3A_241, %eq3A_242 : i32
        %select_n3A_244 = arith.constant 0 : i32
        %select_n3A_245 = arith.select %eq3A_243, %select_n3A_244, %select_n3A_241 : i32
        %add3A_246 = arith.constant 1 : i32
        %add3A_247 = arith.addi %scan3A_209, %add3A_246 : i32
        %select_n3A_248 = arith.select %eq3A_243, %add3A_247, %scan3A_209 : i32
        %eq3A_249 = arith.constant 50 : i32
        %eq3A_250 = arith.cmpi eq, %select_n3A_248, %eq3A_249 : i32
        %select_n3A_251 = arith.constant 0 : i32
        %select_n3A_252 = arith.select %eq3A_250, %select_n3A_251, %select_n3A_248 : i32
        %add3A_253 = arith.constant 0 : i32
        %add3A_254 = arith.addi %select_n3A_252, %add3A_253 : i32
        %add3A_255 = arith.constant 0 : i32
        %add3A_256 = arith.addi %add3A_255, %mul3A_6 : i32
        %select_n3A_257 = arith.constant true
        %select_n3A_258 = arith.constant 0 : i32
        %select_n3A_259 = arith.constant 1 : i32
        %select_n3A_260 = arith.select %select_n3A_257, %select_n3A_259, %select_n3A_258 : i32
        %eq3A_261 = arith.constant 1 : i32
        %eq3A_262 = arith.cmpi eq, %select_n3A_260, %eq3A_261 : i32
        %select_n3A_263 = arith.constant 0 : i32
        %select_n3A_264 = arith.select %eq3A_262, %select_n3A_263, %select_n3A_260 : i32
        %add3A_265 = arith.constant 1 : i32
        %add3A_266 = arith.addi %select_n3A_252, %add3A_265 : i32
        %select_n3A_267 = arith.select %eq3A_262, %add3A_266, %select_n3A_252 : i32
        %eq3A_268 = arith.constant 50 : i32
        %eq3A_269 = arith.cmpi eq, %select_n3A_267, %eq3A_268 : i32
        %select_n3A_270 = arith.constant 0 : i32
        %select_n3A_271 = arith.select %eq3A_269, %select_n3A_270, %select_n3A_267 : i32
        %add3A_272 = arith.constant 0 : i32
        %add3A_273 = arith.addi %select_n3A_271, %add3A_272 : i32
        %add3A_274 = arith.constant 0 : i32
        %add3A_275 = arith.addi %add3A_274, %mul3A_6 : i32
        %ne3A = arith.cmpi ne, %add3A_216, %add3A_254 : i32
        %ne3A_276 = arith.cmpi ne, %add3A_218, %add3A_256 : i32
        %or3A = arith.constant false
        %or3A_277 = arith.ori %or3A, %ne3A : i1
        %or3A_278 = arith.ori %or3A_277, %ne3A_276 : i1
        %ge3A = arith.constant 49 : i32
        %ge3A_279 = arith.cmpi sge, %scan3A_204, %ge3A : i32
        %not3A = arith.constant true
        %not3A_280 = arith.xori %ge3A_279, %not3A : i1
        %and3A = arith.andi %or3A_278, %not3A_280 : i1
        %convert_element_type3A = arith.extui %and3A : i1 to i32
        %cond3A = arith.constant 0 : i32
        %cond3A_281 = arith.cmpi ne, %convert_element_type3A, %cond3A : i32
        scf.if %cond3A_281 {
          "tpu.trace_start"() <{level = 10 : i32, message = "ep_copy_in"}> : () -> ()
          %rem3A_422 = arith.constant 2 : i32
          %rem3A_423 = arith.remui %scan3A_205, %rem3A_422 : i32
          %mul3A_424 = arith.constant 1 : i32
          %mul3A_425 = arith.muli %mul3A_424, %add3A_254 : i32
          %mul3A_426 = arith.constant 512 : i32
          %mul3A_427 = arith.muli %mul3A_426, %add3A_256 : i32
          %dma_start3A_428 = arith.constant 0 : i32
          %dma_start3A_429 = arith.constant 0 : i32
          %dma_start3A_430 = tpu.memref_slice %run_scoped3A[%rem3A_423, %dma_start3A_428, %dma_start3A_429] : memref<2x1x512xi32, #tpu.memory_space<vmem>> -> memref<1x1x512xi32, #tpu.memory_space<vmem>>
          %dma_start3A_431 = tpu.memref_squeeze %dma_start3A_430 : memref<1x1x512xi32, #tpu.memory_space<vmem>> -> memref<1x512xi32, #tpu.memory_space<vmem>>
          %dma_start3A_432 = tpu.memref_slice %arg3[%mul3A_425, %mul3A_427] : memref<50x16384xi32, #tpu.memory_space<hbm>> -> memref<1x512xi32, #tpu.memory_space<hbm>>
          %dma_start3A_433 = tpu.memref_slice %run_scoped3A_7[%rem3A_423] : memref<2x!tpu.dma_semaphore, #tpu.memory_space<semaphore_mem>> -> memref<1x!tpu.dma_semaphore, #tpu.memory_space<semaphore_mem>>
          %dma_start3A_434 = tpu.memref_squeeze %dma_start3A_433 : memref<1x!tpu.dma_semaphore, #tpu.memory_space<semaphore_mem>> -> memref<!tpu.dma_semaphore, #tpu.memory_space<semaphore_mem>>
          %dma_start3A_435 = arith.constant 0 : i32
          %dma_start3A_436 = arith.constant 0 : i32
          %dma_start3A_437 = tpu.memref_slice %run_scoped3A[%rem3A_423, %dma_start3A_435, %dma_start3A_436] : memref<2x1x512xi32, #tpu.memory_space<vmem>> -> memref<1x1x512xi32, #tpu.memory_space<vmem>>
          %dma_start3A_438 = tpu.memref_squeeze %dma_start3A_437 : memref<1x1x512xi32, #tpu.memory_space<vmem>> -> memref<1x512xi32, #tpu.memory_space<vmem>>
          %dma_start3A_439 = tpu.memref_slice %arg3[%mul3A_425, %mul3A_427] : memref<50x16384xi32, #tpu.memory_space<hbm>> -> memref<1x512xi32, #tpu.memory_space<hbm>>
          tpu.enqueue_dma source(%dma_start3A_439 : memref<1x512xi32, #tpu.memory_space<hbm>>) target(%dma_start3A_438 : memref<1x512xi32, #tpu.memory_space<vmem>>) target_semaphore(%dma_start3A_434 : memref<!tpu.dma_semaphore, #tpu.memory_space<semaphore_mem>>)
          "tpu.trace_stop"() : () -> ()
        } else {
        }
        %and3A_282 = arith.constant true
        %and3A_283 = arith.andi %and3A, %and3A_282 : i1
        %add3A_284 = arith.constant 1 : i32
        %add3A_285 = arith.addi %scan3A_205, %add3A_284 : i32
        %select_n3A_286 = arith.select %and3A_283, %add3A_285, %scan3A_205 : i32
        %ne3A_287 = arith.cmpi ne, %add3A_216, %add3A_254 : i32
        %ne3A_288 = arith.cmpi ne, %add3A_218, %add3A_256 : i32
        %or3A_289 = arith.constant false
        %or3A_290 = arith.ori %or3A_289, %ne3A_287 : i1
        %or3A_291 = arith.constant false
        %or3A_292 = arith.ori %or3A_290, %or3A_291 : i1
        %or3A_293 = arith.ori %or3A_292, %ne3A_288 : i1
        %or3A_294 = arith.constant false
        %or3A_295 = arith.ori %or3A_293, %or3A_294 : i1
        %or3A_296 = arith.constant false
        %or3A_297 = arith.ori %or3A_295, %or3A_296 : i1
        %ge3A_298 = arith.constant 49 : i32
        %ge3A_299 = arith.cmpi sge, %scan3A_204, %ge3A_298 : i32
        %not3A_300 = arith.constant true
        %not3A_301 = arith.xori %ge3A_299, %not3A_300 : i1
        %and3A_302 = arith.andi %or3A_297, %not3A_301 : i1
        %ne3A_303 = arith.cmpi ne, %add3A_216, %add3A_235 : i32
        %ne3A_304 = arith.cmpi ne, %add3A_218, %add3A_237 : i32
        %or3A_305 = arith.constant false
        %or3A_306 = arith.ori %or3A_305, %ne3A_303 : i1
        %or3A_307 = arith.ori %or3A_306, %ne3A_304 : i1
        %or3A_308 = arith.ori %or3A_307, %eq3A_212 : i1
        %convert_element_type3A_309 = arith.extui %or3A_308 : i1 to i32
        %cond3A_310 = arith.constant 0 : i32
        %cond3A_311 = arith.cmpi ne, %convert_element_type3A_309, %cond3A_310 : i32
        scf.if %cond3A_311 {
          "tpu.trace_start"() <{level = 10 : i32, message = "ep_wait_in"}> : () -> ()
          %mul3A_422 = arith.constant 1 : i32
          %mul3A_423 = arith.muli %mul3A_422, %add3A_216 : i32
          %mul3A_424 = arith.constant 512 : i32
          %mul3A_425 = arith.muli %mul3A_424, %add3A_218 : i32
          %rem3A_426 = arith.constant 2 : i32
          %rem3A_427 = arith.remui %scan3A_206, %rem3A_426 : i32
          %dma_wait3A_428 = arith.constant 0 : i32
          %dma_wait3A_429 = arith.constant 0 : i32
          %dma_wait3A_430 = tpu.memref_slice %run_scoped3A[%rem3A_427, %dma_wait3A_428, %dma_wait3A_429] : memref<2x1x512xi32, #tpu.memory_space<vmem>> -> memref<1x1x512xi32, #tpu.memory_space<vmem>>
          %dma_wait3A_431 = tpu.memref_squeeze %dma_wait3A_430 : memref<1x1x512xi32, #tpu.memory_space<vmem>> -> memref<1x512xi32, #tpu.memory_space<vmem>>
          %dma_wait3A_432 = tpu.memref_slice %arg3[%mul3A_423, %mul3A_425] : memref<50x16384xi32, #tpu.memory_space<hbm>> -> memref<1x512xi32, #tpu.memory_space<hbm>>
          %dma_wait3A_433 = tpu.memref_slice %run_scoped3A_7[%rem3A_427] : memref<2x!tpu.dma_semaphore, #tpu.memory_space<semaphore_mem>> -> memref<1x!tpu.dma_semaphore, #tpu.memory_space<semaphore_mem>>
          %dma_wait3A_434 = tpu.memref_squeeze %dma_wait3A_433 : memref<1x!tpu.dma_semaphore, #tpu.memory_space<semaphore_mem>> -> memref<!tpu.dma_semaphore, #tpu.memory_space<semaphore_mem>>
          %dma_wait3A_435 = arith.constant 0 : i32
          %dma_wait3A_436 = arith.constant 0 : i32
          %dma_wait3A_437 = tpu.memref_slice %run_scoped3A[%rem3A_427, %dma_wait3A_435, %dma_wait3A_436] : memref<2x1x512xi32, #tpu.memory_space<vmem>> -> memref<1x1x512xi32, #tpu.memory_space<vmem>>
          %dma_wait3A_438 = tpu.memref_squeeze %dma_wait3A_437 : memref<1x1x512xi32, #tpu.memory_space<vmem>> -> memref<1x512xi32, #tpu.memory_space<vmem>>
          %dma_wait3A_439 = tpu.memref_slice %arg3[%mul3A_423, %mul3A_425] : memref<50x16384xi32, #tpu.memory_space<hbm>> -> memref<1x512xi32, #tpu.memory_space<hbm>>
          tpu.wait_dma2 semaphore(%dma_wait3A_434 : memref<!tpu.dma_semaphore, #tpu.memory_space<semaphore_mem>>) src(%dma_wait3A_439 : memref<1x512xi32, #tpu.memory_space<hbm>>) dst(%dma_wait3A_438 : memref<1x512xi32, #tpu.memory_space<vmem>>)
          "tpu.trace_stop"() : () -> ()
        } else {
        }
        %ne3A_312 = arith.cmpi ne, %add3A_216, %add3A_235 : i32
        %ne3A_313 = arith.cmpi ne, %add3A_218, %add3A_237 : i32
        %or3A_314 = arith.constant false
        %or3A_315 = arith.ori %or3A_314, %ne3A_312 : i1
        %or3A_316 = arith.constant false
        %or3A_317 = arith.ori %or3A_315, %or3A_316 : i1
        %or3A_318 = arith.ori %or3A_317, %ne3A_313 : i1
        %or3A_319 = arith.constant false
        %or3A_320 = arith.ori %or3A_318, %or3A_319 : i1
        %or3A_321 = arith.constant false
        %or3A_322 = arith.ori %or3A_320, %or3A_321 : i1
        %or3A_323 = arith.ori %or3A_322, %eq3A_212 : i1
        %convert_element_type3A_324 = arith.extui %or3A_323 : i1 to i32
        %cond3A_325 = arith.constant 0 : i32
        %cond3A_326 = arith.cmpi ne, %convert_element_type3A_324, %cond3A_325 : i32
        scf.if %cond3A_326 {
        } else {
        }
        %rem3A_327 = arith.constant 2 : i32
        %rem3A_328 = arith.remui %scan3A_206, %rem3A_327 : i32
        %rem3A_329 = arith.constant 2 : i32
        %rem3A_330 = arith.remui %scan3A_207, %rem3A_329 : i32
        "tpu.trace_start"() <{level = 10 : i32, message = "ep_run_kernel"}> : () -> ()
        "tpu.region"() ({
          %run_scoped3A_422 = memref.alloca() : memref<32x32xf32, #tpu.memory_space<vmem>>
          %run_scoped3A_423 = memref.alloca() : memref<32x32xf32, #tpu.memory_space<vmem>>
          %run_scoped3A_424 = memref.alloca() : memref<32x32xf32, #tpu.memory_space<vmem>>
          %run_scoped3A_425 = memref.alloca() : memref<32x32xf32, #tpu.memory_space<vmem>>
          %run_scoped3A_426 = memref.alloca() : memref<32x32xf32, #tpu.memory_space<vmem>>
          %run_scoped3A_427 = memref.alloca() : memref<32x32xf32, #tpu.memory_space<vmem>>
          %run_scoped3A_428 = memref.alloca() : memref<32x32xf32, #tpu.memory_space<vmem>>
          %run_scoped3A_429 = memref.alloca() : memref<32x32xf32, #tpu.memory_space<vmem>>
          %run_scoped3A_430 = memref.alloca() : memref<32x32xf32, #tpu.memory_space<vmem>>
          %run_scoped3A_431 = memref.alloca() : memref<32x32xf32, #tpu.memory_space<vmem>>
          %run_scoped3A_432 = memref.alloca() : memref<32x32xf32, #tpu.memory_space<vmem>>
          %run_scoped3A_433 = memref.alloca() : memref<32x32xf32, #tpu.memory_space<vmem>>
          %run_scoped3A_434 = memref.alloca() : memref<32x32xf32, #tpu.memory_space<vmem>>
          %run_scoped3A_435 = memref.alloca() : memref<32x32xf32, #tpu.memory_space<vmem>>
          %run_scoped3A_436 = memref.alloca() : memref<32x32xf32, #tpu.memory_space<vmem>>
          %run_scoped3A_437 = memref.alloca() : memref<32x32xf32, #tpu.memory_space<vmem>>
          %run_scoped3A_438 = tpu.sem_alloc : memref<!tpu.dma_semaphore, #tpu.memory_space<semaphore_mem>>
          %run_scoped3A_439 = tpu.sem_alloc : memref<!tpu.dma_semaphore, #tpu.memory_space<semaphore_mem>>
          %run_scoped3A_440 = tpu.sem_alloc : memref<!tpu.dma_semaphore, #tpu.memory_space<semaphore_mem>>
          %run_scoped3A_441 = tpu.sem_alloc : memref<!tpu.dma_semaphore, #tpu.memory_space<semaphore_mem>>
          %run_scoped3A_442 = tpu.sem_alloc : memref<!tpu.dma_semaphore, #tpu.memory_space<semaphore_mem>>
          %run_scoped3A_443 = tpu.sem_alloc : memref<!tpu.dma_semaphore, #tpu.memory_space<semaphore_mem>>
          %run_scoped3A_444 = tpu.sem_alloc : memref<!tpu.dma_semaphore, #tpu.memory_space<semaphore_mem>>
          %run_scoped3A_445 = tpu.sem_alloc : memref<!tpu.dma_semaphore, #tpu.memory_space<semaphore_mem>>
          %run_scoped3A_446 = tpu.sem_alloc : memref<!tpu.dma_semaphore, #tpu.memory_space<semaphore_mem>>
          %run_scoped3A_447 = tpu.sem_alloc : memref<!tpu.dma_semaphore, #tpu.memory_space<semaphore_mem>>
          %run_scoped3A_448 = tpu.sem_alloc : memref<!tpu.dma_semaphore, #tpu.memory_space<semaphore_mem>>
          %run_scoped3A_449 = tpu.sem_alloc : memref<!tpu.dma_semaphore, #tpu.memory_space<semaphore_mem>>
          %run_scoped3A_450 = tpu.sem_alloc : memref<!tpu.dma_semaphore, #tpu.memory_space<semaphore_mem>>
          %run_scoped3A_451 = tpu.sem_alloc : memref<!tpu.dma_semaphore, #tpu.memory_space<semaphore_mem>>
          %run_scoped3A_452 = tpu.sem_alloc : memref<!tpu.dma_semaphore, #tpu.memory_space<semaphore_mem>>
          %run_scoped3A_453 = tpu.sem_alloc : memref<!tpu.dma_semaphore, #tpu.memory_space<semaphore_mem>>
          %dma_start3A_454 = arith.constant 0 : i32
          %dma_start3A_455 = arith.constant 0 : i32
          %dma_start3A_456 = arith.constant 0 : i32
          %dma_start3A_457 = tpu.memref_slice %run_scoped3A[%rem3A_328, %dma_start3A_455, %dma_start3A_456] : memref<2x1x512xi32, #tpu.memory_space<vmem>> -> memref<1x1x512xi32, #tpu.memory_space<vmem>>
          %dma_start3A_458 = tpu.memref_squeeze %dma_start3A_457 : memref<1x1x512xi32, #tpu.memory_space<vmem>> -> memref<1x512xi32, #tpu.memory_space<vmem>>
          %dma_start3A_459 = arith.constant 0 : i32
          %dma_start3A_460 = tpu.memref_slice %dma_start3A_458[%dma_start3A_454, %dma_start3A_459] : memref<1x512xi32, #tpu.memory_space<vmem>> -> memref<1x32xi32, #tpu.memory_space<vmem>>
          %dma_start3A_461 = tpu.memref_squeeze %dma_start3A_460 : memref<1x32xi32, #tpu.memory_space<vmem>> -> memref<32xi32, #tpu.memory_space<vmem>>
          %dma_start3A_462 = arith.constant 0 : i32
          %dma_start3A_463 = arith.constant 0 : i32
          %dma_start3A_464 = tpu.memref_slice %arg2[%dma_start3A_462, %dma_start3A_463] : memref<1000000x32xf32, #tpu.memory_space<hbm>> -> memref<1000000x32xf32, #tpu.memory_space<hbm>>
          tpu.enqueue_indirect_dma source(%dma_start3A_464 : memref<1000000x32xf32, #tpu.memory_space<hbm>>) target(%run_scoped3A_422 : memref<32x32xf32, #tpu.memory_space<vmem>>) offsets(%dma_start3A_461 : memref<32xi32, #tpu.memory_space<vmem>>) semaphore(%run_scoped3A_438 : memref<!tpu.dma_semaphore, #tpu.memory_space<semaphore_mem>>)
          %dma_start3A_465 = arith.constant 0 : i32
          %dma_start3A_466 = arith.constant 0 : i32
          %dma_start3A_467 = arith.constant 0 : i32
          %dma_start3A_468 = tpu.memref_slice %run_scoped3A[%rem3A_328, %dma_start3A_466, %dma_start3A_467] : memref<2x1x512xi32, #tpu.memory_space<vmem>> -> memref<1x1x512xi32, #tpu.memory_space<vmem>>
          %dma_start3A_469 = tpu.memref_squeeze %dma_start3A_468 : memref<1x1x512xi32, #tpu.memory_space<vmem>> -> memref<1x512xi32, #tpu.memory_space<vmem>>
          %dma_start3A_470 = arith.constant 32 : i32
          %dma_start3A_471 = tpu.memref_slice %dma_start3A_469[%dma_start3A_465, %dma_start3A_470] : memref<1x512xi32, #tpu.memory_space<vmem>> -> memref<1x32xi32, #tpu.memory_space<vmem>>
          %dma_start3A_472 = tpu.memref_squeeze %dma_start3A_471 : memref<1x32xi32, #tpu.memory_space<vmem>> -> memref<32xi32, #tpu.memory_space<vmem>>
          %dma_start3A_473 = arith.constant 0 : i32
          %dma_start3A_474 = arith.constant 0 : i32
          %dma_start3A_475 = tpu.memref_slice %arg2[%dma_start3A_473, %dma_start3A_474] : memref<1000000x32xf32, #tpu.memory_space<hbm>> -> memref<1000000x32xf32, #tpu.memory_space<hbm>>
          tpu.enqueue_indirect_dma source(%dma_start3A_475 : memref<1000000x32xf32, #tpu.memory_space<hbm>>) target(%run_scoped3A_423 : memref<32x32xf32, #tpu.memory_space<vmem>>) offsets(%dma_start3A_472 : memref<32xi32, #tpu.memory_space<vmem>>) semaphore(%run_scoped3A_439 : memref<!tpu.dma_semaphore, #tpu.memory_space<semaphore_mem>>)
          %dma_start3A_476 = arith.constant 0 : i32
          %dma_start3A_477 = arith.constant 0 : i32
          %dma_start3A_478 = arith.constant 0 : i32
          %dma_start3A_479 = tpu.memref_slice %run_scoped3A[%rem3A_328, %dma_start3A_477, %dma_start3A_478] : memref<2x1x512xi32, #tpu.memory_space<vmem>> -> memref<1x1x512xi32, #tpu.memory_space<vmem>>
          %dma_start3A_480 = tpu.memref_squeeze %dma_start3A_479 : memref<1x1x512xi32, #tpu.memory_space<vmem>> -> memref<1x512xi32, #tpu.memory_space<vmem>>
          %dma_start3A_481 = arith.constant 64 : i32
          %dma_start3A_482 = tpu.memref_slice %dma_start3A_480[%dma_start3A_476, %dma_start3A_481] : memref<1x512xi32, #tpu.memory_space<vmem>> -> memref<1x32xi32, #tpu.memory_space<vmem>>
          %dma_start3A_483 = tpu.memref_squeeze %dma_start3A_482 : memref<1x32xi32, #tpu.memory_space<vmem>> -> memref<32xi32, #tpu.memory_space<vmem>>
          %dma_start3A_484 = arith.constant 0 : i32
          %dma_start3A_485 = arith.constant 0 : i32
          %dma_start3A_486 = tpu.memref_slice %arg2[%dma_start3A_484, %dma_start3A_485] : memref<1000000x32xf32, #tpu.memory_space<hbm>> -> memref<1000000x32xf32, #tpu.memory_space<hbm>>
          tpu.enqueue_indirect_dma source(%dma_start3A_486 : memref<1000000x32xf32, #tpu.memory_space<hbm>>) target(%run_scoped3A_424 : memref<32x32xf32, #tpu.memory_space<vmem>>) offsets(%dma_start3A_483 : memref<32xi32, #tpu.memory_space<vmem>>) semaphore(%run_scoped3A_440 : memref<!tpu.dma_semaphore, #tpu.memory_space<semaphore_mem>>)
          %dma_start3A_487 = arith.constant 0 : i32
          %dma_start3A_488 = arith.constant 0 : i32
          %dma_start3A_489 = arith.constant 0 : i32
          %dma_start3A_490 = tpu.memref_slice %run_scoped3A[%rem3A_328, %dma_start3A_488, %dma_start3A_489] : memref<2x1x512xi32, #tpu.memory_space<vmem>> -> memref<1x1x512xi32, #tpu.memory_space<vmem>>
          %dma_start3A_491 = tpu.memref_squeeze %dma_start3A_490 : memref<1x1x512xi32, #tpu.memory_space<vmem>> -> memref<1x512xi32, #tpu.memory_space<vmem>>
          %dma_start3A_492 = arith.constant 96 : i32
          %dma_start3A_493 = tpu.memref_slice %dma_start3A_491[%dma_start3A_487, %dma_start3A_492] : memref<1x512xi32, #tpu.memory_space<vmem>> -> memref<1x32xi32, #tpu.memory_space<vmem>>
          %dma_start3A_494 = tpu.memref_squeeze %dma_start3A_493 : memref<1x32xi32, #tpu.memory_space<vmem>> -> memref<32xi32, #tpu.memory_space<vmem>>
          %dma_start3A_495 = arith.constant 0 : i32
          %dma_start3A_496 = arith.constant 0 : i32
          %dma_start3A_497 = tpu.memref_slice %arg2[%dma_start3A_495, %dma_start3A_496] : memref<1000000x32xf32, #tpu.memory_space<hbm>> -> memref<1000000x32xf32, #tpu.memory_space<hbm>>
          tpu.enqueue_indirect_dma source(%dma_start3A_497 : memref<1000000x32xf32, #tpu.memory_space<hbm>>) target(%run_scoped3A_425 : memref<32x32xf32, #tpu.memory_space<vmem>>) offsets(%dma_start3A_494 : memref<32xi32, #tpu.memory_space<vmem>>) semaphore(%run_scoped3A_441 : memref<!tpu.dma_semaphore, #tpu.memory_space<semaphore_mem>>)
          %dma_start3A_498 = arith.constant 0 : i32
          %dma_start3A_499 = arith.constant 0 : i32
          %dma_start3A_500 = arith.constant 0 : i32
          %dma_start3A_501 = tpu.memref_slice %run_scoped3A[%rem3A_328, %dma_start3A_499, %dma_start3A_500] : memref<2x1x512xi32, #tpu.memory_space<vmem>> -> memref<1x1x512xi32, #tpu.memory_space<vmem>>
          %dma_start3A_502 = tpu.memref_squeeze %dma_start3A_501 : memref<1x1x512xi32, #tpu.memory_space<vmem>> -> memref<1x512xi32, #tpu.memory_space<vmem>>
          %dma_start3A_503 = arith.constant 128 : i32
          %dma_start3A_504 = tpu.memref_slice %dma_start3A_502[%dma_start3A_498, %dma_start3A_503] : memref<1x512xi32, #tpu.memory_space<vmem>> -> memref<1x32xi32, #tpu.memory_space<vmem>>
          %dma_start3A_505 = tpu.memref_squeeze %dma_start3A_504 : memref<1x32xi32, #tpu.memory_space<vmem>> -> memref<32xi32, #tpu.memory_space<vmem>>
          %dma_start3A_506 = arith.constant 0 : i32
          %dma_start3A_507 = arith.constant 0 : i32
          %dma_start3A_508 = tpu.memref_slice %arg2[%dma_start3A_506, %dma_start3A_507] : memref<1000000x32xf32, #tpu.memory_space<hbm>> -> memref<1000000x32xf32, #tpu.memory_space<hbm>>
          tpu.enqueue_indirect_dma source(%dma_start3A_508 : memref<1000000x32xf32, #tpu.memory_space<hbm>>) target(%run_scoped3A_426 : memref<32x32xf32, #tpu.memory_space<vmem>>) offsets(%dma_start3A_505 : memref<32xi32, #tpu.memory_space<vmem>>) semaphore(%run_scoped3A_442 : memref<!tpu.dma_semaphore, #tpu.memory_space<semaphore_mem>>)
          %dma_start3A_509 = arith.constant 0 : i32
          %dma_start3A_510 = arith.constant 0 : i32
          %dma_start3A_511 = arith.constant 0 : i32
          %dma_start3A_512 = tpu.memref_slice %run_scoped3A[%rem3A_328, %dma_start3A_510, %dma_start3A_511] : memref<2x1x512xi32, #tpu.memory_space<vmem>> -> memref<1x1x512xi32, #tpu.memory_space<vmem>>
          %dma_start3A_513 = tpu.memref_squeeze %dma_start3A_512 : memref<1x1x512xi32, #tpu.memory_space<vmem>> -> memref<1x512xi32, #tpu.memory_space<vmem>>
          %dma_start3A_514 = arith.constant 160 : i32
          %dma_start3A_515 = tpu.memref_slice %dma_start3A_513[%dma_start3A_509, %dma_start3A_514] : memref<1x512xi32, #tpu.memory_space<vmem>> -> memref<1x32xi32, #tpu.memory_space<vmem>>
          %dma_start3A_516 = tpu.memref_squeeze %dma_start3A_515 : memref<1x32xi32, #tpu.memory_space<vmem>> -> memref<32xi32, #tpu.memory_space<vmem>>
          %dma_start3A_517 = arith.constant 0 : i32
          %dma_start3A_518 = arith.constant 0 : i32
          %dma_start3A_519 = tpu.memref_slice %arg2[%dma_start3A_517, %dma_start3A_518] : memref<1000000x32xf32, #tpu.memory_space<hbm>> -> memref<1000000x32xf32, #tpu.memory_space<hbm>>
          tpu.enqueue_indirect_dma source(%dma_start3A_519 : memref<1000000x32xf32, #tpu.memory_space<hbm>>) target(%run_scoped3A_427 : memref<32x32xf32, #tpu.memory_space<vmem>>) offsets(%dma_start3A_516 : memref<32xi32, #tpu.memory_space<vmem>>) semaphore(%run_scoped3A_443 : memref<!tpu.dma_semaphore, #tpu.memory_space<semaphore_mem>>)
          %dma_start3A_520 = arith.constant 0 : i32
          %dma_start3A_521 = arith.constant 0 : i32
          %dma_start3A_522 = arith.constant 0 : i32
          %dma_start3A_523 = tpu.memref_slice %run_scoped3A[%rem3A_328, %dma_start3A_521, %dma_start3A_522] : memref<2x1x512xi32, #tpu.memory_space<vmem>> -> memref<1x1x512xi32, #tpu.memory_space<vmem>>
          %dma_start3A_524 = tpu.memref_squeeze %dma_start3A_523 : memref<1x1x512xi32, #tpu.memory_space<vmem>> -> memref<1x512xi32, #tpu.memory_space<vmem>>
          %dma_start3A_525 = arith.constant 192 : i32
          %dma_start3A_526 = tpu.memref_slice %dma_start3A_524[%dma_start3A_520, %dma_start3A_525] : memref<1x512xi32, #tpu.memory_space<vmem>> -> memref<1x32xi32, #tpu.memory_space<vmem>>
          %dma_start3A_527 = tpu.memref_squeeze %dma_start3A_526 : memref<1x32xi32, #tpu.memory_space<vmem>> -> memref<32xi32, #tpu.memory_space<vmem>>
          %dma_start3A_528 = arith.constant 0 : i32
          %dma_start3A_529 = arith.constant 0 : i32
          %dma_start3A_530 = tpu.memref_slice %arg2[%dma_start3A_528, %dma_start3A_529] : memref<1000000x32xf32, #tpu.memory_space<hbm>> -> memref<1000000x32xf32, #tpu.memory_space<hbm>>
          tpu.enqueue_indirect_dma source(%dma_start3A_530 : memref<1000000x32xf32, #tpu.memory_space<hbm>>) target(%run_scoped3A_428 : memref<32x32xf32, #tpu.memory_space<vmem>>) offsets(%dma_start3A_527 : memref<32xi32, #tpu.memory_space<vmem>>) semaphore(%run_scoped3A_444 : memref<!tpu.dma_semaphore, #tpu.memory_space<semaphore_mem>>)
          %dma_start3A_531 = arith.constant 0 : i32
          %dma_start3A_532 = arith.constant 0 : i32
          %dma_start3A_533 = arith.constant 0 : i32
          %dma_start3A_534 = tpu.memref_slice %run_scoped3A[%rem3A_328, %dma_start3A_532, %dma_start3A_533] : memref<2x1x512xi32, #tpu.memory_space<vmem>> -> memref<1x1x512xi32, #tpu.memory_space<vmem>>
          %dma_start3A_535 = tpu.memref_squeeze %dma_start3A_534 : memref<1x1x512xi32, #tpu.memory_space<vmem>> -> memref<1x512xi32, #tpu.memory_space<vmem>>
          %dma_start3A_536 = arith.constant 224 : i32
          %dma_start3A_537 = tpu.memref_slice %dma_start3A_535[%dma_start3A_531, %dma_start3A_536] : memref<1x512xi32, #tpu.memory_space<vmem>> -> memref<1x32xi32, #tpu.memory_space<vmem>>
          %dma_start3A_538 = tpu.memref_squeeze %dma_start3A_537 : memref<1x32xi32, #tpu.memory_space<vmem>> -> memref<32xi32, #tpu.memory_space<vmem>>
          %dma_start3A_539 = arith.constant 0 : i32
          %dma_start3A_540 = arith.constant 0 : i32
          %dma_start3A_541 = tpu.memref_slice %arg2[%dma_start3A_539, %dma_start3A_540] : memref<1000000x32xf32, #tpu.memory_space<hbm>> -> memref<1000000x32xf32, #tpu.memory_space<hbm>>
          tpu.enqueue_indirect_dma source(%dma_start3A_541 : memref<1000000x32xf32, #tpu.memory_space<hbm>>) target(%run_scoped3A_429 : memref<32x32xf32, #tpu.memory_space<vmem>>) offsets(%dma_start3A_538 : memref<32xi32, #tpu.memory_space<vmem>>) semaphore(%run_scoped3A_445 : memref<!tpu.dma_semaphore, #tpu.memory_space<semaphore_mem>>)
          %dma_start3A_542 = arith.constant 0 : i32
          %dma_start3A_543 = arith.constant 0 : i32
          %dma_start3A_544 = arith.constant 0 : i32
          %dma_start3A_545 = tpu.memref_slice %run_scoped3A[%rem3A_328, %dma_start3A_543, %dma_start3A_544] : memref<2x1x512xi32, #tpu.memory_space<vmem>> -> memref<1x1x512xi32, #tpu.memory_space<vmem>>
          %dma_start3A_546 = tpu.memref_squeeze %dma_start3A_545 : memref<1x1x512xi32, #tpu.memory_space<vmem>> -> memref<1x512xi32, #tpu.memory_space<vmem>>
          %dma_start3A_547 = arith.constant 256 : i32
          %dma_start3A_548 = tpu.memref_slice %dma_start3A_546[%dma_start3A_542, %dma_start3A_547] : memref<1x512xi32, #tpu.memory_space<vmem>> -> memref<1x32xi32, #tpu.memory_space<vmem>>
          %dma_start3A_549 = tpu.memref_squeeze %dma_start3A_548 : memref<1x32xi32, #tpu.memory_space<vmem>> -> memref<32xi32, #tpu.memory_space<vmem>>
          %dma_start3A_550 = arith.constant 0 : i32
          %dma_start3A_551 = arith.constant 0 : i32
          %dma_start3A_552 = tpu.memref_slice %arg2[%dma_start3A_550, %dma_start3A_551] : memref<1000000x32xf32, #tpu.memory_space<hbm>> -> memref<1000000x32xf32, #tpu.memory_space<hbm>>
          tpu.enqueue_indirect_dma source(%dma_start3A_552 : memref<1000000x32xf32, #tpu.memory_space<hbm>>) target(%run_scoped3A_430 : memref<32x32xf32, #tpu.memory_space<vmem>>) offsets(%dma_start3A_549 : memref<32xi32, #tpu.memory_space<vmem>>) semaphore(%run_scoped3A_446 : memref<!tpu.dma_semaphore, #tpu.memory_space<semaphore_mem>>)
          %dma_start3A_553 = arith.constant 0 : i32
          %dma_start3A_554 = arith.constant 0 : i32
          %dma_start3A_555 = arith.constant 0 : i32
          %dma_start3A_556 = tpu.memref_slice %run_scoped3A[%rem3A_328, %dma_start3A_554, %dma_start3A_555] : memref<2x1x512xi32, #tpu.memory_space<vmem>> -> memref<1x1x512xi32, #tpu.memory_space<vmem>>
          %dma_start3A_557 = tpu.memref_squeeze %dma_start3A_556 : memref<1x1x512xi32, #tpu.memory_space<vmem>> -> memref<1x512xi32, #tpu.memory_space<vmem>>
          %dma_start3A_558 = arith.constant 288 : i32
          %dma_start3A_559 = tpu.memref_slice %dma_start3A_557[%dma_start3A_553, %dma_start3A_558] : memref<1x512xi32, #tpu.memory_space<vmem>> -> memref<1x32xi32, #tpu.memory_space<vmem>>
          %dma_start3A_560 = tpu.memref_squeeze %dma_start3A_559 : memref<1x32xi32, #tpu.memory_space<vmem>> -> memref<32xi32, #tpu.memory_space<vmem>>
          %dma_start3A_561 = arith.constant 0 : i32
          %dma_start3A_562 = arith.constant 0 : i32
          %dma_start3A_563 = tpu.memref_slice %arg2[%dma_start3A_561, %dma_start3A_562] : memref<1000000x32xf32, #tpu.memory_space<hbm>> -> memref<1000000x32xf32, #tpu.memory_space<hbm>>
          tpu.enqueue_indirect_dma source(%dma_start3A_563 : memref<1000000x32xf32, #tpu.memory_space<hbm>>) target(%run_scoped3A_431 : memref<32x32xf32, #tpu.memory_space<vmem>>) offsets(%dma_start3A_560 : memref<32xi32, #tpu.memory_space<vmem>>) semaphore(%run_scoped3A_447 : memref<!tpu.dma_semaphore, #tpu.memory_space<semaphore_mem>>)
          %dma_start3A_564 = arith.constant 0 : i32
          %dma_start3A_565 = arith.constant 0 : i32
          %dma_start3A_566 = arith.constant 0 : i32
          %dma_start3A_567 = tpu.memref_slice %run_scoped3A[%rem3A_328, %dma_start3A_565, %dma_start3A_566] : memref<2x1x512xi32, #tpu.memory_space<vmem>> -> memref<1x1x512xi32, #tpu.memory_space<vmem>>
          %dma_start3A_568 = tpu.memref_squeeze %dma_start3A_567 : memref<1x1x512xi32, #tpu.memory_space<vmem>> -> memref<1x512xi32, #tpu.memory_space<vmem>>
          %dma_start3A_569 = arith.constant 320 : i32
          %dma_start3A_570 = tpu.memref_slice %dma_start3A_568[%dma_start3A_564, %dma_start3A_569] : memref<1x512xi32, #tpu.memory_space<vmem>> -> memref<1x32xi32, #tpu.memory_space<vmem>>
          %dma_start3A_571 = tpu.memref_squeeze %dma_start3A_570 : memref<1x32xi32, #tpu.memory_space<vmem>> -> memref<32xi32, #tpu.memory_space<vmem>>
          %dma_start3A_572 = arith.constant 0 : i32
          %dma_start3A_573 = arith.constant 0 : i32
          %dma_start3A_574 = tpu.memref_slice %arg2[%dma_start3A_572, %dma_start3A_573] : memref<1000000x32xf32, #tpu.memory_space<hbm>> -> memref<1000000x32xf32, #tpu.memory_space<hbm>>
          tpu.enqueue_indirect_dma source(%dma_start3A_574 : memref<1000000x32xf32, #tpu.memory_space<hbm>>) target(%run_scoped3A_432 : memref<32x32xf32, #tpu.memory_space<vmem>>) offsets(%dma_start3A_571 : memref<32xi32, #tpu.memory_space<vmem>>) semaphore(%run_scoped3A_448 : memref<!tpu.dma_semaphore, #tpu.memory_space<semaphore_mem>>)
          %dma_start3A_575 = arith.constant 0 : i32
          %dma_start3A_576 = arith.constant 0 : i32
          %dma_start3A_577 = arith.constant 0 : i32
          %dma_start3A_578 = tpu.memref_slice %run_scoped3A[%rem3A_328, %dma_start3A_576, %dma_start3A_577] : memref<2x1x512xi32, #tpu.memory_space<vmem>> -> memref<1x1x512xi32, #tpu.memory_space<vmem>>
          %dma_start3A_579 = tpu.memref_squeeze %dma_start3A_578 : memref<1x1x512xi32, #tpu.memory_space<vmem>> -> memref<1x512xi32, #tpu.memory_space<vmem>>
          %dma_start3A_580 = arith.constant 352 : i32
          %dma_start3A_581 = tpu.memref_slice %dma_start3A_579[%dma_start3A_575, %dma_start3A_580] : memref<1x512xi32, #tpu.memory_space<vmem>> -> memref<1x32xi32, #tpu.memory_space<vmem>>
          %dma_start3A_582 = tpu.memref_squeeze %dma_start3A_581 : memref<1x32xi32, #tpu.memory_space<vmem>> -> memref<32xi32, #tpu.memory_space<vmem>>
          %dma_start3A_583 = arith.constant 0 : i32
          %dma_start3A_584 = arith.constant 0 : i32
          %dma_start3A_585 = tpu.memref_slice %arg2[%dma_start3A_583, %dma_start3A_584] : memref<1000000x32xf32, #tpu.memory_space<hbm>> -> memref<1000000x32xf32, #tpu.memory_space<hbm>>
          tpu.enqueue_indirect_dma source(%dma_start3A_585 : memref<1000000x32xf32, #tpu.memory_space<hbm>>) target(%run_scoped3A_433 : memref<32x32xf32, #tpu.memory_space<vmem>>) offsets(%dma_start3A_582 : memref<32xi32, #tpu.memory_space<vmem>>) semaphore(%run_scoped3A_449 : memref<!tpu.dma_semaphore, #tpu.memory_space<semaphore_mem>>)
          %dma_start3A_586 = arith.constant 0 : i32
          %dma_start3A_587 = arith.constant 0 : i32
          %dma_start3A_588 = arith.constant 0 : i32
          %dma_start3A_589 = tpu.memref_slice %run_scoped3A[%rem3A_328, %dma_start3A_587, %dma_start3A_588] : memref<2x1x512xi32, #tpu.memory_space<vmem>> -> memref<1x1x512xi32, #tpu.memory_space<vmem>>
          %dma_start3A_590 = tpu.memref_squeeze %dma_start3A_589 : memref<1x1x512xi32, #tpu.memory_space<vmem>> -> memref<1x512xi32, #tpu.memory_space<vmem>>
          %dma_start3A_591 = arith.constant 384 : i32
          %dma_start3A_592 = tpu.memref_slice %dma_start3A_590[%dma_start3A_586, %dma_start3A_591] : memref<1x512xi32, #tpu.memory_space<vmem>> -> memref<1x32xi32, #tpu.memory_space<vmem>>
          %dma_start3A_593 = tpu.memref_squeeze %dma_start3A_592 : memref<1x32xi32, #tpu.memory_space<vmem>> -> memref<32xi32, #tpu.memory_space<vmem>>
          %dma_start3A_594 = arith.constant 0 : i32
          %dma_start3A_595 = arith.constant 0 : i32
          %dma_start3A_596 = tpu.memref_slice %arg2[%dma_start3A_594, %dma_start3A_595] : memref<1000000x32xf32, #tpu.memory_space<hbm>> -> memref<1000000x32xf32, #tpu.memory_space<hbm>>
          tpu.enqueue_indirect_dma source(%dma_start3A_596 : memref<1000000x32xf32, #tpu.memory_space<hbm>>) target(%run_scoped3A_434 : memref<32x32xf32, #tpu.memory_space<vmem>>) offsets(%dma_start3A_593 : memref<32xi32, #tpu.memory_space<vmem>>) semaphore(%run_scoped3A_450 : memref<!tpu.dma_semaphore, #tpu.memory_space<semaphore_mem>>)
          %dma_start3A_597 = arith.constant 0 : i32
          %dma_start3A_598 = arith.constant 0 : i32
          %dma_start3A_599 = arith.constant 0 : i32
          %dma_start3A_600 = tpu.memref_slice %run_scoped3A[%rem3A_328, %dma_start3A_598, %dma_start3A_599] : memref<2x1x512xi32, #tpu.memory_space<vmem>> -> memref<1x1x512xi32, #tpu.memory_space<vmem>>
          %dma_start3A_601 = tpu.memref_squeeze %dma_start3A_600 : memref<1x1x512xi32, #tpu.memory_space<vmem>> -> memref<1x512xi32, #tpu.memory_space<vmem>>
          %dma_start3A_602 = arith.constant 416 : i32
          %dma_start3A_603 = tpu.memref_slice %dma_start3A_601[%dma_start3A_597, %dma_start3A_602] : memref<1x512xi32, #tpu.memory_space<vmem>> -> memref<1x32xi32, #tpu.memory_space<vmem>>
          %dma_start3A_604 = tpu.memref_squeeze %dma_start3A_603 : memref<1x32xi32, #tpu.memory_space<vmem>> -> memref<32xi32, #tpu.memory_space<vmem>>
          %dma_start3A_605 = arith.constant 0 : i32
          %dma_start3A_606 = arith.constant 0 : i32
          %dma_start3A_607 = tpu.memref_slice %arg2[%dma_start3A_605, %dma_start3A_606] : memref<1000000x32xf32, #tpu.memory_space<hbm>> -> memref<1000000x32xf32, #tpu.memory_space<hbm>>
          tpu.enqueue_indirect_dma source(%dma_start3A_607 : memref<1000000x32xf32, #tpu.memory_space<hbm>>) target(%run_scoped3A_435 : memref<32x32xf32, #tpu.memory_space<vmem>>) offsets(%dma_start3A_604 : memref<32xi32, #tpu.memory_space<vmem>>) semaphore(%run_scoped3A_451 : memref<!tpu.dma_semaphore, #tpu.memory_space<semaphore_mem>>)
          %dma_start3A_608 = arith.constant 0 : i32
          %dma_start3A_609 = arith.constant 0 : i32
          %dma_start3A_610 = arith.constant 0 : i32
          %dma_start3A_611 = tpu.memref_slice %run_scoped3A[%rem3A_328, %dma_start3A_609, %dma_start3A_610] : memref<2x1x512xi32, #tpu.memory_space<vmem>> -> memref<1x1x512xi32, #tpu.memory_space<vmem>>
          %dma_start3A_612 = tpu.memref_squeeze %dma_start3A_611 : memref<1x1x512xi32, #tpu.memory_space<vmem>> -> memref<1x512xi32, #tpu.memory_space<vmem>>
          %dma_start3A_613 = arith.constant 448 : i32
          %dma_start3A_614 = tpu.memref_slice %dma_start3A_612[%dma_start3A_608, %dma_start3A_613] : memref<1x512xi32, #tpu.memory_space<vmem>> -> memref<1x32xi32, #tpu.memory_space<vmem>>
          %dma_start3A_615 = tpu.memref_squeeze %dma_start3A_614 : memref<1x32xi32, #tpu.memory_space<vmem>> -> memref<32xi32, #tpu.memory_space<vmem>>
          %dma_start3A_616 = arith.constant 0 : i32
          %dma_start3A_617 = arith.constant 0 : i32
          %dma_start3A_618 = tpu.memref_slice %arg2[%dma_start3A_616, %dma_start3A_617] : memref<1000000x32xf32, #tpu.memory_space<hbm>> -> memref<1000000x32xf32, #tpu.memory_space<hbm>>
          tpu.enqueue_indirect_dma source(%dma_start3A_618 : memref<1000000x32xf32, #tpu.memory_space<hbm>>) target(%run_scoped3A_436 : memref<32x32xf32, #tpu.memory_space<vmem>>) offsets(%dma_start3A_615 : memref<32xi32, #tpu.memory_space<vmem>>) semaphore(%run_scoped3A_452 : memref<!tpu.dma_semaphore, #tpu.memory_space<semaphore_mem>>)
          %dma_start3A_619 = arith.constant 0 : i32
          %dma_start3A_620 = arith.constant 0 : i32
          %dma_start3A_621 = arith.constant 0 : i32
          %dma_start3A_622 = tpu.memref_slice %run_scoped3A[%rem3A_328, %dma_start3A_620, %dma_start3A_621] : memref<2x1x512xi32, #tpu.memory_space<vmem>> -> memref<1x1x512xi32, #tpu.memory_space<vmem>>
          %dma_start3A_623 = tpu.memref_squeeze %dma_start3A_622 : memref<1x1x512xi32, #tpu.memory_space<vmem>> -> memref<1x512xi32, #tpu.memory_space<vmem>>
          %dma_start3A_624 = arith.constant 480 : i32
          %dma_start3A_625 = tpu.memref_slice %dma_start3A_623[%dma_start3A_619, %dma_start3A_624] : memref<1x512xi32, #tpu.memory_space<vmem>> -> memref<1x32xi32, #tpu.memory_space<vmem>>
          %dma_start3A_626 = tpu.memref_squeeze %dma_start3A_625 : memref<1x32xi32, #tpu.memory_space<vmem>> -> memref<32xi32, #tpu.memory_space<vmem>>
          %dma_start3A_627 = arith.constant 0 : i32
          %dma_start3A_628 = arith.constant 0 : i32
          %dma_start3A_629 = tpu.memref_slice %arg2[%dma_start3A_627, %dma_start3A_628] : memref<1000000x32xf32, #tpu.memory_space<hbm>> -> memref<1000000x32xf32, #tpu.memory_space<hbm>>
          tpu.enqueue_indirect_dma source(%dma_start3A_629 : memref<1000000x32xf32, #tpu.memory_space<hbm>>) target(%run_scoped3A_437 : memref<32x32xf32, #tpu.memory_space<vmem>>) offsets(%dma_start3A_626 : memref<32xi32, #tpu.memory_space<vmem>>) semaphore(%run_scoped3A_453 : memref<!tpu.dma_semaphore, #tpu.memory_space<semaphore_mem>>)
          %iota3A = tpu.iota {dimensions = array<i32: 0>} : vector<16xi32>
          %dma_wait3A_630 = arith.constant 0 : i32
          %dma_wait3A_631 = arith.constant 0 : i32
          %dma_wait3A_632 = arith.constant 0 : i32
          %dma_wait3A_633 = tpu.memref_slice %run_scoped3A[%rem3A_328, %dma_wait3A_631, %dma_wait3A_632] : memref<2x1x512xi32, #tpu.memory_space<vmem>> -> memref<1x1x512xi32, #tpu.memory_space<vmem>>
          %dma_wait3A_634 = tpu.memref_squeeze %dma_wait3A_633 : memref<1x1x512xi32, #tpu.memory_space<vmem>> -> memref<1x512xi32, #tpu.memory_space<vmem>>
          %dma_wait3A_635 = arith.constant 0 : i32
          %dma_wait3A_636 = tpu.memref_slice %dma_wait3A_634[%dma_wait3A_630, %dma_wait3A_635] : memref<1x512xi32, #tpu.memory_space<vmem>> -> memref<1x32xi32, #tpu.memory_space<vmem>>
          %dma_wait3A_637 = tpu.memref_squeeze %dma_wait3A_636 : memref<1x32xi32, #tpu.memory_space<vmem>> -> memref<32xi32, #tpu.memory_space<vmem>>
          %dma_wait3A_638 = arith.constant 0 : i32
          %dma_wait3A_639 = arith.constant 0 : i32
          %dma_wait3A_640 = tpu.memref_slice %arg2[%dma_wait3A_638, %dma_wait3A_639] : memref<1000000x32xf32, #tpu.memory_space<hbm>> -> memref<1000000x32xf32, #tpu.memory_space<hbm>>
          tpu.wait_indirect_dma semaphore(%run_scoped3A_438 : memref<!tpu.dma_semaphore, #tpu.memory_space<semaphore_mem>>) src(%dma_wait3A_640 : memref<1000000x32xf32, #tpu.memory_space<hbm>>) dst(%run_scoped3A_422 : memref<32x32xf32, #tpu.memory_space<vmem>>)
          %parallel_loop3A = arith.constant 0 : i32
          %parallel_loop3A_641 = arith.constant 64 : i32
          %parallel_loop3A_642 = arith.constant 1 : i32
          scf.for %parallel_loop3A_853 = %parallel_loop3A to %parallel_loop3A_641 step %parallel_loop3A_642  : i32 {
            %parallel_loop3A_854 = arith.constant 4 : i32
            %parallel_loop3A_855 = arith.shrsi %parallel_loop3A_853, %parallel_loop3A_854 : i32
            %parallel_loop3A_856 = arith.constant 1 : i32
            %parallel_loop3A_857 = arith.shrsi %parallel_loop3A_853, %parallel_loop3A_856 : i32
            %parallel_loop3A_858 = arith.constant 7 : i32
            %parallel_loop3A_859 = arith.andi %parallel_loop3A_857, %parallel_loop3A_858 : i32
            %parallel_loop3A_860 = arith.constant 1 : i32
            %parallel_loop3A_861 = arith.andi %parallel_loop3A_853, %parallel_loop3A_860 : i32
            %parallel_loop3A_862 = arith.constant 16 : i32
            %parallel_loop3A_863 = arith.muli %parallel_loop3A_861, %parallel_loop3A_862 : i32
            %parallel_loop3A_864 = vector.broadcast %parallel_loop3A_863 : i32 to vector<16xi32>
            %parallel_loop3A_865 = arith.addi %parallel_loop3A_864, %iota3A : vector<16xi32>
            %parallel_loop3A_866 = arith.constant 8 : i32
            %parallel_loop3A_867 = arith.muli %parallel_loop3A_855, %parallel_loop3A_866 : i32
            %parallel_loop3A_868 = arith.addi %parallel_loop3A_867, %parallel_loop3A_859 : i32
            %parallel_loop3A_869 = vector.broadcast %parallel_loop3A_868 : i32 to vector<16xi32>
            %parallel_loop3A_870 = tpu.vector_load_idx %run_scoped3A_422[%parallel_loop3A_865, %parallel_loop3A_869] : memref<32x32xf32, #tpu.memory_space<vmem>>[vector<16xi32>, vector<16xi32>], vector<16xf32>,
            %parallel_loop3A_871 = arith.constant 0 : i32
            %parallel_loop3A_872 = arith.addi %parallel_loop3A_871, %parallel_loop3A_861 : i32
            %parallel_loop3A_873 = arith.constant 16 : i32
            %parallel_loop3A_874 = arith.muli %parallel_loop3A_872, %parallel_loop3A_873 : i32
            %parallel_loop3A_875 = arith.constant 0 : i32
            %parallel_loop3A_876 = arith.constant 0 : i32
            %parallel_loop3A_877 = arith.constant 0 : i32
            %parallel_loop3A_878 = arith.constant 0 : i32
            %parallel_loop3A_879 = arith.constant 0 : i32
            %parallel_loop3A_880 = arith.constant 0 : i32
            %parallel_loop3A_881 = arith.constant 0 : i32
            %parallel_loop3A_882 = tpu.memref_slice %run_scoped3A_8[%rem3A_330, %parallel_loop3A_877, %parallel_loop3A_878, %parallel_loop3A_879, %parallel_loop3A_880, %parallel_loop3A_881] : memref<2x1x4x4x8x128xf32, #tpu.memory_space<vmem>> -> memref<1x1x4x4x8x128xf32, #tpu.memory_space<vmem>>
            %parallel_loop3A_883 = tpu.memref_squeeze %parallel_loop3A_882 : memref<1x1x4x4x8x128xf32, #tpu.memory_space<vmem>> -> memref<1x4x4x8x128xf32, #tpu.memory_space<vmem>>
            %parallel_loop3A_884 = arith.index_cast %parallel_loop3A_875 : i32 to index
            %parallel_loop3A_885 = arith.index_cast %parallel_loop3A_855 : i32 to index
            %parallel_loop3A_886 = arith.index_cast %parallel_loop3A_876 : i32 to index
            %parallel_loop3A_887 = arith.index_cast %parallel_loop3A_859 : i32 to index
            %parallel_loop3A_888 = arith.index_cast %parallel_loop3A_874 : i32 to index
            %parallel_loop3A_889 = tpu.vector_load %parallel_loop3A_883[%parallel_loop3A_884, %parallel_loop3A_885, %parallel_loop3A_886, %parallel_loop3A_887, %parallel_loop3A_888] {strides = array<i32>} : memref<1x4x4x8x128xf32, #tpu.memory_space<vmem>>, vector<16xf32>,
            tpu.vector_store %parallel_loop3A_883[%parallel_loop3A_884, %parallel_loop3A_885, %parallel_loop3A_886, %parallel_loop3A_887, %parallel_loop3A_888], %parallel_loop3A_870 {strides = array<i32>} : memref<1x4x4x8x128xf32, #tpu.memory_space<vmem>>, vector<16xf32>,
          } {sc.loop_unroll_factor = 8 : i64, sc.parallel_access}
          %dma_wait3A_643 = arith.constant 0 : i32
          %dma_wait3A_644 = arith.constant 0 : i32
          %dma_wait3A_645 = arith.constant 0 : i32
          %dma_wait3A_646 = tpu.memref_slice %run_scoped3A[%rem3A_328, %dma_wait3A_644, %dma_wait3A_645] : memref<2x1x512xi32, #tpu.memory_space<vmem>> -> memref<1x1x512xi32, #tpu.memory_space<vmem>>
          %dma_wait3A_647 = tpu.memref_squeeze %dma_wait3A_646 : memref<1x1x512xi32, #tpu.memory_space<vmem>> -> memref<1x512xi32, #tpu.memory_space<vmem>>
          %dma_wait3A_648 = arith.constant 32 : i32
          %dma_wait3A_649 = tpu.memref_slice %dma_wait3A_647[%dma_wait3A_643, %dma_wait3A_648] : memref<1x512xi32, #tpu.memory_space<vmem>> -> memref<1x32xi32, #tpu.memory_space<vmem>>
          %dma_wait3A_650 = tpu.memref_squeeze %dma_wait3A_649 : memref<1x32xi32, #tpu.memory_space<vmem>> -> memref<32xi32, #tpu.memory_space<vmem>>
          %dma_wait3A_651 = arith.constant 0 : i32
          %dma_wait3A_652 = arith.constant 0 : i32
          %dma_wait3A_653 = tpu.memref_slice %arg2[%dma_wait3A_651, %dma_wait3A_652] : memref<1000000x32xf32, #tpu.memory_space<hbm>> -> memref<1000000x32xf32, #tpu.memory_space<hbm>>
          tpu.wait_indirect_dma semaphore(%run_scoped3A_439 : memref<!tpu.dma_semaphore, #tpu.memory_space<semaphore_mem>>) src(%dma_wait3A_653 : memref<1000000x32xf32, #tpu.memory_space<hbm>>) dst(%run_scoped3A_423 : memref<32x32xf32, #tpu.memory_space<vmem>>)
          %parallel_loop3A_654 = arith.constant 0 : i32
          %parallel_loop3A_655 = arith.constant 64 : i32
          %parallel_loop3A_656 = arith.constant 1 : i32
          scf.for %parallel_loop3A_853 = %parallel_loop3A_654 to %parallel_loop3A_655 step %parallel_loop3A_656  : i32 {
            %parallel_loop3A_854 = arith.constant 4 : i32
            %parallel_loop3A_855 = arith.shrsi %parallel_loop3A_853, %parallel_loop3A_854 : i32
            %parallel_loop3A_856 = arith.constant 1 : i32
            %parallel_loop3A_857 = arith.shrsi %parallel_loop3A_853, %parallel_loop3A_856 : i32
            %parallel_loop3A_858 = arith.constant 7 : i32
            %parallel_loop3A_859 = arith.andi %parallel_loop3A_857, %parallel_loop3A_858 : i32
            %parallel_loop3A_860 = arith.constant 1 : i32
            %parallel_loop3A_861 = arith.andi %parallel_loop3A_853, %parallel_loop3A_860 : i32
            %parallel_loop3A_862 = arith.constant 16 : i32
            %parallel_loop3A_863 = arith.muli %parallel_loop3A_861, %parallel_loop3A_862 : i32
            %parallel_loop3A_864 = vector.broadcast %parallel_loop3A_863 : i32 to vector<16xi32>
            %parallel_loop3A_865 = arith.addi %parallel_loop3A_864, %iota3A : vector<16xi32>
            %parallel_loop3A_866 = arith.constant 8 : i32
            %parallel_loop3A_867 = arith.muli %parallel_loop3A_855, %parallel_loop3A_866 : i32
            %parallel_loop3A_868 = arith.addi %parallel_loop3A_867, %parallel_loop3A_859 : i32
            %parallel_loop3A_869 = vector.broadcast %parallel_loop3A_868 : i32 to vector<16xi32>
            %parallel_loop3A_870 = tpu.vector_load_idx %run_scoped3A_423[%parallel_loop3A_865, %parallel_loop3A_869] : memref<32x32xf32, #tpu.memory_space<vmem>>[vector<16xi32>, vector<16xi32>], vector<16xf32>,
            %parallel_loop3A_871 = arith.constant 2 : i32
            %parallel_loop3A_872 = arith.addi %parallel_loop3A_871, %parallel_loop3A_861 : i32
            %parallel_loop3A_873 = arith.constant 16 : i32
            %parallel_loop3A_874 = arith.muli %parallel_loop3A_872, %parallel_loop3A_873 : i32
            %parallel_loop3A_875 = arith.constant 0 : i32
            %parallel_loop3A_876 = arith.constant 0 : i32
            %parallel_loop3A_877 = arith.constant 0 : i32
            %parallel_loop3A_878 = arith.constant 0 : i32
            %parallel_loop3A_879 = arith.constant 0 : i32
            %parallel_loop3A_880 = arith.constant 0 : i32
            %parallel_loop3A_881 = arith.constant 0 : i32
            %parallel_loop3A_882 = tpu.memref_slice %run_scoped3A_8[%rem3A_330, %parallel_loop3A_877, %parallel_loop3A_878, %parallel_loop3A_879, %parallel_loop3A_880, %parallel_loop3A_881] : memref<2x1x4x4x8x128xf32, #tpu.memory_space<vmem>> -> memref<1x1x4x4x8x128xf32, #tpu.memory_space<vmem>>
            %parallel_loop3A_883 = tpu.memref_squeeze %parallel_loop3A_882 : memref<1x1x4x4x8x128xf32, #tpu.memory_space<vmem>> -> memref<1x4x4x8x128xf32, #tpu.memory_space<vmem>>
            %parallel_loop3A_884 = arith.index_cast %parallel_loop3A_875 : i32 to index
            %parallel_loop3A_885 = arith.index_cast %parallel_loop3A_855 : i32 to index
            %parallel_loop3A_886 = arith.index_cast %parallel_loop3A_876 : i32 to index
            %parallel_loop3A_887 = arith.index_cast %parallel_loop3A_859 : i32 to index
            %parallel_loop3A_888 = arith.index_cast %parallel_loop3A_874 : i32 to index
            %parallel_loop3A_889 = tpu.vector_load %parallel_loop3A_883[%parallel_loop3A_884, %parallel_loop3A_885, %parallel_loop3A_886, %parallel_loop3A_887, %parallel_loop3A_888] {strides = array<i32>} : memref<1x4x4x8x128xf32, #tpu.memory_space<vmem>>, vector<16xf32>,
            tpu.vector_store %parallel_loop3A_883[%parallel_loop3A_884, %parallel_loop3A_885, %parallel_loop3A_886, %parallel_loop3A_887, %parallel_loop3A_888], %parallel_loop3A_870 {strides = array<i32>} : memref<1x4x4x8x128xf32, #tpu.memory_space<vmem>>, vector<16xf32>,
          } {sc.loop_unroll_factor = 8 : i64, sc.parallel_access}
          %dma_wait3A_657 = arith.constant 0 : i32
          %dma_wait3A_658 = arith.constant 0 : i32
          %dma_wait3A_659 = arith.constant 0 : i32
          %dma_wait3A_660 = tpu.memref_slice %run_scoped3A[%rem3A_328, %dma_wait3A_658, %dma_wait3A_659] : memref<2x1x512xi32, #tpu.memory_space<vmem>> -> memref<1x1x512xi32, #tpu.memory_space<vmem>>
          %dma_wait3A_661 = tpu.memref_squeeze %dma_wait3A_660 : memref<1x1x512xi32, #tpu.memory_space<vmem>> -> memref<1x512xi32, #tpu.memory_space<vmem>>
          %dma_wait3A_662 = arith.constant 64 : i32
          %dma_wait3A_663 = tpu.memref_slice %dma_wait3A_661[%dma_wait3A_657, %dma_wait3A_662] : memref<1x512xi32, #tpu.memory_space<vmem>> -> memref<1x32xi32, #tpu.memory_space<vmem>>
          %dma_wait3A_664 = tpu.memref_squeeze %dma_wait3A_663 : memref<1x32xi32, #tpu.memory_space<vmem>> -> memref<32xi32, #tpu.memory_space<vmem>>
          %dma_wait3A_665 = arith.constant 0 : i32
          %dma_wait3A_666 = arith.constant 0 : i32
          %dma_wait3A_667 = tpu.memref_slice %arg2[%dma_wait3A_665, %dma_wait3A_666] : memref<1000000x32xf32, #tpu.memory_space<hbm>> -> memref<1000000x32xf32, #tpu.memory_space<hbm>>
          tpu.wait_indirect_dma semaphore(%run_scoped3A_440 : memref<!tpu.dma_semaphore, #tpu.memory_space<semaphore_mem>>) src(%dma_wait3A_667 : memref<1000000x32xf32, #tpu.memory_space<hbm>>) dst(%run_scoped3A_424 : memref<32x32xf32, #tpu.memory_space<vmem>>)
          %parallel_loop3A_668 = arith.constant 0 : i32
          %parallel_loop3A_669 = arith.constant 64 : i32
          %parallel_loop3A_670 = arith.constant 1 : i32
          scf.for %parallel_loop3A_853 = %parallel_loop3A_668 to %parallel_loop3A_669 step %parallel_loop3A_670  : i32 {
            %parallel_loop3A_854 = arith.constant 4 : i32
            %parallel_loop3A_855 = arith.shrsi %parallel_loop3A_853, %parallel_loop3A_854 : i32
            %parallel_loop3A_856 = arith.constant 1 : i32
            %parallel_loop3A_857 = arith.shrsi %parallel_loop3A_853, %parallel_loop3A_856 : i32
            %parallel_loop3A_858 = arith.constant 7 : i32
            %parallel_loop3A_859 = arith.andi %parallel_loop3A_857, %parallel_loop3A_858 : i32
            %parallel_loop3A_860 = arith.constant 1 : i32
            %parallel_loop3A_861 = arith.andi %parallel_loop3A_853, %parallel_loop3A_860 : i32
            %parallel_loop3A_862 = arith.constant 16 : i32
            %parallel_loop3A_863 = arith.muli %parallel_loop3A_861, %parallel_loop3A_862 : i32
            %parallel_loop3A_864 = vector.broadcast %parallel_loop3A_863 : i32 to vector<16xi32>
            %parallel_loop3A_865 = arith.addi %parallel_loop3A_864, %iota3A : vector<16xi32>
            %parallel_loop3A_866 = arith.constant 8 : i32
            %parallel_loop3A_867 = arith.muli %parallel_loop3A_855, %parallel_loop3A_866 : i32
            %parallel_loop3A_868 = arith.addi %parallel_loop3A_867, %parallel_loop3A_859 : i32
            %parallel_loop3A_869 = vector.broadcast %parallel_loop3A_868 : i32 to vector<16xi32>
            %parallel_loop3A_870 = tpu.vector_load_idx %run_scoped3A_424[%parallel_loop3A_865, %parallel_loop3A_869] : memref<32x32xf32, #tpu.memory_space<vmem>>[vector<16xi32>, vector<16xi32>], vector<16xf32>,
            %parallel_loop3A_871 = arith.constant 4 : i32
            %parallel_loop3A_872 = arith.addi %parallel_loop3A_871, %parallel_loop3A_861 : i32
            %parallel_loop3A_873 = arith.constant 16 : i32
            %parallel_loop3A_874 = arith.muli %parallel_loop3A_872, %parallel_loop3A_873 : i32
            %parallel_loop3A_875 = arith.constant 0 : i32
            %parallel_loop3A_876 = arith.constant 0 : i32
            %parallel_loop3A_877 = arith.constant 0 : i32
            %parallel_loop3A_878 = arith.constant 0 : i32
            %parallel_loop3A_879 = arith.constant 0 : i32
            %parallel_loop3A_880 = arith.constant 0 : i32
            %parallel_loop3A_881 = arith.constant 0 : i32
            %parallel_loop3A_882 = tpu.memref_slice %run_scoped3A_8[%rem3A_330, %parallel_loop3A_877, %parallel_loop3A_878, %parallel_loop3A_879, %parallel_loop3A_880, %parallel_loop3A_881] : memref<2x1x4x4x8x128xf32, #tpu.memory_space<vmem>> -> memref<1x1x4x4x8x128xf32, #tpu.memory_space<vmem>>
            %parallel_loop3A_883 = tpu.memref_squeeze %parallel_loop3A_882 : memref<1x1x4x4x8x128xf32, #tpu.memory_space<vmem>> -> memref<1x4x4x8x128xf32, #tpu.memory_space<vmem>>
            %parallel_loop3A_884 = arith.index_cast %parallel_loop3A_875 : i32 to index
            %parallel_loop3A_885 = arith.index_cast %parallel_loop3A_855 : i32 to index
            %parallel_loop3A_886 = arith.index_cast %parallel_loop3A_876 : i32 to index
            %parallel_loop3A_887 = arith.index_cast %parallel_loop3A_859 : i32 to index
            %parallel_loop3A_888 = arith.index_cast %parallel_loop3A_874 : i32 to index
            %parallel_loop3A_889 = tpu.vector_load %parallel_loop3A_883[%parallel_loop3A_884, %parallel_loop3A_885, %parallel_loop3A_886, %parallel_loop3A_887, %parallel_loop3A_888] {strides = array<i32>} : memref<1x4x4x8x128xf32, #tpu.memory_space<vmem>>, vector<16xf32>,
            tpu.vector_store %parallel_loop3A_883[%parallel_loop3A_884, %parallel_loop3A_885, %parallel_loop3A_886, %parallel_loop3A_887, %parallel_loop3A_888], %parallel_loop3A_870 {strides = array<i32>} : memref<1x4x4x8x128xf32, #tpu.memory_space<vmem>>, vector<16xf32>,
          } {sc.loop_unroll_factor = 8 : i64, sc.parallel_access}
          %dma_wait3A_671 = arith.constant 0 : i32
          %dma_wait3A_672 = arith.constant 0 : i32
          %dma_wait3A_673 = arith.constant 0 : i32
          %dma_wait3A_674 = tpu.memref_slice %run_scoped3A[%rem3A_328, %dma_wait3A_672, %dma_wait3A_673] : memref<2x1x512xi32, #tpu.memory_space<vmem>> -> memref<1x1x512xi32, #tpu.memory_space<vmem>>
          %dma_wait3A_675 = tpu.memref_squeeze %dma_wait3A_674 : memref<1x1x512xi32, #tpu.memory_space<vmem>> -> memref<1x512xi32, #tpu.memory_space<vmem>>
          %dma_wait3A_676 = arith.constant 96 : i32
          %dma_wait3A_677 = tpu.memref_slice %dma_wait3A_675[%dma_wait3A_671, %dma_wait3A_676] : memref<1x512xi32, #tpu.memory_space<vmem>> -> memref<1x32xi32, #tpu.memory_space<vmem>>
          %dma_wait3A_678 = tpu.memref_squeeze %dma_wait3A_677 : memref<1x32xi32, #tpu.memory_space<vmem>> -> memref<32xi32, #tpu.memory_space<vmem>>
          %dma_wait3A_679 = arith.constant 0 : i32
          %dma_wait3A_680 = arith.constant 0 : i32
          %dma_wait3A_681 = tpu.memref_slice %arg2[%dma_wait3A_679, %dma_wait3A_680] : memref<1000000x32xf32, #tpu.memory_space<hbm>> -> memref<1000000x32xf32, #tpu.memory_space<hbm>>
          tpu.wait_indirect_dma semaphore(%run_scoped3A_441 : memref<!tpu.dma_semaphore, #tpu.memory_space<semaphore_mem>>) src(%dma_wait3A_681 : memref<1000000x32xf32, #tpu.memory_space<hbm>>) dst(%run_scoped3A_425 : memref<32x32xf32, #tpu.memory_space<vmem>>)
          %parallel_loop3A_682 = arith.constant 0 : i32
          %parallel_loop3A_683 = arith.constant 64 : i32
          %parallel_loop3A_684 = arith.constant 1 : i32
          scf.for %parallel_loop3A_853 = %parallel_loop3A_682 to %parallel_loop3A_683 step %parallel_loop3A_684  : i32 {
            %parallel_loop3A_854 = arith.constant 4 : i32
            %parallel_loop3A_855 = arith.shrsi %parallel_loop3A_853, %parallel_loop3A_854 : i32
            %parallel_loop3A_856 = arith.constant 1 : i32
            %parallel_loop3A_857 = arith.shrsi %parallel_loop3A_853, %parallel_loop3A_856 : i32
            %parallel_loop3A_858 = arith.constant 7 : i32
            %parallel_loop3A_859 = arith.andi %parallel_loop3A_857, %parallel_loop3A_858 : i32
            %parallel_loop3A_860 = arith.constant 1 : i32
            %parallel_loop3A_861 = arith.andi %parallel_loop3A_853, %parallel_loop3A_860 : i32
            %parallel_loop3A_862 = arith.constant 16 : i32
            %parallel_loop3A_863 = arith.muli %parallel_loop3A_861, %parallel_loop3A_862 : i32
            %parallel_loop3A_864 = vector.broadcast %parallel_loop3A_863 : i32 to vector<16xi32>
            %parallel_loop3A_865 = arith.addi %parallel_loop3A_864, %iota3A : vector<16xi32>
            %parallel_loop3A_866 = arith.constant 8 : i32
            %parallel_loop3A_867 = arith.muli %parallel_loop3A_855, %parallel_loop3A_866 : i32
            %parallel_loop3A_868 = arith.addi %parallel_loop3A_867, %parallel_loop3A_859 : i32
            %parallel_loop3A_869 = vector.broadcast %parallel_loop3A_868 : i32 to vector<16xi32>
            %parallel_loop3A_870 = tpu.vector_load_idx %run_scoped3A_425[%parallel_loop3A_865, %parallel_loop3A_869] : memref<32x32xf32, #tpu.memory_space<vmem>>[vector<16xi32>, vector<16xi32>], vector<16xf32>,
            %parallel_loop3A_871 = arith.constant 6 : i32
            %parallel_loop3A_872 = arith.addi %parallel_loop3A_871, %parallel_loop3A_861 : i32
            %parallel_loop3A_873 = arith.constant 16 : i32
            %parallel_loop3A_874 = arith.muli %parallel_loop3A_872, %parallel_loop3A_873 : i32
            %parallel_loop3A_875 = arith.constant 0 : i32
            %parallel_loop3A_876 = arith.constant 0 : i32
            %parallel_loop3A_877 = arith.constant 0 : i32
            %parallel_loop3A_878 = arith.constant 0 : i32
            %parallel_loop3A_879 = arith.constant 0 : i32
            %parallel_loop3A_880 = arith.constant 0 : i32
            %parallel_loop3A_881 = arith.constant 0 : i32
            %parallel_loop3A_882 = tpu.memref_slice %run_scoped3A_8[%rem3A_330, %parallel_loop3A_877, %parallel_loop3A_878, %parallel_loop3A_879, %parallel_loop3A_880, %parallel_loop3A_881] : memref<2x1x4x4x8x128xf32, #tpu.memory_space<vmem>> -> memref<1x1x4x4x8x128xf32, #tpu.memory_space<vmem>>
            %parallel_loop3A_883 = tpu.memref_squeeze %parallel_loop3A_882 : memref<1x1x4x4x8x128xf32, #tpu.memory_space<vmem>> -> memref<1x4x4x8x128xf32, #tpu.memory_space<vmem>>
            %parallel_loop3A_884 = arith.index_cast %parallel_loop3A_875 : i32 to index
            %parallel_loop3A_885 = arith.index_cast %parallel_loop3A_855 : i32 to index
            %parallel_loop3A_886 = arith.index_cast %parallel_loop3A_876 : i32 to index
            %parallel_loop3A_887 = arith.index_cast %parallel_loop3A_859 : i32 to index
            %parallel_loop3A_888 = arith.index_cast %parallel_loop3A_874 : i32 to index
            %parallel_loop3A_889 = tpu.vector_load %parallel_loop3A_883[%parallel_loop3A_884, %parallel_loop3A_885, %parallel_loop3A_886, %parallel_loop3A_887, %parallel_loop3A_888] {strides = array<i32>} : memref<1x4x4x8x128xf32, #tpu.memory_space<vmem>>, vector<16xf32>,
            tpu.vector_store %parallel_loop3A_883[%parallel_loop3A_884, %parallel_loop3A_885, %parallel_loop3A_886, %parallel_loop3A_887, %parallel_loop3A_888], %parallel_loop3A_870 {strides = array<i32>} : memref<1x4x4x8x128xf32, #tpu.memory_space<vmem>>, vector<16xf32>,
          } {sc.loop_unroll_factor = 8 : i64, sc.parallel_access}
          %dma_wait3A_685 = arith.constant 0 : i32
          %dma_wait3A_686 = arith.constant 0 : i32
          %dma_wait3A_687 = arith.constant 0 : i32
          %dma_wait3A_688 = tpu.memref_slice %run_scoped3A[%rem3A_328, %dma_wait3A_686, %dma_wait3A_687] : memref<2x1x512xi32, #tpu.memory_space<vmem>> -> memref<1x1x512xi32, #tpu.memory_space<vmem>>
          %dma_wait3A_689 = tpu.memref_squeeze %dma_wait3A_688 : memref<1x1x512xi32, #tpu.memory_space<vmem>> -> memref<1x512xi32, #tpu.memory_space<vmem>>
          %dma_wait3A_690 = arith.constant 128 : i32
          %dma_wait3A_691 = tpu.memref_slice %dma_wait3A_689[%dma_wait3A_685, %dma_wait3A_690] : memref<1x512xi32, #tpu.memory_space<vmem>> -> memref<1x32xi32, #tpu.memory_space<vmem>>
          %dma_wait3A_692 = tpu.memref_squeeze %dma_wait3A_691 : memref<1x32xi32, #tpu.memory_space<vmem>> -> memref<32xi32, #tpu.memory_space<vmem>>
          %dma_wait3A_693 = arith.constant 0 : i32
          %dma_wait3A_694 = arith.constant 0 : i32
          %dma_wait3A_695 = tpu.memref_slice %arg2[%dma_wait3A_693, %dma_wait3A_694] : memref<1000000x32xf32, #tpu.memory_space<hbm>> -> memref<1000000x32xf32, #tpu.memory_space<hbm>>
          tpu.wait_indirect_dma semaphore(%run_scoped3A_442 : memref<!tpu.dma_semaphore, #tpu.memory_space<semaphore_mem>>) src(%dma_wait3A_695 : memref<1000000x32xf32, #tpu.memory_space<hbm>>) dst(%run_scoped3A_426 : memref<32x32xf32, #tpu.memory_space<vmem>>)
          %parallel_loop3A_696 = arith.constant 0 : i32
          %parallel_loop3A_697 = arith.constant 64 : i32
          %parallel_loop3A_698 = arith.constant 1 : i32
          scf.for %parallel_loop3A_853 = %parallel_loop3A_696 to %parallel_loop3A_697 step %parallel_loop3A_698  : i32 {
            %parallel_loop3A_854 = arith.constant 4 : i32
            %parallel_loop3A_855 = arith.shrsi %parallel_loop3A_853, %parallel_loop3A_854 : i32
            %parallel_loop3A_856 = arith.constant 1 : i32
            %parallel_loop3A_857 = arith.shrsi %parallel_loop3A_853, %parallel_loop3A_856 : i32
            %parallel_loop3A_858 = arith.constant 7 : i32
            %parallel_loop3A_859 = arith.andi %parallel_loop3A_857, %parallel_loop3A_858 : i32
            %parallel_loop3A_860 = arith.constant 1 : i32
            %parallel_loop3A_861 = arith.andi %parallel_loop3A_853, %parallel_loop3A_860 : i32
            %parallel_loop3A_862 = arith.constant 16 : i32
            %parallel_loop3A_863 = arith.muli %parallel_loop3A_861, %parallel_loop3A_862 : i32
            %parallel_loop3A_864 = vector.broadcast %parallel_loop3A_863 : i32 to vector<16xi32>
            %parallel_loop3A_865 = arith.addi %parallel_loop3A_864, %iota3A : vector<16xi32>
            %parallel_loop3A_866 = arith.constant 8 : i32
            %parallel_loop3A_867 = arith.muli %parallel_loop3A_855, %parallel_loop3A_866 : i32
            %parallel_loop3A_868 = arith.addi %parallel_loop3A_867, %parallel_loop3A_859 : i32
            %parallel_loop3A_869 = vector.broadcast %parallel_loop3A_868 : i32 to vector<16xi32>
            %parallel_loop3A_870 = tpu.vector_load_idx %run_scoped3A_426[%parallel_loop3A_865, %parallel_loop3A_869] : memref<32x32xf32, #tpu.memory_space<vmem>>[vector<16xi32>, vector<16xi32>], vector<16xf32>,
            %parallel_loop3A_871 = arith.constant 0 : i32
            %parallel_loop3A_872 = arith.addi %parallel_loop3A_871, %parallel_loop3A_861 : i32
            %parallel_loop3A_873 = arith.constant 16 : i32
            %parallel_loop3A_874 = arith.muli %parallel_loop3A_872, %parallel_loop3A_873 : i32
            %parallel_loop3A_875 = arith.constant 0 : i32
            %parallel_loop3A_876 = arith.constant 1 : i32
            %parallel_loop3A_877 = arith.constant 0 : i32
            %parallel_loop3A_878 = arith.constant 0 : i32
            %parallel_loop3A_879 = arith.constant 0 : i32
            %parallel_loop3A_880 = arith.constant 0 : i32
            %parallel_loop3A_881 = arith.constant 0 : i32
            %parallel_loop3A_882 = tpu.memref_slice %run_scoped3A_8[%rem3A_330, %parallel_loop3A_877, %parallel_loop3A_878, %parallel_loop3A_879, %parallel_loop3A_880, %parallel_loop3A_881] : memref<2x1x4x4x8x128xf32, #tpu.memory_space<vmem>> -> memref<1x1x4x4x8x128xf32, #tpu.memory_space<vmem>>
            %parallel_loop3A_883 = tpu.memref_squeeze %parallel_loop3A_882 : memref<1x1x4x4x8x128xf32, #tpu.memory_space<vmem>> -> memref<1x4x4x8x128xf32, #tpu.memory_space<vmem>>
            %parallel_loop3A_884 = arith.index_cast %parallel_loop3A_875 : i32 to index
            %parallel_loop3A_885 = arith.index_cast %parallel_loop3A_855 : i32 to index
            %parallel_loop3A_886 = arith.index_cast %parallel_loop3A_876 : i32 to index
            %parallel_loop3A_887 = arith.index_cast %parallel_loop3A_859 : i32 to index
            %parallel_loop3A_888 = arith.index_cast %parallel_loop3A_874 : i32 to index
            %parallel_loop3A_889 = tpu.vector_load %parallel_loop3A_883[%parallel_loop3A_884, %parallel_loop3A_885, %parallel_loop3A_886, %parallel_loop3A_887, %parallel_loop3A_888] {strides = array<i32>} : memref<1x4x4x8x128xf32, #tpu.memory_space<vmem>>, vector<16xf32>,
            tpu.vector_store %parallel_loop3A_883[%parallel_loop3A_884, %parallel_loop3A_885, %parallel_loop3A_886, %parallel_loop3A_887, %parallel_loop3A_888], %parallel_loop3A_870 {strides = array<i32>} : memref<1x4x4x8x128xf32, #tpu.memory_space<vmem>>, vector<16xf32>,
          } {sc.loop_unroll_factor = 8 : i64, sc.parallel_access}
          %dma_wait3A_699 = arith.constant 0 : i32
          %dma_wait3A_700 = arith.constant 0 : i32
          %dma_wait3A_701 = arith.constant 0 : i32
          %dma_wait3A_702 = tpu.memref_slice %run_scoped3A[%rem3A_328, %dma_wait3A_700, %dma_wait3A_701] : memref<2x1x512xi32, #tpu.memory_space<vmem>> -> memref<1x1x512xi32, #tpu.memory_space<vmem>>
          %dma_wait3A_703 = tpu.memref_squeeze %dma_wait3A_702 : memref<1x1x512xi32, #tpu.memory_space<vmem>> -> memref<1x512xi32, #tpu.memory_space<vmem>>
          %dma_wait3A_704 = arith.constant 160 : i32
          %dma_wait3A_705 = tpu.memref_slice %dma_wait3A_703[%dma_wait3A_699, %dma_wait3A_704] : memref<1x512xi32, #tpu.memory_space<vmem>> -> memref<1x32xi32, #tpu.memory_space<vmem>>
          %dma_wait3A_706 = tpu.memref_squeeze %dma_wait3A_705 : memref<1x32xi32, #tpu.memory_space<vmem>> -> memref<32xi32, #tpu.memory_space<vmem>>
          %dma_wait3A_707 = arith.constant 0 : i32
          %dma_wait3A_708 = arith.constant 0 : i32
          %dma_wait3A_709 = tpu.memref_slice %arg2[%dma_wait3A_707, %dma_wait3A_708] : memref<1000000x32xf32, #tpu.memory_space<hbm>> -> memref<1000000x32xf32, #tpu.memory_space<hbm>>
          tpu.wait_indirect_dma semaphore(%run_scoped3A_443 : memref<!tpu.dma_semaphore, #tpu.memory_space<semaphore_mem>>) src(%dma_wait3A_709 : memref<1000000x32xf32, #tpu.memory_space<hbm>>) dst(%run_scoped3A_427 : memref<32x32xf32, #tpu.memory_space<vmem>>)
          %parallel_loop3A_710 = arith.constant 0 : i32
          %parallel_loop3A_711 = arith.constant 64 : i32
          %parallel_loop3A_712 = arith.constant 1 : i32
          scf.for %parallel_loop3A_853 = %parallel_loop3A_710 to %parallel_loop3A_711 step %parallel_loop3A_712  : i32 {
            %parallel_loop3A_854 = arith.constant 4 : i32
            %parallel_loop3A_855 = arith.shrsi %parallel_loop3A_853, %parallel_loop3A_854 : i32
            %parallel_loop3A_856 = arith.constant 1 : i32
            %parallel_loop3A_857 = arith.shrsi %parallel_loop3A_853, %parallel_loop3A_856 : i32
            %parallel_loop3A_858 = arith.constant 7 : i32
            %parallel_loop3A_859 = arith.andi %parallel_loop3A_857, %parallel_loop3A_858 : i32
            %parallel_loop3A_860 = arith.constant 1 : i32
            %parallel_loop3A_861 = arith.andi %parallel_loop3A_853, %parallel_loop3A_860 : i32
            %parallel_loop3A_862 = arith.constant 16 : i32
            %parallel_loop3A_863 = arith.muli %parallel_loop3A_861, %parallel_loop3A_862 : i32
            %parallel_loop3A_864 = vector.broadcast %parallel_loop3A_863 : i32 to vector<16xi32>
            %parallel_loop3A_865 = arith.addi %parallel_loop3A_864, %iota3A : vector<16xi32>
            %parallel_loop3A_866 = arith.constant 8 : i32
            %parallel_loop3A_867 = arith.muli %parallel_loop3A_855, %parallel_loop3A_866 : i32
            %parallel_loop3A_868 = arith.addi %parallel_loop3A_867, %parallel_loop3A_859 : i32
            %parallel_loop3A_869 = vector.broadcast %parallel_loop3A_868 : i32 to vector<16xi32>
            %parallel_loop3A_870 = tpu.vector_load_idx %run_scoped3A_427[%parallel_loop3A_865, %parallel_loop3A_869] : memref<32x32xf32, #tpu.memory_space<vmem>>[vector<16xi32>, vector<16xi32>], vector<16xf32>,
            %parallel_loop3A_871 = arith.constant 2 : i32
            %parallel_loop3A_872 = arith.addi %parallel_loop3A_871, %parallel_loop3A_861 : i32
            %parallel_loop3A_873 = arith.constant 16 : i32
            %parallel_loop3A_874 = arith.muli %parallel_loop3A_872, %parallel_loop3A_873 : i32
            %parallel_loop3A_875 = arith.constant 0 : i32
            %parallel_loop3A_876 = arith.constant 1 : i32
            %parallel_loop3A_877 = arith.constant 0 : i32
            %parallel_loop3A_878 = arith.constant 0 : i32
            %parallel_loop3A_879 = arith.constant 0 : i32
            %parallel_loop3A_880 = arith.constant 0 : i32
            %parallel_loop3A_881 = arith.constant 0 : i32
            %parallel_loop3A_882 = tpu.memref_slice %run_scoped3A_8[%rem3A_330, %parallel_loop3A_877, %parallel_loop3A_878, %parallel_loop3A_879, %parallel_loop3A_880, %parallel_loop3A_881] : memref<2x1x4x4x8x128xf32, #tpu.memory_space<vmem>> -> memref<1x1x4x4x8x128xf32, #tpu.memory_space<vmem>>
            %parallel_loop3A_883 = tpu.memref_squeeze %parallel_loop3A_882 : memref<1x1x4x4x8x128xf32, #tpu.memory_space<vmem>> -> memref<1x4x4x8x128xf32, #tpu.memory_space<vmem>>
            %parallel_loop3A_884 = arith.index_cast %parallel_loop3A_875 : i32 to index
            %parallel_loop3A_885 = arith.index_cast %parallel_loop3A_855 : i32 to index
            %parallel_loop3A_886 = arith.index_cast %parallel_loop3A_876 : i32 to index
            %parallel_loop3A_887 = arith.index_cast %parallel_loop3A_859 : i32 to index
            %parallel_loop3A_888 = arith.index_cast %parallel_loop3A_874 : i32 to index
            %parallel_loop3A_889 = tpu.vector_load %parallel_loop3A_883[%parallel_loop3A_884, %parallel_loop3A_885, %parallel_loop3A_886, %parallel_loop3A_887, %parallel_loop3A_888] {strides = array<i32>} : memref<1x4x4x8x128xf32, #tpu.memory_space<vmem>>, vector<16xf32>,
            tpu.vector_store %parallel_loop3A_883[%parallel_loop3A_884, %parallel_loop3A_885, %parallel_loop3A_886, %parallel_loop3A_887, %parallel_loop3A_888], %parallel_loop3A_870 {strides = array<i32>} : memref<1x4x4x8x128xf32, #tpu.memory_space<vmem>>, vector<16xf32>,
          } {sc.loop_unroll_factor = 8 : i64, sc.parallel_access}
          %dma_wait3A_713 = arith.constant 0 : i32
          %dma_wait3A_714 = arith.constant 0 : i32
          %dma_wait3A_715 = arith.constant 0 : i32
          %dma_wait3A_716 = tpu.memref_slice %run_scoped3A[%rem3A_328, %dma_wait3A_714, %dma_wait3A_715] : memref<2x1x512xi32, #tpu.memory_space<vmem>> -> memref<1x1x512xi32, #tpu.memory_space<vmem>>
          %dma_wait3A_717 = tpu.memref_squeeze %dma_wait3A_716 : memref<1x1x512xi32, #tpu.memory_space<vmem>> -> memref<1x512xi32, #tpu.memory_space<vmem>>
          %dma_wait3A_718 = arith.constant 192 : i32
          %dma_wait3A_719 = tpu.memref_slice %dma_wait3A_717[%dma_wait3A_713, %dma_wait3A_718] : memref<1x512xi32, #tpu.memory_space<vmem>> -> memref<1x32xi32, #tpu.memory_space<vmem>>
          %dma_wait3A_720 = tpu.memref_squeeze %dma_wait3A_719 : memref<1x32xi32, #tpu.memory_space<vmem>> -> memref<32xi32, #tpu.memory_space<vmem>>
          %dma_wait3A_721 = arith.constant 0 : i32
          %dma_wait3A_722 = arith.constant 0 : i32
          %dma_wait3A_723 = tpu.memref_slice %arg2[%dma_wait3A_721, %dma_wait3A_722] : memref<1000000x32xf32, #tpu.memory_space<hbm>> -> memref<1000000x32xf32, #tpu.memory_space<hbm>>
          tpu.wait_indirect_dma semaphore(%run_scoped3A_444 : memref<!tpu.dma_semaphore, #tpu.memory_space<semaphore_mem>>) src(%dma_wait3A_723 : memref<1000000x32xf32, #tpu.memory_space<hbm>>) dst(%run_scoped3A_428 : memref<32x32xf32, #tpu.memory_space<vmem>>)
          %parallel_loop3A_724 = arith.constant 0 : i32
          %parallel_loop3A_725 = arith.constant 64 : i32
          %parallel_loop3A_726 = arith.constant 1 : i32
          scf.for %parallel_loop3A_853 = %parallel_loop3A_724 to %parallel_loop3A_725 step %parallel_loop3A_726  : i32 {
            %parallel_loop3A_854 = arith.constant 4 : i32
            %parallel_loop3A_855 = arith.shrsi %parallel_loop3A_853, %parallel_loop3A_854 : i32
            %parallel_loop3A_856 = arith.constant 1 : i32
            %parallel_loop3A_857 = arith.shrsi %parallel_loop3A_853, %parallel_loop3A_856 : i32
            %parallel_loop3A_858 = arith.constant 7 : i32
            %parallel_loop3A_859 = arith.andi %parallel_loop3A_857, %parallel_loop3A_858 : i32
            %parallel_loop3A_860 = arith.constant 1 : i32
            %parallel_loop3A_861 = arith.andi %parallel_loop3A_853, %parallel_loop3A_860 : i32
            %parallel_loop3A_862 = arith.constant 16 : i32
            %parallel_loop3A_863 = arith.muli %parallel_loop3A_861, %parallel_loop3A_862 : i32
            %parallel_loop3A_864 = vector.broadcast %parallel_loop3A_863 : i32 to vector<16xi32>
            %parallel_loop3A_865 = arith.addi %parallel_loop3A_864, %iota3A : vector<16xi32>
            %parallel_loop3A_866 = arith.constant 8 : i32
            %parallel_loop3A_867 = arith.muli %parallel_loop3A_855, %parallel_loop3A_866 : i32
            %parallel_loop3A_868 = arith.addi %parallel_loop3A_867, %parallel_loop3A_859 : i32
            %parallel_loop3A_869 = vector.broadcast %parallel_loop3A_868 : i32 to vector<16xi32>
            %parallel_loop3A_870 = tpu.vector_load_idx %run_scoped3A_428[%parallel_loop3A_865, %parallel_loop3A_869] : memref<32x32xf32, #tpu.memory_space<vmem>>[vector<16xi32>, vector<16xi32>], vector<16xf32>,
            %parallel_loop3A_871 = arith.constant 4 : i32
            %parallel_loop3A_872 = arith.addi %parallel_loop3A_871, %parallel_loop3A_861 : i32
            %parallel_loop3A_873 = arith.constant 16 : i32
            %parallel_loop3A_874 = arith.muli %parallel_loop3A_872, %parallel_loop3A_873 : i32
            %parallel_loop3A_875 = arith.constant 0 : i32
            %parallel_loop3A_876 = arith.constant 1 : i32
            %parallel_loop3A_877 = arith.constant 0 : i32
            %parallel_loop3A_878 = arith.constant 0 : i32
            %parallel_loop3A_879 = arith.constant 0 : i32
            %parallel_loop3A_880 = arith.constant 0 : i32
            %parallel_loop3A_881 = arith.constant 0 : i32
            %parallel_loop3A_882 = tpu.memref_slice %run_scoped3A_8[%rem3A_330, %parallel_loop3A_877, %parallel_loop3A_878, %parallel_loop3A_879, %parallel_loop3A_880, %parallel_loop3A_881] : memref<2x1x4x4x8x128xf32, #tpu.memory_space<vmem>> -> memref<1x1x4x4x8x128xf32, #tpu.memory_space<vmem>>
            %parallel_loop3A_883 = tpu.memref_squeeze %parallel_loop3A_882 : memref<1x1x4x4x8x128xf32, #tpu.memory_space<vmem>> -> memref<1x4x4x8x128xf32, #tpu.memory_space<vmem>>
            %parallel_loop3A_884 = arith.index_cast %parallel_loop3A_875 : i32 to index
            %parallel_loop3A_885 = arith.index_cast %parallel_loop3A_855 : i32 to index
            %parallel_loop3A_886 = arith.index_cast %parallel_loop3A_876 : i32 to index
            %parallel_loop3A_887 = arith.index_cast %parallel_loop3A_859 : i32 to index
            %parallel_loop3A_888 = arith.index_cast %parallel_loop3A_874 : i32 to index
            %parallel_loop3A_889 = tpu.vector_load %parallel_loop3A_883[%parallel_loop3A_884, %parallel_loop3A_885, %parallel_loop3A_886, %parallel_loop3A_887, %parallel_loop3A_888] {strides = array<i32>} : memref<1x4x4x8x128xf32, #tpu.memory_space<vmem>>, vector<16xf32>,
            tpu.vector_store %parallel_loop3A_883[%parallel_loop3A_884, %parallel_loop3A_885, %parallel_loop3A_886, %parallel_loop3A_887, %parallel_loop3A_888], %parallel_loop3A_870 {strides = array<i32>} : memref<1x4x4x8x128xf32, #tpu.memory_space<vmem>>, vector<16xf32>,
          } {sc.loop_unroll_factor = 8 : i64, sc.parallel_access}
          %dma_wait3A_727 = arith.constant 0 : i32
          %dma_wait3A_728 = arith.constant 0 : i32
          %dma_wait3A_729 = arith.constant 0 : i32
          %dma_wait3A_730 = tpu.memref_slice %run_scoped3A[%rem3A_328, %dma_wait3A_728, %dma_wait3A_729] : memref<2x1x512xi32, #tpu.memory_space<vmem>> -> memref<1x1x512xi32, #tpu.memory_space<vmem>>
          %dma_wait3A_731 = tpu.memref_squeeze %dma_wait3A_730 : memref<1x1x512xi32, #tpu.memory_space<vmem>> -> memref<1x512xi32, #tpu.memory_space<vmem>>
          %dma_wait3A_732 = arith.constant 224 : i32
          %dma_wait3A_733 = tpu.memref_slice %dma_wait3A_731[%dma_wait3A_727, %dma_wait3A_732] : memref<1x512xi32, #tpu.memory_space<vmem>> -> memref<1x32xi32, #tpu.memory_space<vmem>>
          %dma_wait3A_734 = tpu.memref_squeeze %dma_wait3A_733 : memref<1x32xi32, #tpu.memory_space<vmem>> -> memref<32xi32, #tpu.memory_space<vmem>>
          %dma_wait3A_735 = arith.constant 0 : i32
          %dma_wait3A_736 = arith.constant 0 : i32
          %dma_wait3A_737 = tpu.memref_slice %arg2[%dma_wait3A_735, %dma_wait3A_736] : memref<1000000x32xf32, #tpu.memory_space<hbm>> -> memref<1000000x32xf32, #tpu.memory_space<hbm>>
          tpu.wait_indirect_dma semaphore(%run_scoped3A_445 : memref<!tpu.dma_semaphore, #tpu.memory_space<semaphore_mem>>) src(%dma_wait3A_737 : memref<1000000x32xf32, #tpu.memory_space<hbm>>) dst(%run_scoped3A_429 : memref<32x32xf32, #tpu.memory_space<vmem>>)
          %parallel_loop3A_738 = arith.constant 0 : i32
          %parallel_loop3A_739 = arith.constant 64 : i32
          %parallel_loop3A_740 = arith.constant 1 : i32
          scf.for %parallel_loop3A_853 = %parallel_loop3A_738 to %parallel_loop3A_739 step %parallel_loop3A_740  : i32 {
            %parallel_loop3A_854 = arith.constant 4 : i32
            %parallel_loop3A_855 = arith.shrsi %parallel_loop3A_853, %parallel_loop3A_854 : i32
            %parallel_loop3A_856 = arith.constant 1 : i32
            %parallel_loop3A_857 = arith.shrsi %parallel_loop3A_853, %parallel_loop3A_856 : i32
            %parallel_loop3A_858 = arith.constant 7 : i32
            %parallel_loop3A_859 = arith.andi %parallel_loop3A_857, %parallel_loop3A_858 : i32
            %parallel_loop3A_860 = arith.constant 1 : i32
            %parallel_loop3A_861 = arith.andi %parallel_loop3A_853, %parallel_loop3A_860 : i32
            %parallel_loop3A_862 = arith.constant 16 : i32
            %parallel_loop3A_863 = arith.muli %parallel_loop3A_861, %parallel_loop3A_862 : i32
            %parallel_loop3A_864 = vector.broadcast %parallel_loop3A_863 : i32 to vector<16xi32>
            %parallel_loop3A_865 = arith.addi %parallel_loop3A_864, %iota3A : vector<16xi32>
            %parallel_loop3A_866 = arith.constant 8 : i32
            %parallel_loop3A_867 = arith.muli %parallel_loop3A_855, %parallel_loop3A_866 : i32
            %parallel_loop3A_868 = arith.addi %parallel_loop3A_867, %parallel_loop3A_859 : i32
            %parallel_loop3A_869 = vector.broadcast %parallel_loop3A_868 : i32 to vector<16xi32>
            %parallel_loop3A_870 = tpu.vector_load_idx %run_scoped3A_429[%parallel_loop3A_865, %parallel_loop3A_869] : memref<32x32xf32, #tpu.memory_space<vmem>>[vector<16xi32>, vector<16xi32>], vector<16xf32>,
            %parallel_loop3A_871 = arith.constant 6 : i32
            %parallel_loop3A_872 = arith.addi %parallel_loop3A_871, %parallel_loop3A_861 : i32
            %parallel_loop3A_873 = arith.constant 16 : i32
            %parallel_loop3A_874 = arith.muli %parallel_loop3A_872, %parallel_loop3A_873 : i32
            %parallel_loop3A_875 = arith.constant 0 : i32
            %parallel_loop3A_876 = arith.constant 1 : i32
            %parallel_loop3A_877 = arith.constant 0 : i32
            %parallel_loop3A_878 = arith.constant 0 : i32
            %parallel_loop3A_879 = arith.constant 0 : i32
            %parallel_loop3A_880 = arith.constant 0 : i32
            %parallel_loop3A_881 = arith.constant 0 : i32
            %parallel_loop3A_882 = tpu.memref_slice %run_scoped3A_8[%rem3A_330, %parallel_loop3A_877, %parallel_loop3A_878, %parallel_loop3A_879, %parallel_loop3A_880, %parallel_loop3A_881] : memref<2x1x4x4x8x128xf32, #tpu.memory_space<vmem>> -> memref<1x1x4x4x8x128xf32, #tpu.memory_space<vmem>>
            %parallel_loop3A_883 = tpu.memref_squeeze %parallel_loop3A_882 : memref<1x1x4x4x8x128xf32, #tpu.memory_space<vmem>> -> memref<1x4x4x8x128xf32, #tpu.memory_space<vmem>>
            %parallel_loop3A_884 = arith.index_cast %parallel_loop3A_875 : i32 to index
            %parallel_loop3A_885 = arith.index_cast %parallel_loop3A_855 : i32 to index
            %parallel_loop3A_886 = arith.index_cast %parallel_loop3A_876 : i32 to index
            %parallel_loop3A_887 = arith.index_cast %parallel_loop3A_859 : i32 to index
            %parallel_loop3A_888 = arith.index_cast %parallel_loop3A_874 : i32 to index
            %parallel_loop3A_889 = tpu.vector_load %parallel_loop3A_883[%parallel_loop3A_884, %parallel_loop3A_885, %parallel_loop3A_886, %parallel_loop3A_887, %parallel_loop3A_888] {strides = array<i32>} : memref<1x4x4x8x128xf32, #tpu.memory_space<vmem>>, vector<16xf32>,
            tpu.vector_store %parallel_loop3A_883[%parallel_loop3A_884, %parallel_loop3A_885, %parallel_loop3A_886, %parallel_loop3A_887, %parallel_loop3A_888], %parallel_loop3A_870 {strides = array<i32>} : memref<1x4x4x8x128xf32, #tpu.memory_space<vmem>>, vector<16xf32>,
          } {sc.loop_unroll_factor = 8 : i64, sc.parallel_access}
          %dma_wait3A_741 = arith.constant 0 : i32
          %dma_wait3A_742 = arith.constant 0 : i32
          %dma_wait3A_743 = arith.constant 0 : i32
          %dma_wait3A_744 = tpu.memref_slice %run_scoped3A[%rem3A_328, %dma_wait3A_742, %dma_wait3A_743] : memref<2x1x512xi32, #tpu.memory_space<vmem>> -> memref<1x1x512xi32, #tpu.memory_space<vmem>>
          %dma_wait3A_745 = tpu.memref_squeeze %dma_wait3A_744 : memref<1x1x512xi32, #tpu.memory_space<vmem>> -> memref<1x512xi32, #tpu.memory_space<vmem>>
          %dma_wait3A_746 = arith.constant 256 : i32
          %dma_wait3A_747 = tpu.memref_slice %dma_wait3A_745[%dma_wait3A_741, %dma_wait3A_746] : memref<1x512xi32, #tpu.memory_space<vmem>> -> memref<1x32xi32, #tpu.memory_space<vmem>>
          %dma_wait3A_748 = tpu.memref_squeeze %dma_wait3A_747 : memref<1x32xi32, #tpu.memory_space<vmem>> -> memref<32xi32, #tpu.memory_space<vmem>>
          %dma_wait3A_749 = arith.constant 0 : i32
          %dma_wait3A_750 = arith.constant 0 : i32
          %dma_wait3A_751 = tpu.memref_slice %arg2[%dma_wait3A_749, %dma_wait3A_750] : memref<1000000x32xf32, #tpu.memory_space<hbm>> -> memref<1000000x32xf32, #tpu.memory_space<hbm>>
          tpu.wait_indirect_dma semaphore(%run_scoped3A_446 : memref<!tpu.dma_semaphore, #tpu.memory_space<semaphore_mem>>) src(%dma_wait3A_751 : memref<1000000x32xf32, #tpu.memory_space<hbm>>) dst(%run_scoped3A_430 : memref<32x32xf32, #tpu.memory_space<vmem>>)
          %parallel_loop3A_752 = arith.constant 0 : i32
          %parallel_loop3A_753 = arith.constant 64 : i32
          %parallel_loop3A_754 = arith.constant 1 : i32
          scf.for %parallel_loop3A_853 = %parallel_loop3A_752 to %parallel_loop3A_753 step %parallel_loop3A_754  : i32 {
            %parallel_loop3A_854 = arith.constant 4 : i32
            %parallel_loop3A_855 = arith.shrsi %parallel_loop3A_853, %parallel_loop3A_854 : i32
            %parallel_loop3A_856 = arith.constant 1 : i32
            %parallel_loop3A_857 = arith.shrsi %parallel_loop3A_853, %parallel_loop3A_856 : i32
            %parallel_loop3A_858 = arith.constant 7 : i32
            %parallel_loop3A_859 = arith.andi %parallel_loop3A_857, %parallel_loop3A_858 : i32
            %parallel_loop3A_860 = arith.constant 1 : i32
            %parallel_loop3A_861 = arith.andi %parallel_loop3A_853, %parallel_loop3A_860 : i32
            %parallel_loop3A_862 = arith.constant 16 : i32
            %parallel_loop3A_863 = arith.muli %parallel_loop3A_861, %parallel_loop3A_862 : i32
            %parallel_loop3A_864 = vector.broadcast %parallel_loop3A_863 : i32 to vector<16xi32>
            %parallel_loop3A_865 = arith.addi %parallel_loop3A_864, %iota3A : vector<16xi32>
            %parallel_loop3A_866 = arith.constant 8 : i32
            %parallel_loop3A_867 = arith.muli %parallel_loop3A_855, %parallel_loop3A_866 : i32
            %parallel_loop3A_868 = arith.addi %parallel_loop3A_867, %parallel_loop3A_859 : i32
            %parallel_loop3A_869 = vector.broadcast %parallel_loop3A_868 : i32 to vector<16xi32>
            %parallel_loop3A_870 = tpu.vector_load_idx %run_scoped3A_430[%parallel_loop3A_865, %parallel_loop3A_869] : memref<32x32xf32, #tpu.memory_space<vmem>>[vector<16xi32>, vector<16xi32>], vector<16xf32>,
            %parallel_loop3A_871 = arith.constant 0 : i32
            %parallel_loop3A_872 = arith.addi %parallel_loop3A_871, %parallel_loop3A_861 : i32
            %parallel_loop3A_873 = arith.constant 16 : i32
            %parallel_loop3A_874 = arith.muli %parallel_loop3A_872, %parallel_loop3A_873 : i32
            %parallel_loop3A_875 = arith.constant 0 : i32
            %parallel_loop3A_876 = arith.constant 2 : i32
            %parallel_loop3A_877 = arith.constant 0 : i32
            %parallel_loop3A_878 = arith.constant 0 : i32
            %parallel_loop3A_879 = arith.constant 0 : i32
            %parallel_loop3A_880 = arith.constant 0 : i32
            %parallel_loop3A_881 = arith.constant 0 : i32
            %parallel_loop3A_882 = tpu.memref_slice %run_scoped3A_8[%rem3A_330, %parallel_loop3A_877, %parallel_loop3A_878, %parallel_loop3A_879, %parallel_loop3A_880, %parallel_loop3A_881] : memref<2x1x4x4x8x128xf32, #tpu.memory_space<vmem>> -> memref<1x1x4x4x8x128xf32, #tpu.memory_space<vmem>>
            %parallel_loop3A_883 = tpu.memref_squeeze %parallel_loop3A_882 : memref<1x1x4x4x8x128xf32, #tpu.memory_space<vmem>> -> memref<1x4x4x8x128xf32, #tpu.memory_space<vmem>>
            %parallel_loop3A_884 = arith.index_cast %parallel_loop3A_875 : i32 to index
            %parallel_loop3A_885 = arith.index_cast %parallel_loop3A_855 : i32 to index
            %parallel_loop3A_886 = arith.index_cast %parallel_loop3A_876 : i32 to index
            %parallel_loop3A_887 = arith.index_cast %parallel_loop3A_859 : i32 to index
            %parallel_loop3A_888 = arith.index_cast %parallel_loop3A_874 : i32 to index
            %parallel_loop3A_889 = tpu.vector_load %parallel_loop3A_883[%parallel_loop3A_884, %parallel_loop3A_885, %parallel_loop3A_886, %parallel_loop3A_887, %parallel_loop3A_888] {strides = array<i32>} : memref<1x4x4x8x128xf32, #tpu.memory_space<vmem>>, vector<16xf32>,
            tpu.vector_store %parallel_loop3A_883[%parallel_loop3A_884, %parallel_loop3A_885, %parallel_loop3A_886, %parallel_loop3A_887, %parallel_loop3A_888], %parallel_loop3A_870 {strides = array<i32>} : memref<1x4x4x8x128xf32, #tpu.memory_space<vmem>>, vector<16xf32>,
          } {sc.loop_unroll_factor = 8 : i64, sc.parallel_access}
          %dma_wait3A_755 = arith.constant 0 : i32
          %dma_wait3A_756 = arith.constant 0 : i32
          %dma_wait3A_757 = arith.constant 0 : i32
          %dma_wait3A_758 = tpu.memref_slice %run_scoped3A[%rem3A_328, %dma_wait3A_756, %dma_wait3A_757] : memref<2x1x512xi32, #tpu.memory_space<vmem>> -> memref<1x1x512xi32, #tpu.memory_space<vmem>>
          %dma_wait3A_759 = tpu.memref_squeeze %dma_wait3A_758 : memref<1x1x512xi32, #tpu.memory_space<vmem>> -> memref<1x512xi32, #tpu.memory_space<vmem>>
          %dma_wait3A_760 = arith.constant 288 : i32
          %dma_wait3A_761 = tpu.memref_slice %dma_wait3A_759[%dma_wait3A_755, %dma_wait3A_760] : memref<1x512xi32, #tpu.memory_space<vmem>> -> memref<1x32xi32, #tpu.memory_space<vmem>>
          %dma_wait3A_762 = tpu.memref_squeeze %dma_wait3A_761 : memref<1x32xi32, #tpu.memory_space<vmem>> -> memref<32xi32, #tpu.memory_space<vmem>>
          %dma_wait3A_763 = arith.constant 0 : i32
          %dma_wait3A_764 = arith.constant 0 : i32
          %dma_wait3A_765 = tpu.memref_slice %arg2[%dma_wait3A_763, %dma_wait3A_764] : memref<1000000x32xf32, #tpu.memory_space<hbm>> -> memref<1000000x32xf32, #tpu.memory_space<hbm>>
          tpu.wait_indirect_dma semaphore(%run_scoped3A_447 : memref<!tpu.dma_semaphore, #tpu.memory_space<semaphore_mem>>) src(%dma_wait3A_765 : memref<1000000x32xf32, #tpu.memory_space<hbm>>) dst(%run_scoped3A_431 : memref<32x32xf32, #tpu.memory_space<vmem>>)
          %parallel_loop3A_766 = arith.constant 0 : i32
          %parallel_loop3A_767 = arith.constant 64 : i32
          %parallel_loop3A_768 = arith.constant 1 : i32
          scf.for %parallel_loop3A_853 = %parallel_loop3A_766 to %parallel_loop3A_767 step %parallel_loop3A_768  : i32 {
            %parallel_loop3A_854 = arith.constant 4 : i32
            %parallel_loop3A_855 = arith.shrsi %parallel_loop3A_853, %parallel_loop3A_854 : i32
            %parallel_loop3A_856 = arith.constant 1 : i32
            %parallel_loop3A_857 = arith.shrsi %parallel_loop3A_853, %parallel_loop3A_856 : i32
            %parallel_loop3A_858 = arith.constant 7 : i32
            %parallel_loop3A_859 = arith.andi %parallel_loop3A_857, %parallel_loop3A_858 : i32
            %parallel_loop3A_860 = arith.constant 1 : i32
            %parallel_loop3A_861 = arith.andi %parallel_loop3A_853, %parallel_loop3A_860 : i32
            %parallel_loop3A_862 = arith.constant 16 : i32
            %parallel_loop3A_863 = arith.muli %parallel_loop3A_861, %parallel_loop3A_862 : i32
            %parallel_loop3A_864 = vector.broadcast %parallel_loop3A_863 : i32 to vector<16xi32>
            %parallel_loop3A_865 = arith.addi %parallel_loop3A_864, %iota3A : vector<16xi32>
            %parallel_loop3A_866 = arith.constant 8 : i32
            %parallel_loop3A_867 = arith.muli %parallel_loop3A_855, %parallel_loop3A_866 : i32
            %parallel_loop3A_868 = arith.addi %parallel_loop3A_867, %parallel_loop3A_859 : i32
            %parallel_loop3A_869 = vector.broadcast %parallel_loop3A_868 : i32 to vector<16xi32>
            %parallel_loop3A_870 = tpu.vector_load_idx %run_scoped3A_431[%parallel_loop3A_865, %parallel_loop3A_869] : memref<32x32xf32, #tpu.memory_space<vmem>>[vector<16xi32>, vector<16xi32>], vector<16xf32>,
            %parallel_loop3A_871 = arith.constant 2 : i32
            %parallel_loop3A_872 = arith.addi %parallel_loop3A_871, %parallel_loop3A_861 : i32
            %parallel_loop3A_873 = arith.constant 16 : i32
            %parallel_loop3A_874 = arith.muli %parallel_loop3A_872, %parallel_loop3A_873 : i32
            %parallel_loop3A_875 = arith.constant 0 : i32
            %parallel_loop3A_876 = arith.constant 2 : i32
            %parallel_loop3A_877 = arith.constant 0 : i32
            %parallel_loop3A_878 = arith.constant 0 : i32
            %parallel_loop3A_879 = arith.constant 0 : i32
            %parallel_loop3A_880 = arith.constant 0 : i32
            %parallel_loop3A_881 = arith.constant 0 : i32
            %parallel_loop3A_882 = tpu.memref_slice %run_scoped3A_8[%rem3A_330, %parallel_loop3A_877, %parallel_loop3A_878, %parallel_loop3A_879, %parallel_loop3A_880, %parallel_loop3A_881] : memref<2x1x4x4x8x128xf32, #tpu.memory_space<vmem>> -> memref<1x1x4x4x8x128xf32, #tpu.memory_space<vmem>>
            %parallel_loop3A_883 = tpu.memref_squeeze %parallel_loop3A_882 : memref<1x1x4x4x8x128xf32, #tpu.memory_space<vmem>> -> memref<1x4x4x8x128xf32, #tpu.memory_space<vmem>>
            %parallel_loop3A_884 = arith.index_cast %parallel_loop3A_875 : i32 to index
            %parallel_loop3A_885 = arith.index_cast %parallel_loop3A_855 : i32 to index
            %parallel_loop3A_886 = arith.index_cast %parallel_loop3A_876 : i32 to index
            %parallel_loop3A_887 = arith.index_cast %parallel_loop3A_859 : i32 to index
            %parallel_loop3A_888 = arith.index_cast %parallel_loop3A_874 : i32 to index
            %parallel_loop3A_889 = tpu.vector_load %parallel_loop3A_883[%parallel_loop3A_884, %parallel_loop3A_885, %parallel_loop3A_886, %parallel_loop3A_887, %parallel_loop3A_888] {strides = array<i32>} : memref<1x4x4x8x128xf32, #tpu.memory_space<vmem>>, vector<16xf32>,
            tpu.vector_store %parallel_loop3A_883[%parallel_loop3A_884, %parallel_loop3A_885, %parallel_loop3A_886, %parallel_loop3A_887, %parallel_loop3A_888], %parallel_loop3A_870 {strides = array<i32>} : memref<1x4x4x8x128xf32, #tpu.memory_space<vmem>>, vector<16xf32>,
          } {sc.loop_unroll_factor = 8 : i64, sc.parallel_access}
          %dma_wait3A_769 = arith.constant 0 : i32
          %dma_wait3A_770 = arith.constant 0 : i32
          %dma_wait3A_771 = arith.constant 0 : i32
          %dma_wait3A_772 = tpu.memref_slice %run_scoped3A[%rem3A_328, %dma_wait3A_770, %dma_wait3A_771] : memref<2x1x512xi32, #tpu.memory_space<vmem>> -> memref<1x1x512xi32, #tpu.memory_space<vmem>>
          %dma_wait3A_773 = tpu.memref_squeeze %dma_wait3A_772 : memref<1x1x512xi32, #tpu.memory_space<vmem>> -> memref<1x512xi32, #tpu.memory_space<vmem>>
          %dma_wait3A_774 = arith.constant 320 : i32
          %dma_wait3A_775 = tpu.memref_slice %dma_wait3A_773[%dma_wait3A_769, %dma_wait3A_774] : memref<1x512xi32, #tpu.memory_space<vmem>> -> memref<1x32xi32, #tpu.memory_space<vmem>>
          %dma_wait3A_776 = tpu.memref_squeeze %dma_wait3A_775 : memref<1x32xi32, #tpu.memory_space<vmem>> -> memref<32xi32, #tpu.memory_space<vmem>>
          %dma_wait3A_777 = arith.constant 0 : i32
          %dma_wait3A_778 = arith.constant 0 : i32
          %dma_wait3A_779 = tpu.memref_slice %arg2[%dma_wait3A_777, %dma_wait3A_778] : memref<1000000x32xf32, #tpu.memory_space<hbm>> -> memref<1000000x32xf32, #tpu.memory_space<hbm>>
          tpu.wait_indirect_dma semaphore(%run_scoped3A_448 : memref<!tpu.dma_semaphore, #tpu.memory_space<semaphore_mem>>) src(%dma_wait3A_779 : memref<1000000x32xf32, #tpu.memory_space<hbm>>) dst(%run_scoped3A_432 : memref<32x32xf32, #tpu.memory_space<vmem>>)
          %parallel_loop3A_780 = arith.constant 0 : i32
          %parallel_loop3A_781 = arith.constant 64 : i32
          %parallel_loop3A_782 = arith.constant 1 : i32
          scf.for %parallel_loop3A_853 = %parallel_loop3A_780 to %parallel_loop3A_781 step %parallel_loop3A_782  : i32 {
            %parallel_loop3A_854 = arith.constant 4 : i32
            %parallel_loop3A_855 = arith.shrsi %parallel_loop3A_853, %parallel_loop3A_854 : i32
            %parallel_loop3A_856 = arith.constant 1 : i32
            %parallel_loop3A_857 = arith.shrsi %parallel_loop3A_853, %parallel_loop3A_856 : i32
            %parallel_loop3A_858 = arith.constant 7 : i32
            %parallel_loop3A_859 = arith.andi %parallel_loop3A_857, %parallel_loop3A_858 : i32
            %parallel_loop3A_860 = arith.constant 1 : i32
            %parallel_loop3A_861 = arith.andi %parallel_loop3A_853, %parallel_loop3A_860 : i32
            %parallel_loop3A_862 = arith.constant 16 : i32
            %parallel_loop3A_863 = arith.muli %parallel_loop3A_861, %parallel_loop3A_862 : i32
            %parallel_loop3A_864 = vector.broadcast %parallel_loop3A_863 : i32 to vector<16xi32>
            %parallel_loop3A_865 = arith.addi %parallel_loop3A_864, %iota3A : vector<16xi32>
            %parallel_loop3A_866 = arith.constant 8 : i32
            %parallel_loop3A_867 = arith.muli %parallel_loop3A_855, %parallel_loop3A_866 : i32
            %parallel_loop3A_868 = arith.addi %parallel_loop3A_867, %parallel_loop3A_859 : i32
            %parallel_loop3A_869 = vector.broadcast %parallel_loop3A_868 : i32 to vector<16xi32>
            %parallel_loop3A_870 = tpu.vector_load_idx %run_scoped3A_432[%parallel_loop3A_865, %parallel_loop3A_869] : memref<32x32xf32, #tpu.memory_space<vmem>>[vector<16xi32>, vector<16xi32>], vector<16xf32>,
            %parallel_loop3A_871 = arith.constant 4 : i32
            %parallel_loop3A_872 = arith.addi %parallel_loop3A_871, %parallel_loop3A_861 : i32
            %parallel_loop3A_873 = arith.constant 16 : i32
            %parallel_loop3A_874 = arith.muli %parallel_loop3A_872, %parallel_loop3A_873 : i32
            %parallel_loop3A_875 = arith.constant 0 : i32
            %parallel_loop3A_876 = arith.constant 2 : i32
            %parallel_loop3A_877 = arith.constant 0 : i32
            %parallel_loop3A_878 = arith.constant 0 : i32
            %parallel_loop3A_879 = arith.constant 0 : i32
            %parallel_loop3A_880 = arith.constant 0 : i32
            %parallel_loop3A_881 = arith.constant 0 : i32
            %parallel_loop3A_882 = tpu.memref_slice %run_scoped3A_8[%rem3A_330, %parallel_loop3A_877, %parallel_loop3A_878, %parallel_loop3A_879, %parallel_loop3A_880, %parallel_loop3A_881] : memref<2x1x4x4x8x128xf32, #tpu.memory_space<vmem>> -> memref<1x1x4x4x8x128xf32, #tpu.memory_space<vmem>>
            %parallel_loop3A_883 = tpu.memref_squeeze %parallel_loop3A_882 : memref<1x1x4x4x8x128xf32, #tpu.memory_space<vmem>> -> memref<1x4x4x8x128xf32, #tpu.memory_space<vmem>>
            %parallel_loop3A_884 = arith.index_cast %parallel_loop3A_875 : i32 to index
            %parallel_loop3A_885 = arith.index_cast %parallel_loop3A_855 : i32 to index
            %parallel_loop3A_886 = arith.index_cast %parallel_loop3A_876 : i32 to index
            %parallel_loop3A_887 = arith.index_cast %parallel_loop3A_859 : i32 to index
            %parallel_loop3A_888 = arith.index_cast %parallel_loop3A_874 : i32 to index
            %parallel_loop3A_889 = tpu.vector_load %parallel_loop3A_883[%parallel_loop3A_884, %parallel_loop3A_885, %parallel_loop3A_886, %parallel_loop3A_887, %parallel_loop3A_888] {strides = array<i32>} : memref<1x4x4x8x128xf32, #tpu.memory_space<vmem>>, vector<16xf32>,
            tpu.vector_store %parallel_loop3A_883[%parallel_loop3A_884, %parallel_loop3A_885, %parallel_loop3A_886, %parallel_loop3A_887, %parallel_loop3A_888], %parallel_loop3A_870 {strides = array<i32>} : memref<1x4x4x8x128xf32, #tpu.memory_space<vmem>>, vector<16xf32>,
          } {sc.loop_unroll_factor = 8 : i64, sc.parallel_access}
          %dma_wait3A_783 = arith.constant 0 : i32
          %dma_wait3A_784 = arith.constant 0 : i32
          %dma_wait3A_785 = arith.constant 0 : i32
          %dma_wait3A_786 = tpu.memref_slice %run_scoped3A[%rem3A_328, %dma_wait3A_784, %dma_wait3A_785] : memref<2x1x512xi32, #tpu.memory_space<vmem>> -> memref<1x1x512xi32, #tpu.memory_space<vmem>>
          %dma_wait3A_787 = tpu.memref_squeeze %dma_wait3A_786 : memref<1x1x512xi32, #tpu.memory_space<vmem>> -> memref<1x512xi32, #tpu.memory_space<vmem>>
          %dma_wait3A_788 = arith.constant 352 : i32
          %dma_wait3A_789 = tpu.memref_slice %dma_wait3A_787[%dma_wait3A_783, %dma_wait3A_788] : memref<1x512xi32, #tpu.memory_space<vmem>> -> memref<1x32xi32, #tpu.memory_space<vmem>>
          %dma_wait3A_790 = tpu.memref_squeeze %dma_wait3A_789 : memref<1x32xi32, #tpu.memory_space<vmem>> -> memref<32xi32, #tpu.memory_space<vmem>>
          %dma_wait3A_791 = arith.constant 0 : i32
          %dma_wait3A_792 = arith.constant 0 : i32
          %dma_wait3A_793 = tpu.memref_slice %arg2[%dma_wait3A_791, %dma_wait3A_792] : memref<1000000x32xf32, #tpu.memory_space<hbm>> -> memref<1000000x32xf32, #tpu.memory_space<hbm>>
          tpu.wait_indirect_dma semaphore(%run_scoped3A_449 : memref<!tpu.dma_semaphore, #tpu.memory_space<semaphore_mem>>) src(%dma_wait3A_793 : memref<1000000x32xf32, #tpu.memory_space<hbm>>) dst(%run_scoped3A_433 : memref<32x32xf32, #tpu.memory_space<vmem>>)
          %parallel_loop3A_794 = arith.constant 0 : i32
          %parallel_loop3A_795 = arith.constant 64 : i32
          %parallel_loop3A_796 = arith.constant 1 : i32
          scf.for %parallel_loop3A_853 = %parallel_loop3A_794 to %parallel_loop3A_795 step %parallel_loop3A_796  : i32 {
            %parallel_loop3A_854 = arith.constant 4 : i32
            %parallel_loop3A_855 = arith.shrsi %parallel_loop3A_853, %parallel_loop3A_854 : i32
            %parallel_loop3A_856 = arith.constant 1 : i32
            %parallel_loop3A_857 = arith.shrsi %parallel_loop3A_853, %parallel_loop3A_856 : i32
            %parallel_loop3A_858 = arith.constant 7 : i32
            %parallel_loop3A_859 = arith.andi %parallel_loop3A_857, %parallel_loop3A_858 : i32
            %parallel_loop3A_860 = arith.constant 1 : i32
            %parallel_loop3A_861 = arith.andi %parallel_loop3A_853, %parallel_loop3A_860 : i32
            %parallel_loop3A_862 = arith.constant 16 : i32
            %parallel_loop3A_863 = arith.muli %parallel_loop3A_861, %parallel_loop3A_862 : i32
            %parallel_loop3A_864 = vector.broadcast %parallel_loop3A_863 : i32 to vector<16xi32>
            %parallel_loop3A_865 = arith.addi %parallel_loop3A_864, %iota3A : vector<16xi32>
            %parallel_loop3A_866 = arith.constant 8 : i32
            %parallel_loop3A_867 = arith.muli %parallel_loop3A_855, %parallel_loop3A_866 : i32
            %parallel_loop3A_868 = arith.addi %parallel_loop3A_867, %parallel_loop3A_859 : i32
            %parallel_loop3A_869 = vector.broadcast %parallel_loop3A_868 : i32 to vector<16xi32>
            %parallel_loop3A_870 = tpu.vector_load_idx %run_scoped3A_433[%parallel_loop3A_865, %parallel_loop3A_869] : memref<32x32xf32, #tpu.memory_space<vmem>>[vector<16xi32>, vector<16xi32>], vector<16xf32>,
            %parallel_loop3A_871 = arith.constant 6 : i32
            %parallel_loop3A_872 = arith.addi %parallel_loop3A_871, %parallel_loop3A_861 : i32
            %parallel_loop3A_873 = arith.constant 16 : i32
            %parallel_loop3A_874 = arith.muli %parallel_loop3A_872, %parallel_loop3A_873 : i32
            %parallel_loop3A_875 = arith.constant 0 : i32
            %parallel_loop3A_876 = arith.constant 2 : i32
            %parallel_loop3A_877 = arith.constant 0 : i32
            %parallel_loop3A_878 = arith.constant 0 : i32
            %parallel_loop3A_879 = arith.constant 0 : i32
            %parallel_loop3A_880 = arith.constant 0 : i32
            %parallel_loop3A_881 = arith.constant 0 : i32
            %parallel_loop3A_882 = tpu.memref_slice %run_scoped3A_8[%rem3A_330, %parallel_loop3A_877, %parallel_loop3A_878, %parallel_loop3A_879, %parallel_loop3A_880, %parallel_loop3A_881] : memref<2x1x4x4x8x128xf32, #tpu.memory_space<vmem>> -> memref<1x1x4x4x8x128xf32, #tpu.memory_space<vmem>>
            %parallel_loop3A_883 = tpu.memref_squeeze %parallel_loop3A_882 : memref<1x1x4x4x8x128xf32, #tpu.memory_space<vmem>> -> memref<1x4x4x8x128xf32, #tpu.memory_space<vmem>>
            %parallel_loop3A_884 = arith.index_cast %parallel_loop3A_875 : i32 to index
            %parallel_loop3A_885 = arith.index_cast %parallel_loop3A_855 : i32 to index
            %parallel_loop3A_886 = arith.index_cast %parallel_loop3A_876 : i32 to index
            %parallel_loop3A_887 = arith.index_cast %parallel_loop3A_859 : i32 to index
            %parallel_loop3A_888 = arith.index_cast %parallel_loop3A_874 : i32 to index
            %parallel_loop3A_889 = tpu.vector_load %parallel_loop3A_883[%parallel_loop3A_884, %parallel_loop3A_885, %parallel_loop3A_886, %parallel_loop3A_887, %parallel_loop3A_888] {strides = array<i32>} : memref<1x4x4x8x128xf32, #tpu.memory_space<vmem>>, vector<16xf32>,
            tpu.vector_store %parallel_loop3A_883[%parallel_loop3A_884, %parallel_loop3A_885, %parallel_loop3A_886, %parallel_loop3A_887, %parallel_loop3A_888], %parallel_loop3A_870 {strides = array<i32>} : memref<1x4x4x8x128xf32, #tpu.memory_space<vmem>>, vector<16xf32>,
          } {sc.loop_unroll_factor = 8 : i64, sc.parallel_access}
          %dma_wait3A_797 = arith.constant 0 : i32
          %dma_wait3A_798 = arith.constant 0 : i32
          %dma_wait3A_799 = arith.constant 0 : i32
          %dma_wait3A_800 = tpu.memref_slice %run_scoped3A[%rem3A_328, %dma_wait3A_798, %dma_wait3A_799] : memref<2x1x512xi32, #tpu.memory_space<vmem>> -> memref<1x1x512xi32, #tpu.memory_space<vmem>>
          %dma_wait3A_801 = tpu.memref_squeeze %dma_wait3A_800 : memref<1x1x512xi32, #tpu.memory_space<vmem>> -> memref<1x512xi32, #tpu.memory_space<vmem>>
          %dma_wait3A_802 = arith.constant 384 : i32
          %dma_wait3A_803 = tpu.memref_slice %dma_wait3A_801[%dma_wait3A_797, %dma_wait3A_802] : memref<1x512xi32, #tpu.memory_space<vmem>> -> memref<1x32xi32, #tpu.memory_space<vmem>>
          %dma_wait3A_804 = tpu.memref_squeeze %dma_wait3A_803 : memref<1x32xi32, #tpu.memory_space<vmem>> -> memref<32xi32, #tpu.memory_space<vmem>>
          %dma_wait3A_805 = arith.constant 0 : i32
          %dma_wait3A_806 = arith.constant 0 : i32
          %dma_wait3A_807 = tpu.memref_slice %arg2[%dma_wait3A_805, %dma_wait3A_806] : memref<1000000x32xf32, #tpu.memory_space<hbm>> -> memref<1000000x32xf32, #tpu.memory_space<hbm>>
          tpu.wait_indirect_dma semaphore(%run_scoped3A_450 : memref<!tpu.dma_semaphore, #tpu.memory_space<semaphore_mem>>) src(%dma_wait3A_807 : memref<1000000x32xf32, #tpu.memory_space<hbm>>) dst(%run_scoped3A_434 : memref<32x32xf32, #tpu.memory_space<vmem>>)
          %parallel_loop3A_808 = arith.constant 0 : i32
          %parallel_loop3A_809 = arith.constant 64 : i32
          %parallel_loop3A_810 = arith.constant 1 : i32
          scf.for %parallel_loop3A_853 = %parallel_loop3A_808 to %parallel_loop3A_809 step %parallel_loop3A_810  : i32 {
            %parallel_loop3A_854 = arith.constant 4 : i32
            %parallel_loop3A_855 = arith.shrsi %parallel_loop3A_853, %parallel_loop3A_854 : i32
            %parallel_loop3A_856 = arith.constant 1 : i32
            %parallel_loop3A_857 = arith.shrsi %parallel_loop3A_853, %parallel_loop3A_856 : i32
            %parallel_loop3A_858 = arith.constant 7 : i32
            %parallel_loop3A_859 = arith.andi %parallel_loop3A_857, %parallel_loop3A_858 : i32
            %parallel_loop3A_860 = arith.constant 1 : i32
            %parallel_loop3A_861 = arith.andi %parallel_loop3A_853, %parallel_loop3A_860 : i32
            %parallel_loop3A_862 = arith.constant 16 : i32
            %parallel_loop3A_863 = arith.muli %parallel_loop3A_861, %parallel_loop3A_862 : i32
            %parallel_loop3A_864 = vector.broadcast %parallel_loop3A_863 : i32 to vector<16xi32>
            %parallel_loop3A_865 = arith.addi %parallel_loop3A_864, %iota3A : vector<16xi32>
            %parallel_loop3A_866 = arith.constant 8 : i32
            %parallel_loop3A_867 = arith.muli %parallel_loop3A_855, %parallel_loop3A_866 : i32
            %parallel_loop3A_868 = arith.addi %parallel_loop3A_867, %parallel_loop3A_859 : i32
            %parallel_loop3A_869 = vector.broadcast %parallel_loop3A_868 : i32 to vector<16xi32>
            %parallel_loop3A_870 = tpu.vector_load_idx %run_scoped3A_434[%parallel_loop3A_865, %parallel_loop3A_869] : memref<32x32xf32, #tpu.memory_space<vmem>>[vector<16xi32>, vector<16xi32>], vector<16xf32>,
            %parallel_loop3A_871 = arith.constant 0 : i32
            %parallel_loop3A_872 = arith.addi %parallel_loop3A_871, %parallel_loop3A_861 : i32
            %parallel_loop3A_873 = arith.constant 16 : i32
            %parallel_loop3A_874 = arith.muli %parallel_loop3A_872, %parallel_loop3A_873 : i32
            %parallel_loop3A_875 = arith.constant 0 : i32
            %parallel_loop3A_876 = arith.constant 3 : i32
            %parallel_loop3A_877 = arith.constant 0 : i32
            %parallel_loop3A_878 = arith.constant 0 : i32
            %parallel_loop3A_879 = arith.constant 0 : i32
            %parallel_loop3A_880 = arith.constant 0 : i32
            %parallel_loop3A_881 = arith.constant 0 : i32
            %parallel_loop3A_882 = tpu.memref_slice %run_scoped3A_8[%rem3A_330, %parallel_loop3A_877, %parallel_loop3A_878, %parallel_loop3A_879, %parallel_loop3A_880, %parallel_loop3A_881] : memref<2x1x4x4x8x128xf32, #tpu.memory_space<vmem>> -> memref<1x1x4x4x8x128xf32, #tpu.memory_space<vmem>>
            %parallel_loop3A_883 = tpu.memref_squeeze %parallel_loop3A_882 : memref<1x1x4x4x8x128xf32, #tpu.memory_space<vmem>> -> memref<1x4x4x8x128xf32, #tpu.memory_space<vmem>>
            %parallel_loop3A_884 = arith.index_cast %parallel_loop3A_875 : i32 to index
            %parallel_loop3A_885 = arith.index_cast %parallel_loop3A_855 : i32 to index
            %parallel_loop3A_886 = arith.index_cast %parallel_loop3A_876 : i32 to index
            %parallel_loop3A_887 = arith.index_cast %parallel_loop3A_859 : i32 to index
            %parallel_loop3A_888 = arith.index_cast %parallel_loop3A_874 : i32 to index
            %parallel_loop3A_889 = tpu.vector_load %parallel_loop3A_883[%parallel_loop3A_884, %parallel_loop3A_885, %parallel_loop3A_886, %parallel_loop3A_887, %parallel_loop3A_888] {strides = array<i32>} : memref<1x4x4x8x128xf32, #tpu.memory_space<vmem>>, vector<16xf32>,
            tpu.vector_store %parallel_loop3A_883[%parallel_loop3A_884, %parallel_loop3A_885, %parallel_loop3A_886, %parallel_loop3A_887, %parallel_loop3A_888], %parallel_loop3A_870 {strides = array<i32>} : memref<1x4x4x8x128xf32, #tpu.memory_space<vmem>>, vector<16xf32>,
          } {sc.loop_unroll_factor = 8 : i64, sc.parallel_access}
          %dma_wait3A_811 = arith.constant 0 : i32
          %dma_wait3A_812 = arith.constant 0 : i32
          %dma_wait3A_813 = arith.constant 0 : i32
          %dma_wait3A_814 = tpu.memref_slice %run_scoped3A[%rem3A_328, %dma_wait3A_812, %dma_wait3A_813] : memref<2x1x512xi32, #tpu.memory_space<vmem>> -> memref<1x1x512xi32, #tpu.memory_space<vmem>>
          %dma_wait3A_815 = tpu.memref_squeeze %dma_wait3A_814 : memref<1x1x512xi32, #tpu.memory_space<vmem>> -> memref<1x512xi32, #tpu.memory_space<vmem>>
          %dma_wait3A_816 = arith.constant 416 : i32
          %dma_wait3A_817 = tpu.memref_slice %dma_wait3A_815[%dma_wait3A_811, %dma_wait3A_816] : memref<1x512xi32, #tpu.memory_space<vmem>> -> memref<1x32xi32, #tpu.memory_space<vmem>>
          %dma_wait3A_818 = tpu.memref_squeeze %dma_wait3A_817 : memref<1x32xi32, #tpu.memory_space<vmem>> -> memref<32xi32, #tpu.memory_space<vmem>>
          %dma_wait3A_819 = arith.constant 0 : i32
          %dma_wait3A_820 = arith.constant 0 : i32
          %dma_wait3A_821 = tpu.memref_slice %arg2[%dma_wait3A_819, %dma_wait3A_820] : memref<1000000x32xf32, #tpu.memory_space<hbm>> -> memref<1000000x32xf32, #tpu.memory_space<hbm>>
          tpu.wait_indirect_dma semaphore(%run_scoped3A_451 : memref<!tpu.dma_semaphore, #tpu.memory_space<semaphore_mem>>) src(%dma_wait3A_821 : memref<1000000x32xf32, #tpu.memory_space<hbm>>) dst(%run_scoped3A_435 : memref<32x32xf32, #tpu.memory_space<vmem>>)
          %parallel_loop3A_822 = arith.constant 0 : i32
          %parallel_loop3A_823 = arith.constant 64 : i32
          %parallel_loop3A_824 = arith.constant 1 : i32
          scf.for %parallel_loop3A_853 = %parallel_loop3A_822 to %parallel_loop3A_823 step %parallel_loop3A_824  : i32 {
            %parallel_loop3A_854 = arith.constant 4 : i32
            %parallel_loop3A_855 = arith.shrsi %parallel_loop3A_853, %parallel_loop3A_854 : i32
            %parallel_loop3A_856 = arith.constant 1 : i32
            %parallel_loop3A_857 = arith.shrsi %parallel_loop3A_853, %parallel_loop3A_856 : i32
            %parallel_loop3A_858 = arith.constant 7 : i32
            %parallel_loop3A_859 = arith.andi %parallel_loop3A_857, %parallel_loop3A_858 : i32
            %parallel_loop3A_860 = arith.constant 1 : i32
            %parallel_loop3A_861 = arith.andi %parallel_loop3A_853, %parallel_loop3A_860 : i32
            %parallel_loop3A_862 = arith.constant 16 : i32
            %parallel_loop3A_863 = arith.muli %parallel_loop3A_861, %parallel_loop3A_862 : i32
            %parallel_loop3A_864 = vector.broadcast %parallel_loop3A_863 : i32 to vector<16xi32>
            %parallel_loop3A_865 = arith.addi %parallel_loop3A_864, %iota3A : vector<16xi32>
            %parallel_loop3A_866 = arith.constant 8 : i32
            %parallel_loop3A_867 = arith.muli %parallel_loop3A_855, %parallel_loop3A_866 : i32
            %parallel_loop3A_868 = arith.addi %parallel_loop3A_867, %parallel_loop3A_859 : i32
            %parallel_loop3A_869 = vector.broadcast %parallel_loop3A_868 : i32 to vector<16xi32>
            %parallel_loop3A_870 = tpu.vector_load_idx %run_scoped3A_435[%parallel_loop3A_865, %parallel_loop3A_869] : memref<32x32xf32, #tpu.memory_space<vmem>>[vector<16xi32>, vector<16xi32>], vector<16xf32>,
            %parallel_loop3A_871 = arith.constant 2 : i32
            %parallel_loop3A_872 = arith.addi %parallel_loop3A_871, %parallel_loop3A_861 : i32
            %parallel_loop3A_873 = arith.constant 16 : i32
            %parallel_loop3A_874 = arith.muli %parallel_loop3A_872, %parallel_loop3A_873 : i32
            %parallel_loop3A_875 = arith.constant 0 : i32
            %parallel_loop3A_876 = arith.constant 3 : i32
            %parallel_loop3A_877 = arith.constant 0 : i32
            %parallel_loop3A_878 = arith.constant 0 : i32
            %parallel_loop3A_879 = arith.constant 0 : i32
            %parallel_loop3A_880 = arith.constant 0 : i32
            %parallel_loop3A_881 = arith.constant 0 : i32
            %parallel_loop3A_882 = tpu.memref_slice %run_scoped3A_8[%rem3A_330, %parallel_loop3A_877, %parallel_loop3A_878, %parallel_loop3A_879, %parallel_loop3A_880, %parallel_loop3A_881] : memref<2x1x4x4x8x128xf32, #tpu.memory_space<vmem>> -> memref<1x1x4x4x8x128xf32, #tpu.memory_space<vmem>>
            %parallel_loop3A_883 = tpu.memref_squeeze %parallel_loop3A_882 : memref<1x1x4x4x8x128xf32, #tpu.memory_space<vmem>> -> memref<1x4x4x8x128xf32, #tpu.memory_space<vmem>>
            %parallel_loop3A_884 = arith.index_cast %parallel_loop3A_875 : i32 to index
            %parallel_loop3A_885 = arith.index_cast %parallel_loop3A_855 : i32 to index
            %parallel_loop3A_886 = arith.index_cast %parallel_loop3A_876 : i32 to index
            %parallel_loop3A_887 = arith.index_cast %parallel_loop3A_859 : i32 to index
            %parallel_loop3A_888 = arith.index_cast %parallel_loop3A_874 : i32 to index
            %parallel_loop3A_889 = tpu.vector_load %parallel_loop3A_883[%parallel_loop3A_884, %parallel_loop3A_885, %parallel_loop3A_886, %parallel_loop3A_887, %parallel_loop3A_888] {strides = array<i32>} : memref<1x4x4x8x128xf32, #tpu.memory_space<vmem>>, vector<16xf32>,
            tpu.vector_store %parallel_loop3A_883[%parallel_loop3A_884, %parallel_loop3A_885, %parallel_loop3A_886, %parallel_loop3A_887, %parallel_loop3A_888], %parallel_loop3A_870 {strides = array<i32>} : memref<1x4x4x8x128xf32, #tpu.memory_space<vmem>>, vector<16xf32>,
          } {sc.loop_unroll_factor = 8 : i64, sc.parallel_access}
          %dma_wait3A_825 = arith.constant 0 : i32
          %dma_wait3A_826 = arith.constant 0 : i32
          %dma_wait3A_827 = arith.constant 0 : i32
          %dma_wait3A_828 = tpu.memref_slice %run_scoped3A[%rem3A_328, %dma_wait3A_826, %dma_wait3A_827] : memref<2x1x512xi32, #tpu.memory_space<vmem>> -> memref<1x1x512xi32, #tpu.memory_space<vmem>>
          %dma_wait3A_829 = tpu.memref_squeeze %dma_wait3A_828 : memref<1x1x512xi32, #tpu.memory_space<vmem>> -> memref<1x512xi32, #tpu.memory_space<vmem>>
          %dma_wait3A_830 = arith.constant 448 : i32
          %dma_wait3A_831 = tpu.memref_slice %dma_wait3A_829[%dma_wait3A_825, %dma_wait3A_830] : memref<1x512xi32, #tpu.memory_space<vmem>> -> memref<1x32xi32, #tpu.memory_space<vmem>>
          %dma_wait3A_832 = tpu.memref_squeeze %dma_wait3A_831 : memref<1x32xi32, #tpu.memory_space<vmem>> -> memref<32xi32, #tpu.memory_space<vmem>>
          %dma_wait3A_833 = arith.constant 0 : i32
          %dma_wait3A_834 = arith.constant 0 : i32
          %dma_wait3A_835 = tpu.memref_slice %arg2[%dma_wait3A_833, %dma_wait3A_834] : memref<1000000x32xf32, #tpu.memory_space<hbm>> -> memref<1000000x32xf32, #tpu.memory_space<hbm>>
          tpu.wait_indirect_dma semaphore(%run_scoped3A_452 : memref<!tpu.dma_semaphore, #tpu.memory_space<semaphore_mem>>) src(%dma_wait3A_835 : memref<1000000x32xf32, #tpu.memory_space<hbm>>) dst(%run_scoped3A_436 : memref<32x32xf32, #tpu.memory_space<vmem>>)
          %parallel_loop3A_836 = arith.constant 0 : i32
          %parallel_loop3A_837 = arith.constant 64 : i32
          %parallel_loop3A_838 = arith.constant 1 : i32
          scf.for %parallel_loop3A_853 = %parallel_loop3A_836 to %parallel_loop3A_837 step %parallel_loop3A_838  : i32 {
            %parallel_loop3A_854 = arith.constant 4 : i32
            %parallel_loop3A_855 = arith.shrsi %parallel_loop3A_853, %parallel_loop3A_854 : i32
            %parallel_loop3A_856 = arith.constant 1 : i32
            %parallel_loop3A_857 = arith.shrsi %parallel_loop3A_853, %parallel_loop3A_856 : i32
            %parallel_loop3A_858 = arith.constant 7 : i32
            %parallel_loop3A_859 = arith.andi %parallel_loop3A_857, %parallel_loop3A_858 : i32
            %parallel_loop3A_860 = arith.constant 1 : i32
            %parallel_loop3A_861 = arith.andi %parallel_loop3A_853, %parallel_loop3A_860 : i32
            %parallel_loop3A_862 = arith.constant 16 : i32
            %parallel_loop3A_863 = arith.muli %parallel_loop3A_861, %parallel_loop3A_862 : i32
            %parallel_loop3A_864 = vector.broadcast %parallel_loop3A_863 : i32 to vector<16xi32>
            %parallel_loop3A_865 = arith.addi %parallel_loop3A_864, %iota3A : vector<16xi32>
            %parallel_loop3A_866 = arith.constant 8 : i32
            %parallel_loop3A_867 = arith.muli %parallel_loop3A_855, %parallel_loop3A_866 : i32
            %parallel_loop3A_868 = arith.addi %parallel_loop3A_867, %parallel_loop3A_859 : i32
            %parallel_loop3A_869 = vector.broadcast %parallel_loop3A_868 : i32 to vector<16xi32>
            %parallel_loop3A_870 = tpu.vector_load_idx %run_scoped3A_436[%parallel_loop3A_865, %parallel_loop3A_869] : memref<32x32xf32, #tpu.memory_space<vmem>>[vector<16xi32>, vector<16xi32>], vector<16xf32>,
            %parallel_loop3A_871 = arith.constant 4 : i32
            %parallel_loop3A_872 = arith.addi %parallel_loop3A_871, %parallel_loop3A_861 : i32
            %parallel_loop3A_873 = arith.constant 16 : i32
            %parallel_loop3A_874 = arith.muli %parallel_loop3A_872, %parallel_loop3A_873 : i32
            %parallel_loop3A_875 = arith.constant 0 : i32
            %parallel_loop3A_876 = arith.constant 3 : i32
            %parallel_loop3A_877 = arith.constant 0 : i32
            %parallel_loop3A_878 = arith.constant 0 : i32
            %parallel_loop3A_879 = arith.constant 0 : i32
            %parallel_loop3A_880 = arith.constant 0 : i32
            %parallel_loop3A_881 = arith.constant 0 : i32
            %parallel_loop3A_882 = tpu.memref_slice %run_scoped3A_8[%rem3A_330, %parallel_loop3A_877, %parallel_loop3A_878, %parallel_loop3A_879, %parallel_loop3A_880, %parallel_loop3A_881] : memref<2x1x4x4x8x128xf32, #tpu.memory_space<vmem>> -> memref<1x1x4x4x8x128xf32, #tpu.memory_space<vmem>>
            %parallel_loop3A_883 = tpu.memref_squeeze %parallel_loop3A_882 : memref<1x1x4x4x8x128xf32, #tpu.memory_space<vmem>> -> memref<1x4x4x8x128xf32, #tpu.memory_space<vmem>>
            %parallel_loop3A_884 = arith.index_cast %parallel_loop3A_875 : i32 to index
            %parallel_loop3A_885 = arith.index_cast %parallel_loop3A_855 : i32 to index
            %parallel_loop3A_886 = arith.index_cast %parallel_loop3A_876 : i32 to index
            %parallel_loop3A_887 = arith.index_cast %parallel_loop3A_859 : i32 to index
            %parallel_loop3A_888 = arith.index_cast %parallel_loop3A_874 : i32 to index
            %parallel_loop3A_889 = tpu.vector_load %parallel_loop3A_883[%parallel_loop3A_884, %parallel_loop3A_885, %parallel_loop3A_886, %parallel_loop3A_887, %parallel_loop3A_888] {strides = array<i32>} : memref<1x4x4x8x128xf32, #tpu.memory_space<vmem>>, vector<16xf32>,
            tpu.vector_store %parallel_loop3A_883[%parallel_loop3A_884, %parallel_loop3A_885, %parallel_loop3A_886, %parallel_loop3A_887, %parallel_loop3A_888], %parallel_loop3A_870 {strides = array<i32>} : memref<1x4x4x8x128xf32, #tpu.memory_space<vmem>>, vector<16xf32>,
          } {sc.loop_unroll_factor = 8 : i64, sc.parallel_access}
          %dma_wait3A_839 = arith.constant 0 : i32
          %dma_wait3A_840 = arith.constant 0 : i32
          %dma_wait3A_841 = arith.constant 0 : i32
          %dma_wait3A_842 = tpu.memref_slice %run_scoped3A[%rem3A_328, %dma_wait3A_840, %dma_wait3A_841] : memref<2x1x512xi32, #tpu.memory_space<vmem>> -> memref<1x1x512xi32, #tpu.memory_space<vmem>>
          %dma_wait3A_843 = tpu.memref_squeeze %dma_wait3A_842 : memref<1x1x512xi32, #tpu.memory_space<vmem>> -> memref<1x512xi32, #tpu.memory_space<vmem>>
          %dma_wait3A_844 = arith.constant 480 : i32
          %dma_wait3A_845 = tpu.memref_slice %dma_wait3A_843[%dma_wait3A_839, %dma_wait3A_844] : memref<1x512xi32, #tpu.memory_space<vmem>> -> memref<1x32xi32, #tpu.memory_space<vmem>>
          %dma_wait3A_846 = tpu.memref_squeeze %dma_wait3A_845 : memref<1x32xi32, #tpu.memory_space<vmem>> -> memref<32xi32, #tpu.memory_space<vmem>>
          %dma_wait3A_847 = arith.constant 0 : i32
          %dma_wait3A_848 = arith.constant 0 : i32
          %dma_wait3A_849 = tpu.memref_slice %arg2[%dma_wait3A_847, %dma_wait3A_848] : memref<1000000x32xf32, #tpu.memory_space<hbm>> -> memref<1000000x32xf32, #tpu.memory_space<hbm>>
          tpu.wait_indirect_dma semaphore(%run_scoped3A_453 : memref<!tpu.dma_semaphore, #tpu.memory_space<semaphore_mem>>) src(%dma_wait3A_849 : memref<1000000x32xf32, #tpu.memory_space<hbm>>) dst(%run_scoped3A_437 : memref<32x32xf32, #tpu.memory_space<vmem>>)
          %parallel_loop3A_850 = arith.constant 0 : i32
          %parallel_loop3A_851 = arith.constant 64 : i32
          %parallel_loop3A_852 = arith.constant 1 : i32
          scf.for %parallel_loop3A_853 = %parallel_loop3A_850 to %parallel_loop3A_851 step %parallel_loop3A_852  : i32 {
            %parallel_loop3A_854 = arith.constant 4 : i32
            %parallel_loop3A_855 = arith.shrsi %parallel_loop3A_853, %parallel_loop3A_854 : i32
            %parallel_loop3A_856 = arith.constant 1 : i32
            %parallel_loop3A_857 = arith.shrsi %parallel_loop3A_853, %parallel_loop3A_856 : i32
            %parallel_loop3A_858 = arith.constant 7 : i32
            %parallel_loop3A_859 = arith.andi %parallel_loop3A_857, %parallel_loop3A_858 : i32
            %parallel_loop3A_860 = arith.constant 1 : i32
            %parallel_loop3A_861 = arith.andi %parallel_loop3A_853, %parallel_loop3A_860 : i32
            %parallel_loop3A_862 = arith.constant 16 : i32
            %parallel_loop3A_863 = arith.muli %parallel_loop3A_861, %parallel_loop3A_862 : i32
            %parallel_loop3A_864 = vector.broadcast %parallel_loop3A_863 : i32 to vector<16xi32>
            %parallel_loop3A_865 = arith.addi %parallel_loop3A_864, %iota3A : vector<16xi32>
            %parallel_loop3A_866 = arith.constant 8 : i32
            %parallel_loop3A_867 = arith.muli %parallel_loop3A_855, %parallel_loop3A_866 : i32
            %parallel_loop3A_868 = arith.addi %parallel_loop3A_867, %parallel_loop3A_859 : i32
            %parallel_loop3A_869 = vector.broadcast %parallel_loop3A_868 : i32 to vector<16xi32>
            %parallel_loop3A_870 = tpu.vector_load_idx %run_scoped3A_437[%parallel_loop3A_865, %parallel_loop3A_869] : memref<32x32xf32, #tpu.memory_space<vmem>>[vector<16xi32>, vector<16xi32>], vector<16xf32>,
            %parallel_loop3A_871 = arith.constant 6 : i32
            %parallel_loop3A_872 = arith.addi %parallel_loop3A_871, %parallel_loop3A_861 : i32
            %parallel_loop3A_873 = arith.constant 16 : i32
            %parallel_loop3A_874 = arith.muli %parallel_loop3A_872, %parallel_loop3A_873 : i32
            %parallel_loop3A_875 = arith.constant 0 : i32
            %parallel_loop3A_876 = arith.constant 3 : i32
            %parallel_loop3A_877 = arith.constant 0 : i32
            %parallel_loop3A_878 = arith.constant 0 : i32
            %parallel_loop3A_879 = arith.constant 0 : i32
            %parallel_loop3A_880 = arith.constant 0 : i32
            %parallel_loop3A_881 = arith.constant 0 : i32
            %parallel_loop3A_882 = tpu.memref_slice %run_scoped3A_8[%rem3A_330, %parallel_loop3A_877, %parallel_loop3A_878, %parallel_loop3A_879, %parallel_loop3A_880, %parallel_loop3A_881] : memref<2x1x4x4x8x128xf32, #tpu.memory_space<vmem>> -> memref<1x1x4x4x8x128xf32, #tpu.memory_space<vmem>>
            %parallel_loop3A_883 = tpu.memref_squeeze %parallel_loop3A_882 : memref<1x1x4x4x8x128xf32, #tpu.memory_space<vmem>> -> memref<1x4x4x8x128xf32, #tpu.memory_space<vmem>>
            %parallel_loop3A_884 = arith.index_cast %parallel_loop3A_875 : i32 to index
            %parallel_loop3A_885 = arith.index_cast %parallel_loop3A_855 : i32 to index
            %parallel_loop3A_886 = arith.index_cast %parallel_loop3A_876 : i32 to index
            %parallel_loop3A_887 = arith.index_cast %parallel_loop3A_859 : i32 to index
            %parallel_loop3A_888 = arith.index_cast %parallel_loop3A_874 : i32 to index
            %parallel_loop3A_889 = tpu.vector_load %parallel_loop3A_883[%parallel_loop3A_884, %parallel_loop3A_885, %parallel_loop3A_886, %parallel_loop3A_887, %parallel_loop3A_888] {strides = array<i32>} : memref<1x4x4x8x128xf32, #tpu.memory_space<vmem>>, vector<16xf32>,
            tpu.vector_store %parallel_loop3A_883[%parallel_loop3A_884, %parallel_loop3A_885, %parallel_loop3A_886, %parallel_loop3A_887, %parallel_loop3A_888], %parallel_loop3A_870 {strides = array<i32>} : memref<1x4x4x8x128xf32, #tpu.memory_space<vmem>>, vector<16xf32>,
          } {sc.loop_unroll_factor = 8 : i64, sc.parallel_access}
          tpu.yield
        }) : () -> ()
        "tpu.trace_stop"() : () -> ()
        %ne3A_331 = arith.cmpi ne, %add3A_216, %add3A_254 : i32
        %ne3A_332 = arith.cmpi ne, %add3A_218, %add3A_256 : i32
        %or3A_333 = arith.constant false
        %or3A_334 = arith.ori %or3A_333, %ne3A_331 : i1
        %or3A_335 = arith.ori %or3A_334, %ne3A_332 : i1
        %or3A_336 = arith.ori %or3A_335, %eq3A_214 : i1
        %convert_element_type3A_337 = arith.extui %or3A_336 : i1 to i32
        %cond3A_338 = arith.constant 0 : i32
        %cond3A_339 = arith.cmpi ne, %convert_element_type3A_337, %cond3A_338 : i32
        scf.if %cond3A_339 {
        } else {
        }
        %and3A_340 = arith.constant false
        %and3A_341 = arith.andi %or3A_336, %and3A_340 : i1
        %ne3A_342 = arith.cmpi ne, %add3A_216, %add3A_254 : i32
        %ne3A_343 = arith.cmpi ne, %add3A_218, %add3A_256 : i32
        %or3A_344 = arith.constant false
        %or3A_345 = arith.ori %or3A_344, %ne3A_342 : i1
        %or3A_346 = arith.constant false
        %or3A_347 = arith.ori %or3A_345, %or3A_346 : i1
        %or3A_348 = arith.ori %or3A_347, %ne3A_343 : i1
        %or3A_349 = arith.constant false
        %or3A_350 = arith.ori %or3A_348, %or3A_349 : i1
        %or3A_351 = arith.constant false
        %or3A_352 = arith.ori %or3A_350, %or3A_351 : i1
        %or3A_353 = arith.ori %or3A_352, %eq3A_214 : i1
        %convert_element_type3A_354 = arith.extui %or3A_353 : i1 to i32
        %cond3A_355 = arith.constant 0 : i32
        %cond3A_356 = arith.cmpi ne, %convert_element_type3A_354, %cond3A_355 : i32
        scf.if %cond3A_356 {
          "tpu.trace_start"() <{level = 10 : i32, message = "ep_copy_out"}> : () -> ()
          %rem3A_422 = arith.constant 2 : i32
          %rem3A_423 = arith.remui %scan3A_207, %rem3A_422 : i32
          %mul3A_424 = arith.constant 1 : i32
          %mul3A_425 = arith.muli %mul3A_424, %add3A_216 : i32
          %mul3A_426 = arith.constant 4 : i32
          %mul3A_427 = arith.muli %mul3A_426, %add3A_218 : i32
          %dma_start3A_428 = arith.constant 0 : i32
          %dma_start3A_429 = arith.constant 0 : i32
          %dma_start3A_430 = arith.constant 0 : i32
          %dma_start3A_431 = arith.constant 0 : i32
          %dma_start3A_432 = arith.constant 0 : i32
          %dma_start3A_433 = tpu.memref_slice %run_scoped3A_8[%rem3A_423, %dma_start3A_428, %dma_start3A_429, %dma_start3A_430, %dma_start3A_431, %dma_start3A_432] : memref<2x1x4x4x8x128xf32, #tpu.memory_space<vmem>> -> memref<1x1x4x4x8x128xf32, #tpu.memory_space<vmem>>
          %dma_start3A_434 = tpu.memref_squeeze %dma_start3A_433 : memref<1x1x4x4x8x128xf32, #tpu.memory_space<vmem>> -> memref<1x4x4x8x128xf32, #tpu.memory_space<vmem>>
          %dma_start3A_435 = arith.constant 0 : i32
          %dma_start3A_436 = arith.constant 0 : i32
          %dma_start3A_437 = arith.constant 0 : i32
          %dma_start3A_438 = tpu.memref_slice %arg4[%mul3A_425, %dma_start3A_435, %mul3A_427, %dma_start3A_436, %dma_start3A_437] : memref<50x4x128x8x128xf32, #tpu.memory_space<hbm>> -> memref<1x4x4x8x128xf32, #tpu.memory_space<hbm>>
          %dma_start3A_439 = tpu.memref_slice %run_scoped3A_9[%rem3A_423] : memref<2x!tpu.dma_semaphore, #tpu.memory_space<semaphore_mem>> -> memref<1x!tpu.dma_semaphore, #tpu.memory_space<semaphore_mem>>
          %dma_start3A_440 = tpu.memref_squeeze %dma_start3A_439 : memref<1x!tpu.dma_semaphore, #tpu.memory_space<semaphore_mem>> -> memref<!tpu.dma_semaphore, #tpu.memory_space<semaphore_mem>>
          %dma_start3A_441 = arith.constant 0 : i32
          %dma_start3A_442 = arith.constant 0 : i32
          %dma_start3A_443 = arith.constant 0 : i32
          %dma_start3A_444 = tpu.memref_slice %arg4[%mul3A_425, %dma_start3A_441, %mul3A_427, %dma_start3A_442, %dma_start3A_443] : memref<50x4x128x8x128xf32, #tpu.memory_space<hbm>> -> memref<1x4x4x8x128xf32, #tpu.memory_space<hbm>>
          %dma_start3A_445 = arith.constant 0 : i32
          %dma_start3A_446 = arith.constant 0 : i32
          %dma_start3A_447 = arith.constant 0 : i32
          %dma_start3A_448 = arith.constant 0 : i32
          %dma_start3A_449 = arith.constant 0 : i32
          %dma_start3A_450 = tpu.memref_slice %run_scoped3A_8[%rem3A_423, %dma_start3A_445, %dma_start3A_446, %dma_start3A_447, %dma_start3A_448, %dma_start3A_449] : memref<2x1x4x4x8x128xf32, #tpu.memory_space<vmem>> -> memref<1x1x4x4x8x128xf32, #tpu.memory_space<vmem>>
          %dma_start3A_451 = tpu.memref_squeeze %dma_start3A_450 : memref<1x1x4x4x8x128xf32, #tpu.memory_space<vmem>> -> memref<1x4x4x8x128xf32, #tpu.memory_space<vmem>>
          tpu.enqueue_dma source(%dma_start3A_451 : memref<1x4x4x8x128xf32, #tpu.memory_space<vmem>>) target(%dma_start3A_444 : memref<1x4x4x8x128xf32, #tpu.memory_space<hbm>>) target_semaphore(%dma_start3A_440 : memref<!tpu.dma_semaphore, #tpu.memory_space<semaphore_mem>>)
          "tpu.trace_stop"() : () -> ()
        } else {
        }
        %and3A_357 = arith.constant true
        %and3A_358 = arith.andi %or3A_353, %and3A_357 : i1
        %add3A_359 = arith.constant 1 : i32
        %add3A_360 = arith.addi %scan3A_207, %add3A_359 : i32
        %select_n3A_361 = arith.select %and3A_358, %add3A_360, %scan3A_207 : i32
        %ne3A_362 = arith.cmpi ne, %add3A_216, %add3A_235 : i32
        %ne3A_363 = arith.cmpi ne, %add3A_218, %add3A_237 : i32
        %or3A_364 = arith.constant false
        %or3A_365 = arith.ori %or3A_364, %ne3A_362 : i1
        %or3A_366 = arith.ori %or3A_365, %ne3A_363 : i1
        %not3A_367 = arith.constant true
        %not3A_368 = arith.xori %eq3A_212, %not3A_367 : i1
        %and3A_369 = arith.andi %or3A_366, %not3A_368 : i1
        %convert_element_type3A_370 = arith.extui %and3A_369 : i1 to i32
        %cond3A_371 = arith.constant 0 : i32
        %cond3A_372 = arith.cmpi ne, %convert_element_type3A_370, %cond3A_371 : i32
        scf.if %cond3A_372 {
        } else {
        }
        %and3A_373 = arith.constant false
        %and3A_374 = arith.andi %and3A_369, %and3A_373 : i1
        %ne3A_375 = arith.cmpi ne, %add3A_216, %add3A_235 : i32
        %ne3A_376 = arith.cmpi ne, %add3A_218, %add3A_237 : i32
        %or3A_377 = arith.constant false
        %or3A_378 = arith.ori %or3A_377, %ne3A_375 : i1
        %or3A_379 = arith.constant false
        %or3A_380 = arith.ori %or3A_378, %or3A_379 : i1
        %or3A_381 = arith.ori %or3A_380, %ne3A_376 : i1
        %or3A_382 = arith.constant false
        %or3A_383 = arith.ori %or3A_381, %or3A_382 : i1
        %or3A_384 = arith.constant false
        %or3A_385 = arith.ori %or3A_383, %or3A_384 : i1
        %not3A_386 = arith.constant true
        %not3A_387 = arith.xori %eq3A_212, %not3A_386 : i1
        %and3A_388 = arith.andi %or3A_385, %not3A_387 : i1
        %convert_element_type3A_389 = arith.extui %and3A_388 : i1 to i32
        %cond3A_390 = arith.constant 0 : i32
        %cond3A_391 = arith.cmpi ne, %convert_element_type3A_389, %cond3A_390 : i32
        scf.if %cond3A_391 {
          "tpu.trace_start"() <{level = 10 : i32, message = "ep_wait_out"}> : () -> ()
          %rem3A_422 = arith.constant 2 : i32
          %rem3A_423 = arith.remui %scan3A_208, %rem3A_422 : i32
          %mul3A_424 = arith.constant 1 : i32
          %mul3A_425 = arith.muli %mul3A_424, %add3A_235 : i32
          %mul3A_426 = arith.constant 4 : i32
          %mul3A_427 = arith.muli %mul3A_426, %add3A_237 : i32
          %dma_wait3A_428 = arith.constant 0 : i32
          %dma_wait3A_429 = arith.constant 0 : i32
          %dma_wait3A_430 = arith.constant 0 : i32
          %dma_wait3A_431 = arith.constant 0 : i32
          %dma_wait3A_432 = arith.constant 0 : i32
          %dma_wait3A_433 = tpu.memref_slice %run_scoped3A_8[%rem3A_423, %dma_wait3A_428, %dma_wait3A_429, %dma_wait3A_430, %dma_wait3A_431, %dma_wait3A_432] : memref<2x1x4x4x8x128xf32, #tpu.memory_space<vmem>> -> memref<1x1x4x4x8x128xf32, #tpu.memory_space<vmem>>
          %dma_wait3A_434 = tpu.memref_squeeze %dma_wait3A_433 : memref<1x1x4x4x8x128xf32, #tpu.memory_space<vmem>> -> memref<1x4x4x8x128xf32, #tpu.memory_space<vmem>>
          %dma_wait3A_435 = arith.constant 0 : i32
          %dma_wait3A_436 = arith.constant 0 : i32
          %dma_wait3A_437 = arith.constant 0 : i32
          %dma_wait3A_438 = tpu.memref_slice %arg4[%mul3A_425, %dma_wait3A_435, %mul3A_427, %dma_wait3A_436, %dma_wait3A_437] : memref<50x4x128x8x128xf32, #tpu.memory_space<hbm>> -> memref<1x4x4x8x128xf32, #tpu.memory_space<hbm>>
          %dma_wait3A_439 = tpu.memref_slice %run_scoped3A_9[%rem3A_423] : memref<2x!tpu.dma_semaphore, #tpu.memory_space<semaphore_mem>> -> memref<1x!tpu.dma_semaphore, #tpu.memory_space<semaphore_mem>>
          %dma_wait3A_440 = tpu.memref_squeeze %dma_wait3A_439 : memref<1x!tpu.dma_semaphore, #tpu.memory_space<semaphore_mem>> -> memref<!tpu.dma_semaphore, #tpu.memory_space<semaphore_mem>>
          %dma_wait3A_441 = arith.constant 0 : i32
          %dma_wait3A_442 = arith.constant 0 : i32
          %dma_wait3A_443 = arith.constant 0 : i32
          %dma_wait3A_444 = tpu.memref_slice %arg4[%mul3A_425, %dma_wait3A_441, %mul3A_427, %dma_wait3A_442, %dma_wait3A_443] : memref<50x4x128x8x128xf32, #tpu.memory_space<hbm>> -> memref<1x4x4x8x128xf32, #tpu.memory_space<hbm>>
          %dma_wait3A_445 = arith.constant 0 : i32
          %dma_wait3A_446 = arith.constant 0 : i32
          %dma_wait3A_447 = arith.constant 0 : i32
          %dma_wait3A_448 = arith.constant 0 : i32
          %dma_wait3A_449 = arith.constant 0 : i32
          %dma_wait3A_450 = tpu.memref_slice %run_scoped3A_8[%rem3A_423, %dma_wait3A_445, %dma_wait3A_446, %dma_wait3A_447, %dma_wait3A_448, %dma_wait3A_449] : memref<2x1x4x4x8x128xf32, #tpu.memory_space<vmem>> -> memref<1x1x4x4x8x128xf32, #tpu.memory_space<vmem>>
          %dma_wait3A_451 = tpu.memref_squeeze %dma_wait3A_450 : memref<1x1x4x4x8x128xf32, #tpu.memory_space<vmem>> -> memref<1x4x4x8x128xf32, #tpu.memory_space<vmem>>
          tpu.wait_dma2 semaphore(%dma_wait3A_440 : memref<!tpu.dma_semaphore, #tpu.memory_space<semaphore_mem>>) src(%dma_wait3A_451 : memref<1x4x4x8x128xf32, #tpu.memory_space<vmem>>) dst(%dma_wait3A_444 : memref<1x4x4x8x128xf32, #tpu.memory_space<hbm>>)
          "tpu.trace_stop"() : () -> ()
        } else {
        }
        %and3A_392 = arith.constant true
        %and3A_393 = arith.andi %and3A_388, %and3A_392 : i1
        %add3A_394 = arith.constant 1 : i32
        %add3A_395 = arith.addi %scan3A_208, %add3A_394 : i32
        %select_n3A_396 = arith.select %and3A_393, %add3A_395, %scan3A_208 : i32
        %ne3A_397 = arith.cmpi ne, %add3A_216, %add3A_254 : i32
        %ne3A_398 = arith.cmpi ne, %add3A_218, %add3A_256 : i32
        %or3A_399 = arith.constant false
        %or3A_400 = arith.ori %or3A_399, %ne3A_397 : i1
        %or3A_401 = arith.ori %or3A_400, %ne3A_398 : i1
        %or3A_402 = arith.ori %or3A_401, %eq3A_214 : i1
        %add3A_403 = arith.constant 1 : i32
        %add3A_404 = arith.addi %scan3A_206, %add3A_403 : i32
        %select_n3A_405 = arith.select %or3A_402, %add3A_404, %scan3A_206 : i32
        %select_n3A_406 = arith.constant true
        %select_n3A_407 = arith.constant 0 : i32
        %select_n3A_408 = arith.constant 1 : i32
        %select_n3A_409 = arith.select %select_n3A_406, %select_n3A_408, %select_n3A_407 : i32
        %eq3A_410 = arith.constant 1 : i32
        %eq3A_411 = arith.cmpi eq, %select_n3A_409, %eq3A_410 : i32
        %select_n3A_412 = arith.constant 0 : i32
        %select_n3A_413 = arith.select %eq3A_411, %select_n3A_412, %select_n3A_409 : i32
        %add3A_414 = arith.constant 1 : i32
        %add3A_415 = arith.addi %scan3A_209, %add3A_414 : i32
        %select_n3A_416 = arith.select %eq3A_411, %add3A_415, %scan3A_209 : i32
        %eq3A_417 = arith.constant 50 : i32
        %eq3A_418 = arith.cmpi eq, %select_n3A_416, %eq3A_417 : i32
        %select_n3A_419 = arith.constant 0 : i32
        %select_n3A_420 = arith.select %eq3A_418, %select_n3A_419, %select_n3A_416 : i32
        %scan3A_421 = arith.constant 0 : i32
        scf.yield %select_n3A_286, %select_n3A_405, %select_n3A_361, %select_n3A_396, %select_n3A_420, %scan3A_421 : i32, i32, i32, i32, i32, i32
      }
      %scan3A_99 = arith.constant 50 : i32
      %sub3A = arith.constant 1 : i32
      %sub3A_100 = arith.subi %scan3A_98#5, %sub3A : i32
      %select_n3A_101 = arith.constant true
      %select_n3A_102 = arith.select %select_n3A_101, %sub3A_100, %scan3A_98#5 : i32
      %eq3A_103 = arith.constant -1 : i32
      %eq3A_104 = arith.cmpi eq, %select_n3A_102, %eq3A_103 : i32
      %select_n3A_105 = arith.constant 0 : i32
      %select_n3A_106 = arith.select %eq3A_104, %select_n3A_105, %select_n3A_102 : i32
      %sub3A_107 = arith.constant 1 : i32
      %sub3A_108 = arith.subi %scan3A_98#4, %sub3A_107 : i32
      %select_n3A_109 = arith.select %eq3A_104, %sub3A_108, %scan3A_98#4 : i32
      %eq3A_110 = arith.constant -1 : i32
      %eq3A_111 = arith.cmpi eq, %select_n3A_109, %eq3A_110 : i32
      %select_n3A_112 = arith.constant 49 : i32
      %select_n3A_113 = arith.select %eq3A_111, %select_n3A_112, %select_n3A_109 : i32
      %add3A_114 = arith.constant 0 : i32
      %add3A_115 = arith.addi %select_n3A_113, %add3A_114 : i32
      %add3A_116 = arith.constant 0 : i32
      %add3A_117 = arith.addi %add3A_116, %mul3A_6 : i32
      %select_n3A_118 = arith.constant true
      %select_n3A_119 = arith.constant 0 : i32
      %select_n3A_120 = arith.constant -1 : i32
      %select_n3A_121 = arith.select %select_n3A_118, %select_n3A_120, %select_n3A_119 : i32
      %eq3A_122 = arith.constant -1 : i32
      %eq3A_123 = arith.cmpi eq, %select_n3A_121, %eq3A_122 : i32
      %select_n3A_124 = arith.constant 0 : i32
      %select_n3A_125 = arith.select %eq3A_123, %select_n3A_124, %select_n3A_121 : i32
      %sub3A_126 = arith.constant 1 : i32
      %sub3A_127 = arith.subi %select_n3A_113, %sub3A_126 : i32
      %select_n3A_128 = arith.select %eq3A_123, %sub3A_127, %select_n3A_113 : i32
      %eq3A_129 = arith.constant -1 : i32
      %eq3A_130 = arith.cmpi eq, %select_n3A_128, %eq3A_129 : i32
      %select_n3A_131 = arith.constant 49 : i32
      %select_n3A_132 = arith.select %eq3A_130, %select_n3A_131, %select_n3A_128 : i32
      %add3A_133 = arith.constant 0 : i32
      %add3A_134 = arith.addi %select_n3A_132, %add3A_133 : i32
      %add3A_135 = arith.constant 0 : i32
      %add3A_136 = arith.addi %add3A_135, %mul3A_6 : i32
      %select_n3A_137 = arith.constant true
      %select_n3A_138 = arith.constant 0 : i32
      %select_n3A_139 = arith.constant 1 : i32
      %select_n3A_140 = arith.select %select_n3A_137, %select_n3A_139, %select_n3A_138 : i32
      %eq3A_141 = arith.constant 1 : i32
      %eq3A_142 = arith.cmpi eq, %select_n3A_140, %eq3A_141 : i32
      %select_n3A_143 = arith.constant 0 : i32
      %select_n3A_144 = arith.select %eq3A_142, %select_n3A_143, %select_n3A_140 : i32
      %add3A_145 = arith.constant 1 : i32
      %add3A_146 = arith.addi %select_n3A_113, %add3A_145 : i32
      %select_n3A_147 = arith.select %eq3A_142, %add3A_146, %select_n3A_113 : i32
      %eq3A_148 = arith.constant 50 : i32
      %eq3A_149 = arith.cmpi eq, %select_n3A_147, %eq3A_148 : i32
      %select_n3A_150 = arith.constant 0 : i32
      %select_n3A_151 = arith.select %eq3A_149, %select_n3A_150, %select_n3A_147 : i32
      %add3A_152 = arith.constant 0 : i32
      %add3A_153 = arith.addi %select_n3A_151, %add3A_152 : i32
      %add3A_154 = arith.constant 0 : i32
      %add3A_155 = arith.addi %add3A_154, %mul3A_6 : i32
      %select_n3A_156 = arith.constant true
      %select_n3A_157 = arith.constant 0 : i32
      %select_n3A_158 = arith.constant 1 : i32
      %select_n3A_159 = arith.select %select_n3A_156, %select_n3A_158, %select_n3A_157 : i32
      %eq3A_160 = arith.constant 1 : i32
      %eq3A_161 = arith.cmpi eq, %select_n3A_159, %eq3A_160 : i32
      %select_n3A_162 = arith.constant 0 : i32
      %select_n3A_163 = arith.select %eq3A_161, %select_n3A_162, %select_n3A_159 : i32
      %add3A_164 = arith.constant 1 : i32
      %add3A_165 = arith.addi %select_n3A_151, %add3A_164 : i32
      %select_n3A_166 = arith.select %eq3A_161, %add3A_165, %select_n3A_151 : i32
      %eq3A_167 = arith.constant 50 : i32
      %eq3A_168 = arith.cmpi eq, %select_n3A_166, %eq3A_167 : i32
      %select_n3A_169 = arith.constant 0 : i32
      %select_n3A_170 = arith.select %eq3A_168, %select_n3A_169, %select_n3A_166 : i32
      %add3A_171 = arith.constant 0 : i32
      %add3A_172 = arith.addi %select_n3A_170, %add3A_171 : i32
      %add3A_173 = arith.constant 0 : i32
      %add3A_174 = arith.addi %add3A_173, %mul3A_6 : i32
      "tpu.trace_start"() <{level = 10 : i32, message = "ep_finalize"}> : () -> ()
      %rem3A_175 = arith.constant 2 : i32
      %rem3A_176 = arith.remui %scan3A_98#3, %rem3A_175 : i32
      %mul3A_177 = arith.constant 1 : i32
      %mul3A_178 = arith.muli %mul3A_177, %add3A_115 : i32
      %mul3A_179 = arith.constant 4 : i32
      %mul3A_180 = arith.muli %mul3A_179, %add3A_117 : i32
      %dma_wait3A = arith.constant 0 : i32
      %dma_wait3A_181 = arith.constant 0 : i32
      %dma_wait3A_182 = arith.constant 0 : i32
      %dma_wait3A_183 = arith.constant 0 : i32
      %dma_wait3A_184 = arith.constant 0 : i32
      %dma_wait3A_185 = tpu.memref_slice %run_scoped3A_8[%rem3A_176, %dma_wait3A, %dma_wait3A_181, %dma_wait3A_182, %dma_wait3A_183, %dma_wait3A_184] : memref<2x1x4x4x8x128xf32, #tpu.memory_space<vmem>> -> memref<1x1x4x4x8x128xf32, #tpu.memory_space<vmem>>
      %dma_wait3A_186 = tpu.memref_squeeze %dma_wait3A_185 : memref<1x1x4x4x8x128xf32, #tpu.memory_space<vmem>> -> memref<1x4x4x8x128xf32, #tpu.memory_space<vmem>>
      %dma_wait3A_187 = arith.constant 0 : i32
      %dma_wait3A_188 = arith.constant 0 : i32
      %dma_wait3A_189 = arith.constant 0 : i32
      %dma_wait3A_190 = tpu.memref_slice %arg4[%mul3A_178, %dma_wait3A_187, %mul3A_180, %dma_wait3A_188, %dma_wait3A_189] : memref<50x4x128x8x128xf32, #tpu.memory_space<hbm>> -> memref<1x4x4x8x128xf32, #tpu.memory_space<hbm>>
      %dma_wait3A_191 = tpu.memref_slice %run_scoped3A_9[%rem3A_176] : memref<2x!tpu.dma_semaphore, #tpu.memory_space<semaphore_mem>> -> memref<1x!tpu.dma_semaphore, #tpu.memory_space<semaphore_mem>>
      %dma_wait3A_192 = tpu.memref_squeeze %dma_wait3A_191 : memref<1x!tpu.dma_semaphore, #tpu.memory_space<semaphore_mem>> -> memref<!tpu.dma_semaphore, #tpu.memory_space<semaphore_mem>>
      %dma_wait3A_193 = arith.constant 0 : i32
      %dma_wait3A_194 = arith.constant 0 : i32
      %dma_wait3A_195 = arith.constant 0 : i32
      %dma_wait3A_196 = tpu.memref_slice %arg4[%mul3A_178, %dma_wait3A_193, %mul3A_180, %dma_wait3A_194, %dma_wait3A_195] : memref<50x4x128x8x128xf32, #tpu.memory_space<hbm>> -> memref<1x4x4x8x128xf32, #tpu.memory_space<hbm>>
      %dma_wait3A_197 = arith.constant 0 : i32
      %dma_wait3A_198 = arith.constant 0 : i32
      %dma_wait3A_199 = arith.constant 0 : i32
      %dma_wait3A_200 = arith.constant 0 : i32
      %dma_wait3A_201 = arith.constant 0 : i32
      %dma_wait3A_202 = tpu.memref_slice %run_scoped3A_8[%rem3A_176, %dma_wait3A_197, %dma_wait3A_198, %dma_wait3A_199, %dma_wait3A_200, %dma_wait3A_201] : memref<2x1x4x4x8x128xf32, #tpu.memory_space<vmem>> -> memref<1x1x4x4x8x128xf32, #tpu.memory_space<vmem>>
      %dma_wait3A_203 = tpu.memref_squeeze %dma_wait3A_202 : memref<1x1x4x4x8x128xf32, #tpu.memory_space<vmem>> -> memref<1x4x4x8x128xf32, #tpu.memory_space<vmem>>
      tpu.wait_dma2 semaphore(%dma_wait3A_192 : memref<!tpu.dma_semaphore, #tpu.memory_space<semaphore_mem>>) src(%dma_wait3A_203 : memref<1x4x4x8x128xf32, #tpu.memory_space<vmem>>) dst(%dma_wait3A_196 : memref<1x4x4x8x128xf32, #tpu.memory_space<hbm>>)
      "tpu.trace_stop"() : () -> ()
      tpu.yield
    }) : () -> ()
    return
  }
}

</mosaic_0001>

<sc_bundles>
// kernel: kernel.3.cloned.1.call-start
scs
__scs_entry_jumppad:
0x0: {  	(pc) =	sbr.rel $0x88, $3  }
0x1: {  	(tag) =	ssettag $0x0;
	lr =	simm.s32 $0x1  }
0x2: {  	[smem:$0x3F9F] =	sst lr;
	_ =	strace $0xD0000000  }
0x3: {  	_ = 	snop  }
0x4: {  	_ = 	snop  }
0x5: {  	_ = 	snop  }
0x6: {  	_ = 	snop  }
0x7: {  	_ = 	snop  }
__scs_overlays_trampoline_lowered:
0x8: {  	[smem:$0x3FAE] =	sst s0  }
0x9: {  	[smem:$0x3FAF] =	sst s1  }
0xa: {  	[smem:$0x3FB0] =	sst s2  }
0xb: {  	[smem:$0x3FB1] =	sst s3  }
0xc: {  	[smem:$0x3FB2] =	sst s4  }
0xd: {  	[smem:$0x3FB3] =	sst s5  }
0xe: {  	[smem:$0x3FB4] =	sst s6  }
0xf: {  	[smem:$0x3FB5] =	sst s7  }
0x10: {  	[smem:$0x3FB6] =	sst s8  }
0x11: {  	[smem:$0x3FB7] =	sst s9;
	s0 =	simm.s32 @!p0 $0x0  }
0x12: {  	s1 =	sld [smem:$0x3F9D];
	s0 =	simm.s32 @p0 $0x1  }
0x13: {  	[smem:$0x3FB8] =	sst s0;
	s0 =	simm.s32 @!p1 $0x0  }
0x14: {  	s2 =	sld [smem:$0x3F9C];
	s0 =	simm.s32 @p1 $0x1  }
0x15: {  	[smem:$0x3FB9] =	sst s0;
	s0 =	simm.s32 @!p2 $0x0  }
0x16: {  	s3 =	sld [smem:$0x3FDB];
	s0 =	simm.s32 @p2 $0x1  }
0x17: {  	s4 =	simm.s32 $0x1BF5;
	[smem:$0x3FBB] =	sst s0  }
0x18: {  	s0 =	sld [smem:$0x3F9E];
	_ =	swait.ge [sflag:s4], $0x0  }
0x19: {  	s7 =	sld [smem:$0x3F9F]  }
0x1a: {  	s8 =	sadd.s32 $0xFFFFE003, lr  }
0x1b: {  	s9 =	sadd.s32 $0xFFFFFEF7, lr;
	s5 =	simm.s32 $0xFFFFFFFF;
	p2 =	slt.u32 s8, $0xFFFFF086  }
0x1c: {  	p1 =	slt.u32 s9, $0xF7A;
	s5 =	simm.s32 @!p2 $0x0  }
0x1d: {  	s5 =	simm.s32 @p1 $0x1;
	p0 =	seq.s32 s7, s2  }
0x1e: {  	s7 =	smul.u32 @!p0 $0xF7A, s2;
	p2 =	seq.s32 @!p0 s5, $0x0  }
0x1f: {  	s9 =	smul.u32 $0xF7A, s1;
	s8 =	simm.s32 @!p0 $0x1BF5;
	p2 =	por !p2, p0  }
0x20: {  	[sflag:s8] =	ssyncset.s32 @!p0 $0xFFFFF086;
	s6 =	sadd.s32 @!p0 s3, s7;
	s7 =	simm.s32 @!p0 $0x108  }
0x21: {  	s3 =	sadd.s32 s3, s9;
	s6 =	sadd.s32 @!p0 $0x88, s6;
	s7 =	simm.s32 @p2 $0x1082  }
0x22: {  	[simem:s7], [sflag:s8] =	dma.local @!p0 [hbm:s6], $0xF7A  }
0x23: {  	s9 =	sor.u32 $0xD0000000, s2;
	s6 =	simm.s32 $0x108;
	_ =	swait.ge @!p0 [sflag:s8], $0x0  }
0x24: {  	s3 =	sadd.s32 $0x88, s3;
	s6 =	simm.s32 @!p1 $0x1082;
	[sflag:s4] =	ssyncset.s32 $0xFFFFF086  }
0x25: {  	[simem:s6], [sflag:s4] =	dma.local [hbm:s3], $0xF7A  }
0x26: {  	[smem:$0x3F9F] =	sst s1;
	(tag) =	ssettag s2;
	_ =	strace s9  }
0x27: {  	s1 =	sld [smem:$0x3FAF]  }
0x28: {  	s2 =	sld [smem:$0x3FB0]  }
0x29: {  	s4 =	sld [smem:$0x3FB2]  }
0x2a: {  	p0 =	seq.s32 s5, $0x0;
	s5 =	sld [smem:$0x3FB3]  }
0x2b: {  	s6 =	sld [smem:$0x3FB4]  }
0x2c: {  	s7 =	sld [smem:$0x3FB5]  }
0x2d: {  	s3 =	simm.s32 $0x108;
	s8 =	sld [smem:$0x3FB6]  }
0x2e: {  	s3 =	simm.s32 @!p0 $0x1082;
	s9 =	sld [smem:$0x3FB7]  }
0x2f: {  	lr =	sadd.s32 s0, s3;
	s0 =	sld [smem:$0x3FAE]  }
0x30: {  	s3 =	sld [smem:$0x3FB1]  }
0x31: {  	[smem:$0x3FBA] =	sst s10  }
0x32: {  	s10 =	sld [smem:$0x3FB8];
	_ =	sdelay $0x3  }
0x33: {  	p0 =	seq.s32 s10, $0x1;
	s10 =	sld [smem:$0x3FBA];
	_ =	sdelay $0x3  }
0x34: {  	[smem:$0x3FBA] =	sst s10  }
0x35: {  	s10 =	sld [smem:$0x3FB9];
	_ =	sdelay $0x3  }
0x36: {  	p1 =	seq.s32 s10, $0x1;
	s10 =	sld [smem:$0x3FBA];
	_ =	sdelay $0x3  }
0x37: {  	[smem:$0x3FBA] =	sst s10  }
0x38: {  	s10 =	sld [smem:$0x3FBB]  }
0x39: {  	_ = 	snop;
	(pc) =	sbr.ind lr, $3  }
0x3a: {  	_ = 	snop  }
0x3b: {  	_ = 	snop  }
0x3c: {  	p2 =	seq.s32 s10, $0x1;
	s10 =	sld [smem:$0x3FBA]  }
0x3d: {  	_ =	shalt  }
0x3e: {  	_ =	shalt  }
0x3f: {  	_ =	shalt  }
0x40: {  	_ =	shalt  }
0x41: {  	_ =	shalt  }
0x42: {  	_ =	shalt  }
0x43: {  	_ =	shalt  }
0x44: {  	_ =	shalt  }
0x45: {  	_ =	shalt  }
0x46: {  	_ =	shalt  }
0x47: {  	_ =	shalt  }
0x48: {  	_ =	shalt  }
0x49: {  	_ =	shalt  }
0x4a: {  	_ =	shalt  }
0x4b: {  	_ =	shalt  }
0x4c: {  	_ =	shalt  }
0x4d: {  	_ =	shalt  }
0x4e: {  	_ =	shalt  }
0x4f: {  	_ =	shalt  }
0x50: {  	_ =	shalt  }
0x51: {  	_ =	shalt  }
0x52: {  	_ =	shalt  }
0x53: {  	_ =	shalt  }
0x54: {  	_ =	shalt  }
0x55: {  	_ =	shalt  }
0x56: {  	_ =	shalt  }
0x57: {  	_ =	shalt  }
0x58: {  	_ =	shalt  }
0x59: {  	_ =	shalt  }
0x5a: {  	_ =	shalt  }
0x5b: {  	_ =	shalt  }
0x5c: {  	_ =	shalt  }
0x5d: {  	_ =	shalt  }
0x5e: {  	_ =	shalt  }
0x5f: {  	_ =	shalt  }
0x60: {  	_ =	shalt  }
0x61: {  	_ =	shalt  }
0x62: {  	_ =	shalt  }
0x63: {  	_ =	shalt  }
0x64: {  	_ =	shalt  }
0x65: {  	_ =	shalt  }
0x66: {  	_ =	shalt  }
0x67: {  	_ =	shalt  }
0x68: {  	_ =	shalt  }
0x69: {  	_ =	shalt  }
0x6a: {  	_ =	shalt  }
0x6b: {  	_ =	shalt  }
0x6c: {  	_ =	shalt  }
0x6d: {  	_ =	shalt  }
0x6e: {  	_ =	shalt  }
0x6f: {  	_ =	shalt  }
0x70: {  	_ =	shalt  }
0x71: {  	_ =	shalt  }
0x72: {  	_ =	shalt  }
0x73: {  	_ =	shalt  }
0x74: {  	_ =	shalt  }
0x75: {  	_ =	shalt  }
0x76: {  	_ =	shalt  }
0x77: {  	_ =	shalt  }
0x78: {  	_ =	shalt  }
0x79: {  	_ =	shalt  }
0x7a: {  	_ =	shalt  }
0x7b: {  	_ =	shalt  }
0x7c: {  	_ =	shalt  }
0x7d: {  	_ =	shalt  }
0x7e: {  	_ =	shalt  }
0x7f: {  	_ =	shalt  }
0x80: {  	_ =	shalt  }
0x81: {  	_ =	shalt  }
0x82: {  	_ =	shalt  }
0x83: {  	_ =	shalt  }
0x84: {  	_ =	shalt  }
0x85: {  	_ =	shalt  }
0x86: {  	_ =	shalt  }
0x87: {  	_ =	shalt  }
.Lfunc_end0:
.L_simem_size_0:
called_computation_lowered:
.L_overlay_start_0:
0x88: {  	s2 =	sld [smem:$0x3FD9]  }
0x89: {  	s3 =	sld [smem:$0x3FFE];
	_ =	sdelay $0x1  }
0x8a: {  	s1 =	srdreg.scid  }
0x8b: {  	s0 =	sand.u32 $0x1, s1  }
0x8c: {  	s17 =	sshll.u32 s0, $0xA;
	s2 =	sadd.s32 s3, s2  }
0x8d: {  	s2 =	sadd.s32 s2, s17  }
0x8e: {  	[smem:$0x3FC6] =	sst s2  }
0x8f: {  	_ = 	snop  }
0x90: {  	s2 =	sld [smem:$0x3FD0];
	(tm) =	ssettm $0x1  }
0x91: {  	s18 =	sld [smem:$0x3FFB];
	_ =	sdelay $0x3  }
0x92: {  	_ =	strace s18  }
0x93: {  	s3 =	sld [smem:$0x3FFC];
	_ =	sdelay $0x3  }
0x94: {  	_ =	strace s3  }
0x95: {  	s3 =	sld [smem:$0x3FFD];
	_ =	sdelay $0x3  }
0x96: {  	_ =	strace s3  }
0x97: {  	_ =	strace $0x8FFFFFFF  }
0x98: {  	s19 =	sld [smem:$0x3FDB];
	_ =	sdelay $0x1  }
0x99: {  	s4 =	simm.s32 $_scs_section_size  }
0x9a: {  	s5 =	simm.s32 $_size__tile_overlayer_lowered;
	s6 =	simm.s32 $_tile_overlayer_lowered  }
0x9b: {  	s22 =	simm.s32 $0x1BFF;
	s21 =	sshll.u32 s6, $0x1;
	s3 =	sadd.s32 s4, s19  }
0x9c: {  	s7 =	simm.s32 $0x0;
	s20 =	sshll.u32 s5, $0x1;
	s5 =	sadd.s32 s21, s3  }
0x9d: {  	[timem:s7], [sflag:s22] =	dma.local [hbm:s5], s20  }
0x9e: {  	_ =	swait.ge [sflag:s22], s20  }
0x9f: {  	s4 =	ssub.s32 $0x0, s20;
	[sflag:s22] =	ssyncset.done $0x0  }
0xa0: {  	[sflag:s22] =	ssyncadd.s32 s4;
	_ =	sdelay $0x1  }
0xa1: {  	s23 =	simm.s32 $0x1B8B  }
0xa2: {  	_ =	swait.ge [sflag:s23], $0x1  }
0xa3: {  	[sflag:s23] =	ssyncset.done $0x0  }
0xa4: {  	s25 =	simm.s32 $0x1B8E;
	s24 =	sld [smem:$0x3FFE];
	[sflag:s23] =	ssyncadd.s32 $0xFFFFFFFF  }
0xa5: {  	s26 =	simm.s32 $execute0_lowered;
	[smem:$0x3FD2] =	sst s25  }
0xa6: {  	s5 =	sshll.u32 s26, $0x1;
	_ =	strace $0x80000046;
	[dreg:$0x1] =	wrdreg $0xFFFFFFFF  }
0xa7: {  	s28 =	simm.s32 $_size_execute0_lowered;
	s3 =	sadd.s32 s3, s5;
	[dreg:$0x0] =	wrdreg $0x0  }
0xa8: {  	s5 =	sshll.u32 s28, $0x1;
	[dreg:$0x2] =	wrdreg s3  }
0xa9: {  	[dreg:$0x3] =	wrdreg s5  }
0xaa: {  	[dreg:$0x4] =	wrdreg $0xC0  }
0xab: {  	_ =	task [dreg:s7], $0x5FFFF  }
0xac: {  	[dreg:$0x1] =	wrdreg $0xFFFFFFFF  }
0xad: {  	[dreg:$0x0] =	wrdreg $0x60  }
0xae: {  	[dreg:$0x2] =	wrdreg s24  }
0xaf: {  	[dreg:$0x3] =	wrdreg s2  }
0xb0: {  	[dreg:$0x4] =	wrdreg $0x9  }
0xb1: {  	_ =	task.clear_ibuf [dreg:s7], $0x5FFFF;
	_ =	strace $0x90000046  }
0xb2: {  	s29 =	simm.s32 $0x9;
	_ =	strace $0x8000004F  }
0xb3: {  	_ =	swait.ge [sflag:s29], $0x1  }
0xb4: {  	[sflag:s29] =	ssyncadd.s32 $0xFFFFFFFF  }
0xb5: {  	_ =	strace $0x9000004F  }
0xb6: {  	_ =	sfence  }
0xb7: {  	s30 =	sld [smem:$0x0];
	_ =	sdelay $0x2  }
0xb8: {  	s31 =	sshll.u32 s1, $0xD;
	s1 =	sshrl.u32 s1, $0x2  }
0xb9: {  	s3 =	sand.u32 $0x4000, s31;
	s1 =	sadd.s32 s1, s30  }
0xba: {  	s0 =	sor.u32 s3, s0;
	s1 =	sshll.u32 s1, $0x11  }
0xbb: {  	s0 =	sor.u32 s1, s0  }
0xbc: {  	s0 =	sadd.s32 $0x8F2B, s0  }
0xbd: {  	[sflag:s0] =	ssyncadd.remote.s32 $0x1  }
0xbe: {  	_ =	sfence.sel $0xFFFF  }
0xbf: {  	[dreg:$0x0] =	wrdreg $0xFFFFFFFF;
	(pc) =	sbr.abs _section_cstart, $3  }
0xc0: {  	[dreg:$0x1] =	wrdreg $0xFFFFFFFF  }
0xc1: {  	_ =	task.clear_ibuf [dreg:s7], $0x2FFFF;
	_ =	strace $0x9FFFFFFF  }
0xc2: {  	(tm) =	ssettm $0x7FFFFFFF  }
0xc3: {  	_ =	shalt  }
tec
execute0_lowered:
.L_overlay_start_1:
0x0: {  	(tag) =	ssettag $0x1  }
0x1: {  	s0 =	rddreg [dreg:$0x0]  }
0x2: {  	s1 =	simm.s32 $0x0;
	s25 =	srdreg.scid;
	s4 =	stileid.u32  }
0x3: {  	s11 =	simm.s32 $0x8400;
	s14 =	simm.s32 $0x8800;
	s15 =	simm.s32 $0x9000  }
0x4: {  	s16 =	simm.s32 $0x9800;
	s17 =	simm.s32 $0x9C00;
	s18 =	simm.s32 $0xA000  }
0x5: {  	s19 =	simm.s32 $0xA400;
	s20 =	simm.s32 $0xA800;
	s21 =	simm.s32 $0xAC00  }
0x6: {  	s22 =	simm.s32 $0xB000;
	s23 =	simm.s32 $0xB400;
	s24 =	simm.s32 $0xB800  }
0x7: {  	[smem:$0x7FF] =	sst s1;
	s1 =	sand.u32 $0x1, s25;
	s3 =	sadd.s32 $0xF42A00, s0  }
0x8: {  	s28 =	sadd.s32 $0x600, s0;
	s2 =	ssub.s32 $0x2, s1;
	s1 =	sshll.u32 s1, $0x4  }
0x9: {  	_ =	strace $0x80000047;
	[dreg:$0x3] =	wrdreg s3;
	s1 =	sor.u32 s4, s1  }
0xa: {  	[dreg:$0x4] =	wrdreg s28;
	s26 =	sshrl.u32 s2, $0x1;
	s31 =	sshll.u32 s1, $0x9  }
0xb: {  	v0 =	vlaneseq.u32;
	s30 =	sshll.u32 s1, $0x6;
	s1 =	sshll.u32 s1, $0xC;
	[dreg:$0x5] =	wrdreg s31  }
0xc: {  	v0 =	vmul.u32 $0x20, v0;
	s29 =	ssub.s32 s2, s26;
	s2 =	sadd.s32 s28, s30;
	[dreg:$0x7] =	wrdreg s1  }
0xd: {  	s25 =	simm.s32 $0xBC00;
	s0 =	smax.u32 s29, $0x1;
	[dreg:$0x6] =	wrdreg s2  }
0xe: {  	v1 =	vor.u32 $0x200, v0;
	s26 =	simm.s32 $0xC000;
	s1 =	simm.s32 $0x0;
	[dreg:$0x8] =	wrdreg s0  }
.LBB2_1:
0xf: {  	[dreg:$0x9] =	wrdreg s1;
	s0 =	simm.s32 $0x0  }
0x10: {  	s1 =	simm.s32 $0x0;
	s3 =	simm.s32 $0x0;
	_ =	strace $0x80000048  }
0x11: {  	s7 =	simm.s32 $0x0;
	s4 =	simm.s32 $0x0;
	s31 =	rddreg [dreg:$0x6]  }
0x12: {  	[tilespmem:s0], [sflag:$0x1] =	stream.linear.gather [hbm4b:s31+s0], $0x200, $0x200038;
	[tilespmem:$0xC400] =	vst v63  }
0x13: {  	s5 =	simm.s32 $0x1;
	s6 =	simm.s32 $0x0;
	_ =	strace $0x90000048  }
.LBB2_2:
0x14: {  	s0 =	sadd.s32 $0x1, s1  }
0x15: {  	[dreg:$0xa] =	wrdreg s3;
	p0 =	seq.s32 s0, $0x32  }
0x16: {  	[dreg:$0x10] =	wrdreg s1;
	s0 =	simm.s32 @p0 $0x0  }
0x17: {  	[dreg:$0xe] =	wrdreg s6;
	p6 =	sne.s32 s6, $0x31;
	p1 =	sne.s32 s1, s0  }
0x18: {  	[dreg:$0xd] =	wrdreg s5;
	p0 =	por !p6, !p1  }
0x19: {  	[dreg:$0xf] =	wrdreg s0;
	p0 =	por !p0, !p0  }
0x1a: {  	s1 =	rddreg [dreg:$0x5];
	s0 =	sshll.u32 @p0 s0, $0xE  }
0x1b: {  	_ =	strace @p0 $0x80000049;
	s0 =	sor.u32 @p0 s1, s0;
	s1 =	sand.u32 @p0 $0x1, s5  }
0x1c: {  	s3 =	rddreg [dreg:$0x4];
	s2 =	sshll.u32 @p0 s1, $0x9;
	s0 =	sshrl.u32 @p0 s0, $0x3  }
0x1d: {  	s1 =	sadd.s32 @p0 $0x1, s1;
	s0 =	sadd.s32 @p0 s3, s0;
	s3 =	simm.s32 @p0 $0x0  }
0x1e: {  	[tilespmem:s2], [sflag:s1] =	stream.linear.gather @p0 [hbm4b:s0+s3], $0x200, $0x200038;
	[tilespmem:$0xC400] =	vst v63  }
0x1f: {  	s8 =	sand.u32 $0x1, s4;
	_ =	strace @p0 $0x90000049  }
0x20: {  	s0 =	sadd.s32 $0x1, s8;
	_ =	strace $0x8000004A  }
0x21: {  	_ =	swait.ge [sflag:s0], $0x200  }
0x22: {  	[sflag:s0] =	ssyncset.done $0x0  }
0x23: {  	[sflag:s0] =	ssyncadd.s32 $0xFFFFFE00  }
0x24: {  	_ =	strace $0x9000004A;
	[dreg:$0xc] =	wrdreg s4  }
0x25: {  	s9 =	sshll.u32 s4, $0x9;
	_ =	strace $0x8000004B  }
0x26: {  	s3 =	simm.s32 $0x20;
	s0 =	sand.u32 $0x200, s9;
	s2 =	rddreg [dreg:$0x3]  }
0x27: {  	[tilespmem:s11], [sflag:$0x5] =	stream.indirect.gather [hbm4b:s2+s3], $0x20, s0, s3, $0x2000b8;
	[tilespmem:$0xC400] =	vst v63  }
0x28: {  	s10 =	sor.u32 $0x20, s0  }
0x29: {  	[tilespmem:s14], [sflag:$0x6] =	stream.indirect.gather [hbm4b:s2+s3], $0x20, s10, s3, $0x2000b8;
	[tilespmem:$0xC400] =	vst v63  }
0x2a: {  	s13 =	simm.s32 $0x8C00;
	s12 =	sor.u32 $0x40, s0  }
0x2b: {  	[tilespmem:s13], [sflag:$0x7] =	stream.indirect.gather [hbm4b:s2+s3], $0x20, s12, s3, $0x2000b8;
	[tilespmem:$0xC400] =	vst v63  }
0x2c: {  	s14 =	sor.u32 $0x60, s0  }
0x2d: {  	[tilespmem:s15], [sflag:$0x8] =	stream.indirect.gather [hbm4b:s2+s3], $0x20, s14, s3, $0x2000b8;
	[tilespmem:$0xC400] =	vst v63  }
0x2e: {  	s5 =	simm.s32 $0x9400;
	s4 =	sor.u32 $0x80, s0  }
0x2f: {  	[tilespmem:s5], [sflag:$0x9] =	stream.indirect.gather [hbm4b:s2+s3], $0x20, s4, s3, $0x2000b8;
	[tilespmem:$0xC400] =	vst v63  }
0x30: {  	s6 =	sor.u32 $0xA0, s0  }
0x31: {  	[tilespmem:s16], [sflag:$0xA] =	stream.indirect.gather [hbm4b:s2+s3], $0x20, s6, s3, $0x2000b8;
	[tilespmem:$0xC400] =	vst v63  }
0x32: {  	s8 =	sor.u32 $0xC0, s0  }
0x33: {  	[tilespmem:s17], [sflag:$0xB] =	stream.indirect.gather [hbm4b:s2+s3], $0x20, s8, s3, $0x2000b8;
	[tilespmem:$0xC400] =	vst v63  }
0x34: {  	s9 =	sor.u32 $0xE0, s0  }
0x35: {  	[tilespmem:s18], [sflag:$0xC] =	stream.indirect.gather [hbm4b:s2+s3], $0x20, s9, s3, $0x2000b8;
	[tilespmem:$0xC400] =	vst v63  }
0x36: {  	s10 =	sor.u32 $0x100, s0  }
0x37: {  	[tilespmem:s19], [sflag:$0xD] =	stream.indirect.gather [hbm4b:s2+s3], $0x20, s10, s3, $0x2000b8;
	[tilespmem:$0xC400] =	vst v63  }
0x38: {  	s12 =	sor.u32 $0x120, s0  }
0x39: {  	[tilespmem:s20], [sflag:$0xE] =	stream.indirect.gather [hbm4b:s2+s3], $0x20, s12, s3, $0x2000b8;
	[tilespmem:$0xC400] =	vst v63  }
0x3a: {  	s13 =	sor.u32 $0x140, s0  }
0x3b: {  	[tilespmem:s21], [sflag:$0xF] =	stream.indirect.gather [hbm4b:s2+s3], $0x20, s13, s3, $0x2000b8;
	[tilespmem:$0xC400] =	vst v63  }
0x3c: {  	s14 =	sor.u32 $0x160, s0  }
0x3d: {  	[tilespmem:s22], [sflag:$0x10] =	stream.indirect.gather [hbm4b:s2+s3], $0x20, s14, s3, $0x2000b8;
	[tilespmem:$0xC400] =	vst v63  }
0x3e: {  	s15 =	sor.u32 $0x180, s0  }
0x3f: {  	[tilespmem:s23], [sflag:$0x11] =	stream.indirect.gather [hbm4b:s2+s3], $0x20, s15, s3, $0x2000b8;
	[tilespmem:$0xC400] =	vst v63  }
0x40: {  	s16 =	sor.u32 $0x1A0, s0  }
0x41: {  	[tilespmem:s24], [sflag:$0x12] =	stream.indirect.gather [hbm4b:s2+s3], $0x20, s16, s3, $0x2000b8;
	[tilespmem:$0xC400] =	vst v63  }
0x42: {  	s4 =	sor.u32 $0x1C0, s0;
	s5 =	simm.s32 $0x0;
	s6 =	simm.s32 $0x0  }
0x43: {  	[tilespmem:s25], [sflag:$0x13] =	stream.indirect.gather [hbm4b:s2+s3], $0x20, s4, s3, $0x2000b8;
	[tilespmem:$0xC400] =	vst v63  }
0x44: {  	s1 =	sand.u32 $0x4, s5;
	s0 =	sor.u32 $0x1E0, s0;
	s8 =	sand.u32 $0x7FFFFFF8, s6  }
0x45: {  	[tilespmem:s26], [sflag:$0x14] =	stream.indirect.gather [hbm4b:s2+s3], $0x20, s0, s3, $0x2000b8;
	[tilespmem:$0xC400] =	vst v63  }
0x46: {  	s10 =	sor.u32 s1, s8;
	s0 =	sor.u32 $0x3, s1  }
0x47: {  	v3 =	vmov s10;
	s3 =	sor.u32 $0x1, s1;
	s9 =	sor.u32 s8, s0  }
0x48: {  	v3 =	vand.u32 $0x1C, v3;
	s12 =	sor.u32 s8, s3;
	v2 =	vmov s9  }
0x49: {  	s6 =	sor.u32 $0x2, s1;
	v3 =	vbroadcast v3, $0x0;
	v4 =	vmov s12;
	v2 =	vand.u32 $0x1F, v2  }
0x4a: {  	s2 =	sor.u32 s8, s6;
	v4 =	vand.u32 $0x1D, v4;
	v2 =	vbroadcast v2, $0x0  }
0x4b: {  	s28 =	simm.s32 $0x4;
	s13 =	simm.s32 $0x5;
	v7 =	vor.u32 v0, v3;
	s14 =	sand.u32 $0x1, s7;
	v6 =	vmov s2;
	v4 =	vbroadcast v4, $0x0  }
0x4c: {  	s5 =	sshll.u32 s14, $0xE;
	_ =	swait.ge [sflag:s13], $0x400;
	[dreg:$0xb] =	wrdreg s7;
	v6 =	vand.u32 $0x1E, v6;
	v5 =	vor.u32 v1, v2  }
0x4d: {  	v8 =	vor.u32 v1, v3;
	s15 =	simm.s32 $0x4;
	[dreg:$0x11] =	wrdreg s14;
	[sflag:s13] =	ssyncset.done $0x0;
	v3 =	vbroadcast v6, $0x0;
	v6 =	vor.u32 v0, v4  }
0x4e: {  	s2 =	sand.u32 $0x7FFFFFF8, s15;
	s9 =	sand.u32 $0x4, s28;
	[sflag:s13] =	ssyncadd.s32 $0xFFFFFC00  }
0x4f: {  	s8 =	sor.u32 $0x3, s9;
	s10 =	sor.u32 s9, s2;
	s29 =	sor.u32 $0x1, s9;
	v9 =	vor.u32 v1, v4  }
0x50: {  	s31 =	sor.u32 $0x2, s9;
	v11 =	vmov s10;
	s16 =	sor.u32 s2, s8;
	s12 =	sor.u32 s2, s29;
	v10 =	vor.u32 v0, v3;
	v4 =	vld.idx.msk [tilespmem:v7+s11+$0x0], $0xffff  }
0x51: {  	s5 =	sor.u32 $0x400, s5;
	s4 =	sshll.u32 s3, $0x7;
	s2 =	sor.u32 s2, s31;
	v3 =	vor.u32 v1, v3;
	v7 =	vmov s12;
	v16 =	vld.idx.msk [tilespmem:v5+s11+$0x0], $0xffff;
	v5 =	vmov s16  }
0x52: {  	s14 =	sshll.u32 s6, $0x7;
	s15 =	simm.s32 $0x0;
	s6 =	simm.s32 $0x8;
	v12 =	vmov s2;
	v7 =	vand.u32 $0x1D, v7;
	v6 =	vld.idx.msk [tilespmem:v6+s11+$0x0], $0xffff;
	v13 =	vand.u32 $0x1F, v5  }
0x53: {  	s0 =	sshll.u32 s0, $0x7;
	s13 =	sshll.u32 s1, $0x7;
	s1 =	sand.u32 $0x3FFFF000, s15;
	v14 =	vbroadcast v7, $0x0;
	v5 =	vld.idx.msk [tilespmem:v8+s11+$0x0], $0xffff;
	v8 =	vand.u32 $0x1C, v11;
	v11 =	vbroadcast v13, $0x0  }
0x54: {  	s30 =	sshll.u32 s9, $0x7;
	s29 =	sshll.u32 s29, $0x7;
	v2 =	vor.u32 v0, v2;
	s16 =	sadd.s32 s1, s5;
	v7 =	vld.idx.msk [tilespmem:v9+s11+$0x0], $0xffff;
	v17 =	vbroadcast v8, $0x0;
	v8 =	vand.u32 $0x1E, v12  }
0x55: {  	s1 =	sshll.u32 s31, $0x7;
	s3 =	sadd.s32 s13, s16;
	s31 =	sadd.s32 s0, s16;
	v15 =	vbroadcast v8, $0x0;
	v8 =	vld.idx.msk [tilespmem:v10+s11+$0x0], $0xffff;
	v10 =	vor.u32 v0, v14;
	v9 =	vor.u32 v0, v11  }
0x56: {  	s10 =	sadd.s32 s4, s16;
	s2 =	sadd.s32 s14, s16;
	s0 =	simm.s32 $0x8;
	v12 =	vor.u32 v1, v11;
	v13 =	vor.u32 v0, v17;
	v11 =	vor.u32 v1, v17;
	[tilespmem:s31+$0x10] =	vst v16  }
.LBB2_3:
0x57: {  	s6 =	sadd.s32 $0x8, s6;
	s28 =	sadd.s32 $0x4, s28  }
0x58: {  	v16 =	vor.u32 v1, v14;
	v17 =	vor.u32 v0, v15;
	v14 =	vld.idx.msk [tilespmem:v3+s11+$0x0], $0xffff;
	v3 =	vor.u32 v1, v15;
	s9 =	smov.u32 s1;
	s14 =	simm.s32 $0x8400;
	s0 =	sshll.u32 s0, $0x8  }
0x59: {  	s1 =	sand.u32 $0x4, s28;
	s4 =	sshrl.u32 s6, $0x1;
	p2 =	slt.u32 s6, $0x38;
	[tilespmem:s3+$0x0] =	vst v4;
	v15 =	vld.idx.msk [tilespmem:v2+s11+$0x0], $0xffff;
	v2 =	vmov v9  }
0x5a: {  	s4 =	sand.u32 $0x7FFFFFF8, s4;
	s7 =	sor.u32 $0x1, s1;
	s11 =	sor.u32 $0x3, s1;
	[tilespmem:s3+$0x10] =	vst v5  }
0x5b: {  	s12 =	sor.u32 $0x2, s1;
	s3 =	sor.u32 s1, s4;
	s13 =	sor.u32 s4, s11;
	v18 =	vld.idx.msk [tilespmem:v12+s14+$0x0], $0xffff;
	[tilespmem:s10+$0x0] =	vst v6  }
0x5c: {  	v6 =	vmov s3;
	s3 =	sor.u32 s4, s7;
	s7 =	sshll.u32 s7, $0x7;
	s4 =	sor.u32 s4, s12;
	v5 =	vmov s13;
	v4 =	vld.idx.msk [tilespmem:v13+s14+$0x0], $0xffff;
	[tilespmem:s10+$0x10] =	vst v7  }
.Ltmp0:
0x5d: {  	s13 =	sshll.u32 s1, $0x7;
	s1 =	sshll.u32 s12, $0x7;
	v7 =	vmov s3;
	v9 =	vmov s4;
	v12 =	vand.u32 $0x1F, v5;
	v5 =	vld.idx.msk [tilespmem:v11+s14+$0x0], $0xffff;
	[tilespmem:s2+$0x0] =	vst v8;
	(pc) =	sbr.rel @p2 .LBB2_3-.Ltmp0, $4  }
0x5e: {  	v8 =	vand.u32 $0x1C, v6;
	s3 =	sand.u32 $0x3FFFF000, s0;
	s0 =	smov.u32 s6;
	s4 =	sshll.u32 s8, $0x7;
	v7 =	vand.u32 $0x1D, v7;
	v11 =	vbroadcast v12, $0x0;
	v6 =	vld.idx.msk [tilespmem:v10+s14+$0x0], $0xffff;
	[tilespmem:s2+$0x10] =	vst v14  }
0x5f: {  	s8 =	smov.u32 s11;
	s11 =	simm.s32 $0x8400;
	v10 =	vbroadcast v8, $0x0;
	v8 =	vand.u32 $0x1E, v9;
	s2 =	sadd.s32 s3, s5;
	v14 =	vbroadcast v7, $0x0;
	v7 =	vld.idx.msk [tilespmem:v16+s14+$0x0], $0xffff;
	[tilespmem:s31+$0x0] =	vst v15  }
0x60: {  	v15 =	vbroadcast v8, $0x0;
	s3 =	sadd.s32 s30, s2;
	s10 =	sadd.s32 s29, s2;
	s31 =	sadd.s32 s4, s2;
	v9 =	vor.u32 v0, v11;
	v12 =	vor.u32 v1, v11;
	v8 =	vld.idx.msk [tilespmem:v17+s11+$0x0], $0xffff  }
0x61: {  	s2 =	sadd.s32 s9, s2;
	s29 =	smov.u32 s7;
	s30 =	smov.u32 s13;
	v13 =	vor.u32 v0, v10;
	v11 =	vor.u32 v1, v10;
	v10 =	vor.u32 v0, v14;
	[tilespmem:s31+$0x10] =	vst v18  }
0x62: {  	_ =	sdelay $0x3  }
0x63: {  	v3 =	vld.idx.msk [tilespmem:v3+s11+$0x0], $0xffff;
	[tilespmem:s3+$0x0] =	vst v4;
	v4 =	vor.u32 v1, v14  }
0x64: {  	v2 =	vld.idx.msk [tilespmem:v2+s11+$0x0], $0xffff;
	[tilespmem:s3+$0x10] =	vst v5;
	v5 =	vor.u32 v0, v15  }
0x65: {  	v12 =	vld.idx.msk [tilespmem:v12+s11+$0x0], $0xffff;
	[tilespmem:s10+$0x0] =	vst v6;
	v6 =	vor.u32 v1, v15  }
0x66: {  	v13 =	vld.idx.msk [tilespmem:v13+s11+$0x0], $0xffff;
	s0 =	sshll.u32 s0, $0x8;
	[tilespmem:s10+$0x10] =	vst v7  }
0x67: {  	s0 =	sand.u32 $0x3FFFF000, s0;
	v7 =	vld.idx.msk [tilespmem:v11+s11+$0x0], $0xffff;
	[tilespmem:s2+$0x0] =	vst v8  }
0x68: {  	s9 =	sshll.u32 s8, $0x7;
	s12 =	simm.s32 $0x0;
	s3 =	sadd.s32 s0, s5;
	[tilespmem:s2+$0x10] =	vst v3;
	v3 =	vld.idx.msk [tilespmem:v4+s11+$0x0], $0xffff  }
0x69: {  	s13 =	simm.s32 $0x0;
	s6 =	sand.u32 $0x4, s12;
	s10 =	sadd.s32 s9, s3;
	[tilespmem:s31+$0x0] =	vst v2;
	v2 =	vld.idx.msk [tilespmem:v5+s11+$0x0], $0xffff  }
0x6a: {  	s7 =	sand.u32 $0x7FFFFFF8, s13;
	s0 =	sor.u32 $0x3, s6;
	s4 =	sadd.s32 s30, s3;
	[tilespmem:s10+$0x10] =	vst v12;
	v4 =	vld.idx.msk [tilespmem:v6+s11+$0x0], $0xffff  }
0x6b: {  	s15 =	sor.u32 s7, s0;
	[tilespmem:s4+$0x0] =	vst v13;
	v5 =	vld.idx.msk [tilespmem:v9+s11+$0x0], $0xffff  }
0x6c: {  	v8 =	vld.idx.msk [tilespmem:v10+s11+$0x0], $0xffff;
	s14 =	sadd.s32 s29, s3;
	s9 =	sor.u32 s6, s7;
	v6 =	vmov s15;
	[tilespmem:s4+$0x10] =	vst v7  }
0x6d: {  	s16 =	sor.u32 $0x1, s6;
	s1 =	sadd.s32 s1, s3;
	v6 =	vand.u32 $0x1F, v6;
	[tilespmem:s14+$0x10] =	vst v3;
	v3 =	vmov s9  }
0x6e: {  	[tilespmem:s1+$0x0] =	vst v2;
	s9 =	sor.u32 s7, s16;
	v2 =	vand.u32 $0x1C, v3;
	v3 =	vbroadcast v6, $0x0  }
0x6f: {  	s28 =	simm.s32 $0x4;
	[tilespmem:s1+$0x10] =	vst v4;
	s1 =	sor.u32 $0x2, s6;
	v4 =	vmov s9;
	v2 =	vbroadcast v2, $0x0  }
0x70: {  	s3 =	sand.u32 $0x4, s28;
	[tilespmem:s10+$0x0] =	vst v5;
	s10 =	sor.u32 s7, s1;
	v4 =	vand.u32 $0x1D, v4;
	v5 =	vor.u32 v1, v3  }
0x71: {  	s12 =	simm.s32 $0x4;
	s8 =	sor.u32 $0x3, s3;
	s11 =	simm.s32 $0x6;
	[tilespmem:s14+$0x0] =	vst v8;
	v6 =	vmov s10;
	v4 =	vbroadcast v4, $0x0;
	v7 =	vor.u32 v0, v2  }
0x72: {  	s2 =	sshll.u32 s16, $0x7;
	s4 =	sand.u32 $0x7FFFFFF8, s12;
	_ =	swait.ge [sflag:s11], $0x400;
	v6 =	vand.u32 $0x1E, v6;
	v8 =	vor.u32 v1, v2  }
0x73: {  	s13 =	sor.u32 s3, s4;
	s14 =	simm.s32 $0x8800;
	[sflag:s11] =	ssyncset.done $0x0;
	v6 =	vbroadcast v6, $0x0;
	v9 =	vor.u32 v0, v4  }
0x74: {  	s7 =	sor.u32 $0x1, s3;
	s10 =	sor.u32 $0x2, s3;
	[sflag:s11] =	ssyncadd.s32 $0xFFFFFC00;
	v10 =	vor.u32 v1, v4  }
0x75: {  	s15 =	sor.u32 s4, s8;
	s16 =	sor.u32 s4, s7;
	v2 =	vor.u32 v0, v3;
	s4 =	sor.u32 s4, s10;
	v11 =	vor.u32 v0, v6;
	v16 =	vld.idx.msk [tilespmem:v5+s14+$0x0], $0xffff  }
0x76: {  	v12 =	vmov s4;
	v3 =	vor.u32 v1, v6;
	v5 =	vmov s15;
	v4 =	vld.idx.msk [tilespmem:v7+s14+$0x0], $0xffff  }
0x77: {  	s0 =	sshll.u32 s0, $0x7;
	s30 =	sshll.u32 s3, $0x7;
	v6 =	vmov s13;
	s15 =	simm.s32 $0x0;
	v7 =	vmov s16;
	v13 =	vand.u32 $0x1F, v5;
	v5 =	vld.idx.msk [tilespmem:v8+s14+$0x0], $0xffff  }
0x78: {  	s12 =	sshll.u32 s1, $0x7;
	s29 =	sshll.u32 s7, $0x7;
	v8 =	vand.u32 $0x1C, v6;
	s1 =	sand.u32 $0x3FFFF000, s15;
	v7 =	vand.u32 $0x1D, v7;
	v13 =	vbroadcast v13, $0x0;
	v6 =	vld.idx.msk [tilespmem:v9+s14+$0x0], $0xffff  }
0x79: {  	s13 =	sshll.u32 s6, $0x7;
	s6 =	simm.s32 $0x8;
	v17 =	vbroadcast v8, $0x0;
	v8 =	vand.u32 $0x1E, v12;
	s16 =	sadd.s32 s1, s5;
	v14 =	vbroadcast v7, $0x0;
	v7 =	vld.idx.msk [tilespmem:v10+s14+$0x0], $0xffff  }
0x7a: {  	s1 =	sshll.u32 s10, $0x7;
	v15 =	vbroadcast v8, $0x0;
	s3 =	sadd.s32 s13, s16;
	s31 =	sadd.s32 s0, s16;
	v9 =	vor.u32 v0, v13;
	v12 =	vor.u32 v1, v13;
	v8 =	vld.idx.msk [tilespmem:v11+s14+$0x0], $0xffff  }
0x7b: {  	s10 =	sadd.s32 s2, s16;
	s2 =	sadd.s32 s12, s16;
	s0 =	simm.s32 $0x8;
	v13 =	vor.u32 v0, v17;
	v11 =	vor.u32 v1, v17;
	v10 =	vor.u32 v0, v14;
	[tilespmem:s31+$0x30] =	vst v16  }
.LBB2_5:
0x7c: {  	s6 =	sadd.s32 $0x8, s6  }
0x7d: {  	v16 =	vor.u32 v1, v14;
	v17 =	vor.u32 v0, v15;
	s28 =	sadd.s32 $0x4, s28;
	v14 =	vld.idx.msk [tilespmem:v3+s14+$0x0], $0xffff;
	v3 =	vor.u32 v1, v15;
	s9 =	smov.u32 s1;
	s0 =	sshll.u32 s0, $0x8  }
0x7e: {  	s1 =	sand.u32 $0x4, s28;
	s4 =	sshrl.u32 s6, $0x1;
	p2 =	slt.u32 s6, $0x38;
	[tilespmem:s3+$0x20] =	vst v4;
	v15 =	vld.idx.msk [tilespmem:v2+s14+$0x0], $0xffff;
	v2 =	vmov v9  }
0x7f: {  	s4 =	sand.u32 $0x7FFFFFF8, s4;
	s7 =	sor.u32 $0x1, s1;
	s11 =	sor.u32 $0x3, s1;
	[tilespmem:s3+$0x30] =	vst v5  }
0x80: {  	s12 =	sor.u32 $0x2, s1;
	s3 =	sor.u32 s1, s4;
	s13 =	sor.u32 s4, s11;
	v18 =	vld.idx.msk [tilespmem:v12+s14+$0x0], $0xffff;
	[tilespmem:s10+$0x20] =	vst v6  }
0x81: {  	v6 =	vmov s3;
	s3 =	sor.u32 s4, s7;
	s7 =	sshll.u32 s7, $0x7;
	s4 =	sor.u32 s4, s12;
	v5 =	vmov s13;
	v4 =	vld.idx.msk [tilespmem:v13+s14+$0x0], $0xffff;
	[tilespmem:s10+$0x30] =	vst v7  }
.Ltmp1:
0x82: {  	s13 =	sshll.u32 s1, $0x7;
	s1 =	sshll.u32 s12, $0x7;
	v7 =	vmov s3;
	v9 =	vmov s4;
	v12 =	vand.u32 $0x1F, v5;
	v5 =	vld.idx.msk [tilespmem:v11+s14+$0x0], $0xffff;
	[tilespmem:s2+$0x20] =	vst v8;
	(pc) =	sbr.rel @p2 .LBB2_5-.Ltmp1, $4  }
0x83: {  	v8 =	vand.u32 $0x1C, v6;
	s3 =	sand.u32 $0x3FFFF000, s0;
	s0 =	smov.u32 s6;
	v7 =	vand.u32 $0x1D, v7;
	v11 =	vbroadcast v12, $0x0;
	v6 =	vld.idx.msk [tilespmem:v10+s14+$0x0], $0xffff;
	[tilespmem:s2+$0x30] =	vst v14  }
0x84: {  	s4 =	sshll.u32 s8, $0x7;
	s8 =	smov.u32 s11;
	v10 =	vbroadcast v8, $0x0;
	v8 =	vand.u32 $0x1E, v9;
	s2 =	sadd.s32 s3, s5;
	v14 =	vbroadcast v7, $0x0;
	v7 =	vld.idx.msk [tilespmem:v16+s14+$0x0], $0xffff;
	[tilespmem:s31+$0x20] =	vst v15  }
0x85: {  	v15 =	vbroadcast v8, $0x0;
	s3 =	sadd.s32 s30, s2;
	s10 =	sadd.s32 s29, s2;
	s31 =	sadd.s32 s4, s2;
	v9 =	vor.u32 v0, v11;
	v12 =	vor.u32 v1, v11;
	v8 =	vld.idx.msk [tilespmem:v17+s14+$0x0], $0xffff  }
0x86: {  	s2 =	sadd.s32 s9, s2;
	s29 =	smov.u32 s7;
	s30 =	smov.u32 s13;
	v13 =	vor.u32 v0, v10;
	v11 =	vor.u32 v1, v10;
	v10 =	vor.u32 v0, v14;
	[tilespmem:s31+$0x30] =	vst v18  }
0x87: {  	_ =	sdelay $0x3  }
0x88: {  	v3 =	vld.idx.msk [tilespmem:v3+s14+$0x0], $0xffff;
	[tilespmem:s3+$0x20] =	vst v4;
	v4 =	vor.u32 v1, v14  }
0x89: {  	v2 =	vld.idx.msk [tilespmem:v2+s14+$0x0], $0xffff;
	[tilespmem:s3+$0x30] =	vst v5;
	v5 =	vor.u32 v0, v15  }
0x8a: {  	v12 =	vld.idx.msk [tilespmem:v12+s14+$0x0], $0xffff;
	[tilespmem:s10+$0x20] =	vst v6;
	v6 =	vor.u32 v1, v15  }
0x8b: {  	v13 =	vld.idx.msk [tilespmem:v13+s14+$0x0], $0xffff;
	s0 =	sshll.u32 s0, $0x8;
	[tilespmem:s10+$0x30] =	vst v7  }
0x8c: {  	s0 =	sand.u32 $0x3FFFF000, s0;
	v7 =	vld.idx.msk [tilespmem:v11+s14+$0x0], $0xffff;
	[tilespmem:s2+$0x20] =	vst v8  }
0x8d: {  	s11 =	simm.s32 $0x0;
	s16 =	sadd.s32 s0, s5;
	s10 =	sshll.u32 s8, $0x7;
	[tilespmem:s2+$0x30] =	vst v3;
	v3 =	vld.idx.msk [tilespmem:v4+s14+$0x0], $0xffff  }
0x8e: {  	s12 =	simm.s32 $0x0;
	s6 =	sand.u32 $0x4, s11;
	s3 =	sadd.s32 s10, s16;
	[tilespmem:s31+$0x20] =	vst v2;
	v2 =	vld.idx.msk [tilespmem:v5+s14+$0x0], $0xffff  }
0x8f: {  	s7 =	sand.u32 $0x7FFFFFF8, s12;
	s0 =	sor.u32 $0x3, s6;
	s4 =	sadd.s32 s30, s16;
	[tilespmem:s3+$0x30] =	vst v12;
	v4 =	vld.idx.msk [tilespmem:v6+s14+$0x0], $0xffff  }
0x90: {  	s15 =	sor.u32 s7, s0;
	[tilespmem:s4+$0x20] =	vst v13;
	v5 =	vld.idx.msk [tilespmem:v9+s14+$0x0], $0xffff  }
0x91: {  	s9 =	sor.u32 s6, s7;
	v8 =	vld.idx.msk [tilespmem:v10+s14+$0x0], $0xffff;
	s13 =	sadd.s32 s29, s16;
	v6 =	vmov s15;
	[tilespmem:s4+$0x30] =	vst v7  }
0x92: {  	s1 =	sadd.s32 s1, s16;
	s16 =	sor.u32 $0x1, s6;
	v6 =	vand.u32 $0x1F, v6;
	[tilespmem:s13+$0x30] =	vst v3;
	v3 =	vmov s9  }
0x93: {  	s10 =	sor.u32 s7, s16;
	[tilespmem:s1+$0x20] =	vst v2;
	v2 =	vand.u32 $0x1C, v3;
	v3 =	vbroadcast v6, $0x0  }
0x94: {  	[tilespmem:s1+$0x30] =	vst v4;
	s1 =	sor.u32 $0x2, s6;
	v4 =	vmov s10;
	v2 =	vbroadcast v2, $0x0  }
0x95: {  	[tilespmem:s3+$0x20] =	vst v5;
	s11 =	sor.u32 s7, s1;
	v4 =	vand.u32 $0x1D, v4;
	v5 =	vor.u32 v1, v3  }
0x96: {  	s28 =	simm.s32 $0x4;
	s12 =	simm.s32 $0x7;
	s2 =	sshll.u32 s16, $0x7;
	[tilespmem:s13+$0x20] =	vst v8;
	v6 =	vmov s11;
	v4 =	vbroadcast v4, $0x0;
	v7 =	vor.u32 v0, v2  }
0x97: {  	s3 =	sand.u32 $0x4, s28;
	s13 =	simm.s32 $0x4;
	_ =	swait.ge [sflag:s12], $0x400;
	v6 =	vand.u32 $0x1E, v6;
	v8 =	vor.u32 v1, v2  }
0x98: {  	s4 =	sand.u32 $0x7FFFFFF8, s13;
	s8 =	sor.u32 $0x3, s3;
	[sflag:s12] =	ssyncset.done $0x0;
	v6 =	vbroadcast v6, $0x0;
	v9 =	vor.u32 v0, v4  }
0x99: {  	s10 =	sor.u32 $0x2, s3;
	s13 =	simm.s32 $0x8C00;
	[sflag:s12] =	ssyncadd.s32 $0xFFFFFC00;
	v10 =	vor.u32 v1, v4  }
0x9a: {  	s7 =	sor.u32 $0x1, s3;
	s15 =	sor.u32 s3, s4;
	s11 =	sor.u32 s4, s8;
	v2 =	vor.u32 v0, v3;
	v11 =	vor.u32 v0, v6;
	v16 =	vld.idx.msk [tilespmem:v5+s13+$0x0], $0xffff  }
0x9b: {  	s16 =	sor.u32 s4, s7;
	s4 =	sor.u32 s4, s10;
	v3 =	vor.u32 v1, v6;
	v6 =	vmov s15;
	s15 =	simm.s32 $0x0;
	v5 =	vmov s11;
	v4 =	vld.idx.msk [tilespmem:v7+s13+$0x0], $0xffff  }
0x9c: {  	s0 =	sshll.u32 s0, $0x7;
	s12 =	sshll.u32 s1, $0x7;
	v12 =	vmov s4;
	s1 =	sand.u32 $0x3FFFF000, s15;
	v7 =	vmov s16;
	v13 =	vand.u32 $0x1F, v5;
	v5 =	vld.idx.msk [tilespmem:v8+s13+$0x0], $0xffff  }
0x9d: {  	s30 =	sshll.u32 s3, $0x7;
	s11 =	sshll.u32 s6, $0x7;
	v8 =	vand.u32 $0x1C, v6;
	s16 =	sadd.s32 s1, s5;
	v7 =	vand.u32 $0x1D, v7;
	v13 =	vbroadcast v13, $0x0;
	v6 =	vld.idx.msk [tilespmem:v9+s13+$0x0], $0xffff  }
0x9e: {  	s29 =	sshll.u32 s7, $0x7;
	v17 =	vbroadcast v8, $0x0;
	v8 =	vand.u32 $0x1E, v12;
	s3 =	sadd.s32 s11, s16;
	s11 =	simm.s32 $0x8C00;
	v14 =	vbroadcast v7, $0x0;
	v7 =	vld.idx.msk [tilespmem:v10+s13+$0x0], $0xffff  }
0x9f: {  	s6 =	simm.s32 $0x8;
	s1 =	sshll.u32 s10, $0x7;
	s31 =	sadd.s32 s0, s16;
	v15 =	vbroadcast v8, $0x0;
	v9 =	vor.u32 v0, v13;
	v12 =	vor.u32 v1, v13;
	v8 =	vld.idx.msk [tilespmem:v11+s11+$0x0], $0xffff  }
0xa0: {  	s10 =	sadd.s32 s2, s16;
	s2 =	sadd.s32 s12, s16;
	s0 =	simm.s32 $0x8;
	v13 =	vor.u32 v0, v17;
	v11 =	vor.u32 v1, v17;
	v10 =	vor.u32 v0, v14;
	[tilespmem:s31+$0x50] =	vst v16  }
.LBB2_7:
0xa1: {  	s6 =	sadd.s32 $0x8, s6;
	s28 =	sadd.s32 $0x4, s28  }
0xa2: {  	v16 =	vor.u32 v1, v14;
	v17 =	vor.u32 v0, v15;
	v14 =	vld.idx.msk [tilespmem:v3+s11+$0x0], $0xffff;
	v3 =	vor.u32 v1, v15;
	s9 =	smov.u32 s1;
	s15 =	simm.s32 $0x8C00;
	s0 =	sshll.u32 s0, $0x8  }
0xa3: {  	s1 =	sand.u32 $0x4, s28;
	s4 =	sshrl.u32 s6, $0x1;
	p2 =	slt.u32 s6, $0x38;
	[tilespmem:s3+$0x40] =	vst v4;
	v15 =	vld.idx.msk [tilespmem:v2+s11+$0x0], $0xffff;
	v2 =	vmov v9  }
0xa4: {  	s4 =	sand.u32 $0x7FFFFFF8, s4;
	s7 =	sor.u32 $0x1, s1;
	s11 =	sor.u32 $0x3, s1;
	[tilespmem:s3+$0x50] =	vst v5  }
0xa5: {  	s12 =	sor.u32 $0x2, s1;
	s3 =	sor.u32 s1, s4;
	s13 =	sor.u32 s4, s11;
	v18 =	vld.idx.msk [tilespmem:v12+s15+$0x0], $0xffff;
	[tilespmem:s10+$0x40] =	vst v6  }
0xa6: {  	v6 =	vmov s3;
	s3 =	sor.u32 s4, s7;
	s7 =	sshll.u32 s7, $0x7;
	s4 =	sor.u32 s4, s12;
	v5 =	vmov s13;
	v4 =	vld.idx.msk [tilespmem:v13+s15+$0x0], $0xffff;
	[tilespmem:s10+$0x50] =	vst v7  }
.Ltmp2:
0xa7: {  	s13 =	sshll.u32 s1, $0x7;
	s1 =	sshll.u32 s12, $0x7;
	v7 =	vmov s3;
	v9 =	vmov s4;
	v12 =	vand.u32 $0x1F, v5;
	v5 =	vld.idx.msk [tilespmem:v11+s15+$0x0], $0xffff;
	[tilespmem:s2+$0x40] =	vst v8;
	(pc) =	sbr.rel @p2 .LBB2_7-.Ltmp2, $4  }
0xa8: {  	v8 =	vand.u32 $0x1C, v6;
	s3 =	sand.u32 $0x3FFFF000, s0;
	s0 =	smov.u32 s6;
	s4 =	sshll.u32 s8, $0x7;
	v7 =	vand.u32 $0x1D, v7;
	v11 =	vbroadcast v12, $0x0;
	v6 =	vld.idx.msk [tilespmem:v10+s15+$0x0], $0xffff;
	[tilespmem:s2+$0x50] =	vst v14  }
0xa9: {  	s8 =	smov.u32 s11;
	s11 =	simm.s32 $0x8C00;
	v10 =	vbroadcast v8, $0x0;
	v8 =	vand.u32 $0x1E, v9;
	s2 =	sadd.s32 s3, s5;
	v14 =	vbroadcast v7, $0x0;
	v7 =	vld.idx.msk [tilespmem:v16+s15+$0x0], $0xffff;
	[tilespmem:s31+$0x40] =	vst v15  }
0xaa: {  	v15 =	vbroadcast v8, $0x0;
	s3 =	sadd.s32 s30, s2;
	s10 =	sadd.s32 s29, s2;
	s31 =	sadd.s32 s4, s2;
	v9 =	vor.u32 v0, v11;
	v12 =	vor.u32 v1, v11;
	v8 =	vld.idx.msk [tilespmem:v17+s11+$0x0], $0xffff  }
0xab: {  	s2 =	sadd.s32 s9, s2;
	s29 =	smov.u32 s7;
	s30 =	smov.u32 s13;
	v13 =	vor.u32 v0, v10;
	v11 =	vor.u32 v1, v10;
	v10 =	vor.u32 v0, v14;
	[tilespmem:s31+$0x50] =	vst v18  }
0xac: {  	_ =	sdelay $0x3  }
0xad: {  	v3 =	vld.idx.msk [tilespmem:v3+s11+$0x0], $0xffff;
	[tilespmem:s3+$0x40] =	vst v4;
	v4 =	vor.u32 v1, v14  }
0xae: {  	v2 =	vld.idx.msk [tilespmem:v2+s11+$0x0], $0xffff;
	[tilespmem:s3+$0x50] =	vst v5;
	v5 =	vor.u32 v0, v15  }
0xaf: {  	v12 =	vld.idx.msk [tilespmem:v12+s11+$0x0], $0xffff;
	[tilespmem:s10+$0x40] =	vst v6;
	v6 =	vor.u32 v1, v15  }
0xb0: {  	v13 =	vld.idx.msk [tilespmem:v13+s11+$0x0], $0xffff;
	s0 =	sshll.u32 s0, $0x8;
	[tilespmem:s10+$0x50] =	vst v7  }
0xb1: {  	s0 =	sand.u32 $0x3FFFF000, s0;
	v7 =	vld.idx.msk [tilespmem:v11+s11+$0x0], $0xffff;
	[tilespmem:s2+$0x40] =	vst v8  }
0xb2: {  	s9 =	sshll.u32 s8, $0x7;
	s16 =	sadd.s32 s0, s5;
	s10 =	simm.s32 $0x0;
	[tilespmem:s2+$0x50] =	vst v3;
	v3 =	vld.idx.msk [tilespmem:v4+s11+$0x0], $0xffff  }
0xb3: {  	s12 =	simm.s32 $0x0;
	s3 =	sadd.s32 s9, s16;
	s6 =	sand.u32 $0x4, s10;
	[tilespmem:s31+$0x40] =	vst v2;
	v2 =	vld.idx.msk [tilespmem:v5+s11+$0x0], $0xffff  }
0xb4: {  	s7 =	sand.u32 $0x7FFFFFF8, s12;
	s4 =	sadd.s32 s30, s16;
	s0 =	sor.u32 $0x3, s6;
	[tilespmem:s3+$0x50] =	vst v12;
	v4 =	vld.idx.msk [tilespmem:v6+s11+$0x0], $0xffff  }
0xb5: {  	[tilespmem:s4+$0x40] =	vst v13;
	v5 =	vld.idx.msk [tilespmem:v9+s11+$0x0], $0xffff;
	s15 =	sor.u32 s7, s0  }
0xb6: {  	v8 =	vld.idx.msk [tilespmem:v10+s11+$0x0], $0xffff;
	s13 =	sadd.s32 s29, s16;
	s9 =	sor.u32 s6, s7;
	v6 =	vmov s15;
	[tilespmem:s4+$0x50] =	vst v7  }
0xb7: {  	s1 =	sadd.s32 s1, s16;
	s16 =	sor.u32 $0x1, s6;
	v6 =	vand.u32 $0x1F, v6;
	[tilespmem:s13+$0x50] =	vst v3;
	v3 =	vmov s9  }
0xb8: {  	s8 =	sor.u32 s7, s16;
	[tilespmem:s1+$0x40] =	vst v2;
	v2 =	vand.u32 $0x1C, v3;
	v3 =	vbroadcast v6, $0x0  }
0xb9: {  	[tilespmem:s1+$0x50] =	vst v4;
	s1 =	sor.u32 $0x2, s6;
	v4 =	vmov s8;
	v2 =	vbroadcast v2, $0x0  }
0xba: {  	s28 =	simm.s32 $0x4;
	s10 =	simm.s32 $0x8;
	[tilespmem:s3+$0x40] =	vst v5;
	s9 =	sor.u32 s7, s1;
	v4 =	vand.u32 $0x1D, v4;
	v5 =	vor.u32 v1, v3  }
0xbb: {  	s2 =	sshll.u32 s16, $0x7;
	s11 =	simm.s32 $0x4;
	s15 =	simm.s32 $0x9000;
	[tilespmem:s13+$0x40] =	vst v8;
	v6 =	vmov s9;
	v4 =	vbroadcast v4, $0x0;
	v7 =	vor.u32 v0, v2  }
0xbc: {  	s4 =	sand.u32 $0x7FFFFFF8, s11;
	s3 =	sand.u32 $0x4, s28;
	_ =	swait.ge [sflag:s10], $0x400;
	v6 =	vand.u32 $0x1E, v6;
	v8 =	vor.u32 v1, v2  }
0xbd: {  	s8 =	sor.u32 $0x3, s3;
	s12 =	sor.u32 s3, s4;
	[sflag:s10] =	ssyncset.done $0x0;
	v6 =	vbroadcast v6, $0x0;
	v9 =	vor.u32 v0, v4  }
0xbe: {  	s7 =	sor.u32 $0x1, s3;
	[sflag:s10] =	ssyncadd.s32 $0xFFFFFC00;
	s10 =	sor.u32 $0x2, s3;
	v10 =	vor.u32 v1, v4  }
0xbf: {  	s13 =	sor.u32 s4, s8;
	s16 =	sor.u32 s4, s7;
	v2 =	vor.u32 v0, v3;
	s4 =	sor.u32 s4, s10;
	v11 =	vor.u32 v0, v6;
	v16 =	vld.idx.msk [tilespmem:v5+s15+$0x0], $0xffff  }
0xc0: {  	v12 =	vmov s4;
	v3 =	vor.u32 v1, v6;
	v5 =	vmov s13;
	v4 =	vld.idx.msk [tilespmem:v7+s15+$0x0], $0xffff  }
0xc1: {  	s0 =	sshll.u32 s0, $0x7;
	s11 =	sshll.u32 s6, $0x7;
	v6 =	vmov s12;
	s13 =	simm.s32 $0x0;
	v7 =	vmov s16;
	v13 =	vand.u32 $0x1F, v5;
	v5 =	vld.idx.msk [tilespmem:v8+s15+$0x0], $0xffff  }
0xc2: {  	s6 =	simm.s32 $0x8;
	s12 =	sshll.u32 s1, $0x7;
	v8 =	vand.u32 $0x1C, v6;
	s1 =	sand.u32 $0x3FFFF000, s13;
	v7 =	vand.u32 $0x1D, v7;
	v13 =	vbroadcast v13, $0x0;
	v6 =	vld.idx.msk [tilespmem:v9+s15+$0x0], $0xffff  }
0xc3: {  	s30 =	sshll.u32 s3, $0x7;
	s29 =	sshll.u32 s7, $0x7;
	v17 =	vbroadcast v8, $0x0;
	v8 =	vand.u32 $0x1E, v12;
	s16 =	sadd.s32 s1, s5;
	v14 =	vbroadcast v7, $0x0;
	v7 =	vld.idx.msk [tilespmem:v10+s15+$0x0], $0xffff  }
0xc4: {  	s1 =	sshll.u32 s10, $0x7;
	v15 =	vbroadcast v8, $0x0;
	s3 =	sadd.s32 s11, s16;
	s31 =	sadd.s32 s0, s16;
	v9 =	vor.u32 v0, v13;
	v12 =	vor.u32 v1, v13;
	v8 =	vld.idx.msk [tilespmem:v11+s15+$0x0], $0xffff  }
0xc5: {  	s10 =	sadd.s32 s2, s16;
	s2 =	sadd.s32 s12, s16;
	s0 =	simm.s32 $0x8;
	v13 =	vor.u32 v0, v17;
	v11 =	vor.u32 v1, v17;
	v10 =	vor.u32 v0, v14;
	[tilespmem:s31+$0x70] =	vst v16  }
.LBB2_9:
0xc6: {  	s6 =	sadd.s32 $0x8, s6  }
0xc7: {  	v16 =	vor.u32 v1, v14;
	v17 =	vor.u32 v0, v15;
	s28 =	sadd.s32 $0x4, s28;
	v14 =	vld.idx.msk [tilespmem:v3+s15+$0x0], $0xffff;
	v3 =	vor.u32 v1, v15;
	s9 =	smov.u32 s1;
	s0 =	sshll.u32 s0, $0x8  }
0xc8: {  	s1 =	sand.u32 $0x4, s28;
	s4 =	sshrl.u32 s6, $0x1;
	p2 =	slt.u32 s6, $0x38;
	[tilespmem:s3+$0x60] =	vst v4;
	v15 =	vld.idx.msk [tilespmem:v2+s15+$0x0], $0xffff;
	v2 =	vmov v9  }
0xc9: {  	s4 =	sand.u32 $0x7FFFFFF8, s4;
	s7 =	sor.u32 $0x1, s1;
	s11 =	sor.u32 $0x3, s1;
	[tilespmem:s3+$0x70] =	vst v5  }
0xca: {  	s12 =	sor.u32 $0x2, s1;
	s3 =	sor.u32 s1, s4;
	s13 =	sor.u32 s4, s11;
	v18 =	vld.idx.msk [tilespmem:v12+s15+$0x0], $0xffff;
	[tilespmem:s10+$0x60] =	vst v6  }
0xcb: {  	v6 =	vmov s3;
	s3 =	sor.u32 s4, s7;
	s7 =	sshll.u32 s7, $0x7;
	s4 =	sor.u32 s4, s12;
	v5 =	vmov s13;
	v4 =	vld.idx.msk [tilespmem:v13+s15+$0x0], $0xffff;
	[tilespmem:s10+$0x70] =	vst v7  }
.Ltmp3:
0xcc: {  	s13 =	sshll.u32 s1, $0x7;
	s1 =	sshll.u32 s12, $0x7;
	v7 =	vmov s3;
	v9 =	vmov s4;
	v12 =	vand.u32 $0x1F, v5;
	v5 =	vld.idx.msk [tilespmem:v11+s15+$0x0], $0xffff;
	[tilespmem:s2+$0x60] =	vst v8;
	(pc) =	sbr.rel @p2 .LBB2_9-.Ltmp3, $4  }
0xcd: {  	v8 =	vand.u32 $0x1C, v6;
	s3 =	sand.u32 $0x3FFFF000, s0;
	s0 =	smov.u32 s6;
	v7 =	vand.u32 $0x1D, v7;
	v11 =	vbroadcast v12, $0x0;
	v6 =	vld.idx.msk [tilespmem:v10+s15+$0x0], $0xffff;
	[tilespmem:s2+$0x70] =	vst v14  }
0xce: {  	s4 =	sshll.u32 s8, $0x7;
	s8 =	smov.u32 s11;
	v10 =	vbroadcast v8, $0x0;
	v8 =	vand.u32 $0x1E, v9;
	s2 =	sadd.s32 s3, s5;
	v14 =	vbroadcast v7, $0x0;
	v7 =	vld.idx.msk [tilespmem:v16+s15+$0x0], $0xffff;
	[tilespmem:s31+$0x60] =	vst v15  }
0xcf: {  	v15 =	vbroadcast v8, $0x0;
	s3 =	sadd.s32 s30, s2;
	s10 =	sadd.s32 s29, s2;
	s31 =	sadd.s32 s4, s2;
	v9 =	vor.u32 v0, v11;
	v12 =	vor.u32 v1, v11;
	v8 =	vld.idx.msk [tilespmem:v17+s15+$0x0], $0xffff  }
0xd0: {  	s2 =	sadd.s32 s9, s2;
	s29 =	smov.u32 s7;
	s30 =	smov.u32 s13;
	v13 =	vor.u32 v0, v10;
	v11 =	vor.u32 v1, v10;
	v10 =	vor.u32 v0, v14;
	[tilespmem:s31+$0x70] =	vst v18  }
0xd1: {  	_ =	sdelay $0x3  }
0xd2: {  	v3 =	vld.idx.msk [tilespmem:v3+s15+$0x0], $0xffff;
	[tilespmem:s3+$0x60] =	vst v4;
	v4 =	vor.u32 v1, v14  }
0xd3: {  	v2 =	vld.idx.msk [tilespmem:v2+s15+$0x0], $0xffff;
	[tilespmem:s3+$0x70] =	vst v5;
	v5 =	vor.u32 v0, v15  }
0xd4: {  	v12 =	vld.idx.msk [tilespmem:v12+s15+$0x0], $0xffff;
	[tilespmem:s10+$0x60] =	vst v6;
	v6 =	vor.u32 v1, v15  }
0xd5: {  	v13 =	vld.idx.msk [tilespmem:v13+s15+$0x0], $0xffff;
	s0 =	sshll.u32 s0, $0x8;
	[tilespmem:s10+$0x70] =	vst v7  }
0xd6: {  	s0 =	sand.u32 $0x3FFFF000, s0;
	v7 =	vld.idx.msk [tilespmem:v11+s15+$0x0], $0xffff;
	[tilespmem:s2+$0x60] =	vst v8  }
0xd7: {  	s9 =	sshll.u32 s8, $0x7;
	s16 =	sadd.s32 s0, s5;
	s10 =	simm.s32 $0x0;
	[tilespmem:s2+$0x70] =	vst v3;
	v3 =	vld.idx.msk [tilespmem:v4+s15+$0x0], $0xffff  }
0xd8: {  	s11 =	simm.s32 $0x0;
	s3 =	sadd.s32 s9, s16;
	s6 =	sand.u32 $0x4, s10;
	[tilespmem:s31+$0x60] =	vst v2;
	v2 =	vld.idx.msk [tilespmem:v5+s15+$0x0], $0xffff  }
0xd9: {  	s7 =	sand.u32 $0x7FFFFFF8, s11;
	s4 =	sadd.s32 s30, s16;
	s0 =	sor.u32 $0x3, s6;
	[tilespmem:s3+$0x70] =	vst v12;
	v4 =	vld.idx.msk [tilespmem:v6+s15+$0x0], $0xffff  }
0xda: {  	[tilespmem:s4+$0x60] =	vst v13;
	v5 =	vld.idx.msk [tilespmem:v9+s15+$0x0], $0xffff;
	s13 =	sor.u32 s7, s0  }
0xdb: {  	v8 =	vld.idx.msk [tilespmem:v10+s15+$0x0], $0xffff;
	s12 =	sadd.s32 s29, s16;
	s9 =	sor.u32 s6, s7;
	v6 =	vmov s13;
	[tilespmem:s4+$0x70] =	vst v7  }
0xdc: {  	s1 =	sadd.s32 s1, s16;
	s16 =	sor.u32 $0x1, s6;
	v6 =	vand.u32 $0x1F, v6;
	[tilespmem:s12+$0x70] =	vst v3;
	v3 =	vmov s9  }
0xdd: {  	s8 =	sor.u32 s7, s16;
	[tilespmem:s1+$0x60] =	vst v2;
	v2 =	vand.u32 $0x1C, v3;
	v3 =	vbroadcast v6, $0x0  }
0xde: {  	[tilespmem:s1+$0x70] =	vst v4;
	s1 =	sor.u32 $0x2, s6;
	v4 =	vmov s8;
	v2 =	vbroadcast v2, $0x0  }
0xdf: {  	s28 =	simm.s32 $0x4;
	s11 =	simm.s32 $0x4;
	[tilespmem:s3+$0x60] =	vst v5;
	s9 =	sor.u32 s7, s1;
	v4 =	vand.u32 $0x1D, v4;
	v5 =	vor.u32 v1, v3  }
0xe0: {  	s10 =	simm.s32 $0x9;
	s2 =	sshll.u32 s16, $0x7;
	s13 =	simm.s32 $0x9400;
	[tilespmem:s12+$0x60] =	vst v8;
	v6 =	vmov s9;
	v4 =	vbroadcast v4, $0x0;
	v7 =	vor.u32 v0, v2  }
0xe1: {  	s4 =	sand.u32 $0x7FFFFFF8, s11;
	s3 =	sand.u32 $0x4, s28;
	_ =	swait.ge [sflag:s10], $0x400;
	v6 =	vand.u32 $0x1E, v6;
	v8 =	vor.u32 v1, v2  }
0xe2: {  	s8 =	sor.u32 $0x3, s3;
	s12 =	sor.u32 s3, s4;
	[sflag:s10] =	ssyncset.done $0x0;
	v6 =	vbroadcast v6, $0x0;
	v9 =	vor.u32 v0, v4  }
0xe3: {  	s7 =	sor.u32 $0x1, s3;
	[sflag:s10] =	ssyncadd.s32 $0xFFFFFC00;
	s10 =	sor.u32 $0x2, s3;
	v10 =	vor.u32 v1, v4  }
0xe4: {  	s11 =	sor.u32 s4, s8;
	s16 =	sor.u32 s4, s7;
	v2 =	vor.u32 v0, v3;
	s4 =	sor.u32 s4, s10;
	v11 =	vor.u32 v0, v6;
	v16 =	vld.idx.msk [tilespmem:v5+s13+$0x0], $0xffff  }
0xe5: {  	s9 =	simm.s32 $0x0;
	v12 =	vmov s4;
	v3 =	vor.u32 v1, v6;
	v5 =	vmov s11;
	v4 =	vld.idx.msk [tilespmem:v7+s13+$0x0], $0xffff  }
0xe6: {  	s0 =	sshll.u32 s0, $0x7;
	v6 =	vmov s12;
	s12 =	sshll.u32 s1, $0x7;
	s1 =	sand.u32 $0x3FFFF000, s9;
	v7 =	vmov s16;
	v13 =	vand.u32 $0x1F, v5;
	v5 =	vld.idx.msk [tilespmem:v8+s13+$0x0], $0xffff  }
0xe7: {  	s30 =	sshll.u32 s3, $0x7;
	s11 =	sshll.u32 s6, $0x7;
	v8 =	vand.u32 $0x1C, v6;
	s16 =	sadd.s32 s1, s5;
	v7 =	vand.u32 $0x1D, v7;
	v13 =	vbroadcast v13, $0x0;
	v6 =	vld.idx.msk [tilespmem:v9+s13+$0x0], $0xffff  }
0xe8: {  	s29 =	sshll.u32 s7, $0x7;
	v17 =	vbroadcast v8, $0x0;
	v8 =	vand.u32 $0x1E, v12;
	s3 =	sadd.s32 s11, s16;
	s11 =	simm.s32 $0x9400;
	v14 =	vbroadcast v7, $0x0;
	v7 =	vld.idx.msk [tilespmem:v10+s13+$0x0], $0xffff  }
0xe9: {  	s6 =	simm.s32 $0x8;
	s1 =	sshll.u32 s10, $0x7;
	s31 =	sadd.s32 s0, s16;
	v15 =	vbroadcast v8, $0x0;
	v9 =	vor.u32 v0, v13;
	v12 =	vor.u32 v1, v13;
	v8 =	vld.idx.msk [tilespmem:v11+s11+$0x0], $0xffff  }
0xea: {  	s10 =	sadd.s32 s2, s16;
	s2 =	sadd.s32 s12, s16;
	s0 =	simm.s32 $0x8;
	v13 =	vor.u32 v0, v17;
	v11 =	vor.u32 v1, v17;
	v10 =	vor.u32 v0, v14;
	[tilespmem:s31+$0x410] =	vst v16  }
.LBB2_11:
0xeb: {  	s6 =	sadd.s32 $0x8, s6;
	s28 =	sadd.s32 $0x4, s28  }
0xec: {  	v16 =	vor.u32 v1, v14;
	v17 =	vor.u32 v0, v15;
	v14 =	vld.idx.msk [tilespmem:v3+s11+$0x0], $0xffff;
	v3 =	vor.u32 v1, v15;
	s9 =	smov.u32 s1;
	s16 =	simm.s32 $0x9400;
	s0 =	sshll.u32 s0, $0x8  }
0xed: {  	s1 =	sand.u32 $0x4, s28;
	s4 =	sshrl.u32 s6, $0x1;
	p2 =	slt.u32 s6, $0x38;
	[tilespmem:s3+$0x400] =	vst v4;
	v15 =	vld.idx.msk [tilespmem:v2+s11+$0x0], $0xffff;
	v2 =	vmov v9  }
0xee: {  	s4 =	sand.u32 $0x7FFFFFF8, s4;
	s7 =	sor.u32 $0x1, s1;
	s11 =	sor.u32 $0x3, s1;
	[tilespmem:s3+$0x410] =	vst v5  }
0xef: {  	s12 =	sor.u32 $0x2, s1;
	s3 =	sor.u32 s1, s4;
	s13 =	sor.u32 s4, s11;
	v18 =	vld.idx.msk [tilespmem:v12+s16+$0x0], $0xffff;
	[tilespmem:s10+$0x400] =	vst v6  }
0xf0: {  	v6 =	vmov s3;
	s3 =	sor.u32 s4, s7;
	s7 =	sshll.u32 s7, $0x7;
	s4 =	sor.u32 s4, s12;
	v5 =	vmov s13;
	v4 =	vld.idx.msk [tilespmem:v13+s16+$0x0], $0xffff;
	[tilespmem:s10+$0x410] =	vst v7  }
.Ltmp4:
0xf1: {  	s13 =	sshll.u32 s1, $0x7;
	s1 =	sshll.u32 s12, $0x7;
	v7 =	vmov s3;
	v9 =	vmov s4;
	v12 =	vand.u32 $0x1F, v5;
	v5 =	vld.idx.msk [tilespmem:v11+s16+$0x0], $0xffff;
	[tilespmem:s2+$0x400] =	vst v8;
	(pc) =	sbr.rel @p2 .LBB2_11-.Ltmp4, $4  }
0xf2: {  	v8 =	vand.u32 $0x1C, v6;
	s3 =	sand.u32 $0x3FFFF000, s0;
	s0 =	smov.u32 s6;
	s4 =	sshll.u32 s8, $0x7;
	v7 =	vand.u32 $0x1D, v7;
	v11 =	vbroadcast v12, $0x0;
	v6 =	vld.idx.msk [tilespmem:v10+s16+$0x0], $0xffff;
	[tilespmem:s2+$0x410] =	vst v14  }
0xf3: {  	s8 =	smov.u32 s11;
	s11 =	simm.s32 $0x9400;
	v10 =	vbroadcast v8, $0x0;
	v8 =	vand.u32 $0x1E, v9;
	s2 =	sadd.s32 s3, s5;
	v14 =	vbroadcast v7, $0x0;
	v7 =	vld.idx.msk [tilespmem:v16+s16+$0x0], $0xffff;
	[tilespmem:s31+$0x400] =	vst v15  }
0xf4: {  	v15 =	vbroadcast v8, $0x0;
	s3 =	sadd.s32 s30, s2;
	s10 =	sadd.s32 s29, s2;
	s31 =	sadd.s32 s4, s2;
	v9 =	vor.u32 v0, v11;
	v12 =	vor.u32 v1, v11;
	v8 =	vld.idx.msk [tilespmem:v17+s11+$0x0], $0xffff  }
0xf5: {  	s2 =	sadd.s32 s9, s2;
	s29 =	smov.u32 s7;
	s30 =	smov.u32 s13;
	v13 =	vor.u32 v0, v10;
	v11 =	vor.u32 v1, v10;
	v10 =	vor.u32 v0, v14;
	[tilespmem:s31+$0x410] =	vst v18  }
0xf6: {  	_ =	sdelay $0x3  }
0xf7: {  	v3 =	vld.idx.msk [tilespmem:v3+s11+$0x0], $0xffff;
	[tilespmem:s3+$0x400] =	vst v4;
	v4 =	vor.u32 v1, v14  }
0xf8: {  	v2 =	vld.idx.msk [tilespmem:v2+s11+$0x0], $0xffff;
	[tilespmem:s3+$0x410] =	vst v5;
	v5 =	vor.u32 v0, v15  }
0xf9: {  	v12 =	vld.idx.msk [tilespmem:v12+s11+$0x0], $0xffff;
	[tilespmem:s10+$0x400] =	vst v6;
	v6 =	vor.u32 v1, v15  }
0xfa: {  	v13 =	vld.idx.msk [tilespmem:v13+s11+$0x0], $0xffff;
	s0 =	sshll.u32 s0, $0x8;
	[tilespmem:s10+$0x410] =	vst v7  }
0xfb: {  	s0 =	sand.u32 $0x3FFFF000, s0;
	v7 =	vld.idx.msk [tilespmem:v11+s11+$0x0], $0xffff;
	[tilespmem:s2+$0x400] =	vst v8  }
0xfc: {  	s7 =	sshll.u32 s8, $0x7;
	s8 =	simm.s32 $0x0;
	s16 =	sadd.s32 s0, s5;
	[tilespmem:s2+$0x410] =	vst v3;
	v3 =	vld.idx.msk [tilespmem:v4+s11+$0x0], $0xffff  }
0xfd: {  	s9 =	simm.s32 $0x0;
	s6 =	sand.u32 $0x4, s8;
	s3 =	sadd.s32 s7, s16;
	[tilespmem:s31+$0x400] =	vst v2;
	v2 =	vld.idx.msk [tilespmem:v5+s11+$0x0], $0xffff  }
0xfe: {  	s0 =	sor.u32 $0x3, s6;
	s4 =	sadd.s32 s30, s16;
	s7 =	sand.u32 $0x7FFFFFF8, s9;
	[tilespmem:s3+$0x410] =	vst v12;
	v4 =	vld.idx.msk [tilespmem:v6+s11+$0x0], $0xffff  }
0xff: {  	s12 =	sor.u32 s7, s0;
	[tilespmem:s4+$0x400] =	vst v13;
	v5 =	vld.idx.msk [tilespmem:v9+s11+$0x0], $0xffff  }
0x100: {  	v8 =	vld.idx.msk [tilespmem:v10+s11+$0x0], $0xffff;
	s10 =	sadd.s32 s29, s16;
	s9 =	sor.u32 s6, s7;
	v6 =	vmov s12;
	[tilespmem:s4+$0x410] =	vst v7  }
0x101: {  	s13 =	sor.u32 $0x1, s6;
	s1 =	sadd.s32 s1, s16;
	v6 =	vand.u32 $0x1F, v6;
	[tilespmem:s10+$0x410] =	vst v3;
	v3 =	vmov s9  }
0x102: {  	s16 =	sor.u32 s7, s13;
	[tilespmem:s1+$0x400] =	vst v2;
	v2 =	vand.u32 $0x1C, v3;
	v3 =	vbroadcast v6, $0x0  }
0x103: {  	[tilespmem:s1+$0x410] =	vst v4;
	s1 =	sor.u32 $0x2, s6;
	v4 =	vmov s16;
	v2 =	vbroadcast v2, $0x0  }
0x104: {  	s28 =	simm.s32 $0x4;
	s2 =	sshll.u32 s13, $0x7;
	[tilespmem:s3+$0x400] =	vst v5;
	s8 =	sor.u32 s7, s1;
	v4 =	vand.u32 $0x1D, v4;
	v5 =	vor.u32 v1, v3  }
0x105: {  	[tilespmem:s10+$0x400] =	vst v8;
	s9 =	simm.s32 $0xA;
	s3 =	sand.u32 $0x4, s28;
	s10 =	simm.s32 $0x4;
	v6 =	vmov s8;
	v4 =	vbroadcast v4, $0x0;
	v7 =	vor.u32 v0, v2  }
0x106: {  	s4 =	sand.u32 $0x7FFFFFF8, s10;
	s10 =	sor.u32 $0x2, s3;
	_ =	swait.ge [sflag:s9], $0x400;
	v6 =	vand.u32 $0x1E, v6;
	v8 =	vor.u32 v1, v2  }
0x107: {  	s16 =	simm.s32 $0x9800;
	s7 =	sor.u32 $0x1, s3;
	[sflag:s9] =	ssyncset.done $0x0;
	v6 =	vbroadcast v6, $0x0;
	v9 =	vor.u32 v0, v4  }
0x108: {  	s11 =	sor.u32 s3, s4;
	s8 =	sor.u32 $0x3, s3;
	[sflag:s9] =	ssyncadd.s32 $0xFFFFFC00;
	v10 =	vor.u32 v1, v4  }
0x109: {  	s13 =	sor.u32 s4, s7;
	v2 =	vor.u32 v0, v3;
	s12 =	sor.u32 s4, s8;
	s4 =	sor.u32 s4, s10;
	v11 =	vor.u32 v0, v6;
	v16 =	vld.idx.msk [tilespmem:v5+s16+$0x0], $0xffff  }
0x10a: {  	v12 =	vmov s4;
	v3 =	vor.u32 v1, v6;
	v5 =	vmov s12;
	v4 =	vld.idx.msk [tilespmem:v7+s16+$0x0], $0xffff  }
0x10b: {  	s0 =	sshll.u32 s0, $0x7;
	s30 =	sshll.u32 s3, $0x7;
	s9 =	simm.s32 $0x0;
	v6 =	vmov s11;
	v7 =	vmov s13;
	v13 =	vand.u32 $0x1F, v5;
	v5 =	vld.idx.msk [tilespmem:v8+s16+$0x0], $0xffff  }
0x10c: {  	s29 =	sshll.u32 s7, $0x7;
	s12 =	sshll.u32 s1, $0x7;
	s1 =	sand.u32 $0x3FFFF000, s9;
	v8 =	vand.u32 $0x1C, v6;
	v7 =	vand.u32 $0x1D, v7;
	v13 =	vbroadcast v13, $0x0;
	v6 =	vld.idx.msk [tilespmem:v9+s16+$0x0], $0xffff  }
0x10d: {  	s11 =	sshll.u32 s6, $0x7;
	s6 =	simm.s32 $0x8;
	s13 =	sadd.s32 s1, s5;
	v17 =	vbroadcast v8, $0x0;
	v8 =	vand.u32 $0x1E, v12;
	v14 =	vbroadcast v7, $0x0;
	v7 =	vld.idx.msk [tilespmem:v10+s16+$0x0], $0xffff  }
0x10e: {  	s1 =	sshll.u32 s10, $0x7;
	s3 =	sadd.s32 s11, s13;
	s31 =	sadd.s32 s0, s13;
	v15 =	vbroadcast v8, $0x0;
	v9 =	vor.u32 v0, v13;
	v12 =	vor.u32 v1, v13;
	v8 =	vld.idx.msk [tilespmem:v11+s16+$0x0], $0xffff  }
0x10f: {  	s10 =	sadd.s32 s2, s13;
	s2 =	sadd.s32 s12, s13;
	s0 =	simm.s32 $0x8;
	v13 =	vor.u32 v0, v17;
	v11 =	vor.u32 v1, v17;
	v10 =	vor.u32 v0, v14;
	[tilespmem:s31+$0x430] =	vst v16  }
.LBB2_13:
0x110: {  	s6 =	sadd.s32 $0x8, s6  }
0x111: {  	v16 =	vor.u32 v1, v14;
	v17 =	vor.u32 v0, v15;
	s28 =	sadd.s32 $0x4, s28;
	v14 =	vld.idx.msk [tilespmem:v3+s16+$0x0], $0xffff;
	v3 =	vor.u32 v1, v15;
	s9 =	smov.u32 s1;
	s0 =	sshll.u32 s0, $0x8  }
0x112: {  	s1 =	sand.u32 $0x4, s28;
	s4 =	sshrl.u32 s6, $0x1;
	p2 =	slt.u32 s6, $0x38;
	[tilespmem:s3+$0x420] =	vst v4;
	v15 =	vld.idx.msk [tilespmem:v2+s16+$0x0], $0xffff;
	v2 =	vmov v9  }
0x113: {  	s4 =	sand.u32 $0x7FFFFFF8, s4;
	s7 =	sor.u32 $0x1, s1;
	s11 =	sor.u32 $0x3, s1;
	[tilespmem:s3+$0x430] =	vst v5  }
0x114: {  	s12 =	sor.u32 $0x2, s1;
	s3 =	sor.u32 s1, s4;
	s13 =	sor.u32 s4, s11;
	v18 =	vld.idx.msk [tilespmem:v12+s16+$0x0], $0xffff;
	[tilespmem:s10+$0x420] =	vst v6  }
0x115: {  	v6 =	vmov s3;
	s3 =	sor.u32 s4, s7;
	s7 =	sshll.u32 s7, $0x7;
	s4 =	sor.u32 s4, s12;
	v5 =	vmov s13;
	v4 =	vld.idx.msk [tilespmem:v13+s16+$0x0], $0xffff;
	[tilespmem:s10+$0x430] =	vst v7  }
.Ltmp5:
0x116: {  	s13 =	sshll.u32 s1, $0x7;
	s1 =	sshll.u32 s12, $0x7;
	v7 =	vmov s3;
	v9 =	vmov s4;
	v12 =	vand.u32 $0x1F, v5;
	v5 =	vld.idx.msk [tilespmem:v11+s16+$0x0], $0xffff;
	[tilespmem:s2+$0x420] =	vst v8;
	(pc) =	sbr.rel @p2 .LBB2_13-.Ltmp5, $4  }
0x117: {  	v8 =	vand.u32 $0x1C, v6;
	s3 =	sand.u32 $0x3FFFF000, s0;
	s0 =	smov.u32 s6;
	v7 =	vand.u32 $0x1D, v7;
	v11 =	vbroadcast v12, $0x0;
	v6 =	vld.idx.msk [tilespmem:v10+s16+$0x0], $0xffff;
	[tilespmem:s2+$0x430] =	vst v14  }
0x118: {  	s4 =	sshll.u32 s8, $0x7;
	s8 =	smov.u32 s11;
	v10 =	vbroadcast v8, $0x0;
	v8 =	vand.u32 $0x1E, v9;
	s2 =	sadd.s32 s3, s5;
	v14 =	vbroadcast v7, $0x0;
	v7 =	vld.idx.msk [tilespmem:v16+s16+$0x0], $0xffff;
	[tilespmem:s31+$0x420] =	vst v15  }
0x119: {  	v15 =	vbroadcast v8, $0x0;
	s3 =	sadd.s32 s30, s2;
	s10 =	sadd.s32 s29, s2;
	s31 =	sadd.s32 s4, s2;
	v9 =	vor.u32 v0, v11;
	v12 =	vor.u32 v1, v11;
	v8 =	vld.idx.msk [tilespmem:v17+s16+$0x0], $0xffff  }
0x11a: {  	s2 =	sadd.s32 s9, s2;
	s29 =	smov.u32 s7;
	s30 =	smov.u32 s13;
	v13 =	vor.u32 v0, v10;
	v11 =	vor.u32 v1, v10;
	v10 =	vor.u32 v0, v14;
	[tilespmem:s31+$0x430] =	vst v18  }
0x11b: {  	_ =	sdelay $0x3  }
0x11c: {  	v3 =	vld.idx.msk [tilespmem:v3+s16+$0x0], $0xffff;
	[tilespmem:s3+$0x420] =	vst v4;
	v4 =	vor.u32 v1, v14  }
0x11d: {  	v2 =	vld.idx.msk [tilespmem:v2+s16+$0x0], $0xffff;
	[tilespmem:s3+$0x430] =	vst v5;
	v5 =	vor.u32 v0, v15  }
0x11e: {  	v12 =	vld.idx.msk [tilespmem:v12+s16+$0x0], $0xffff;
	[tilespmem:s10+$0x420] =	vst v6;
	v6 =	vor.u32 v1, v15  }
0x11f: {  	v13 =	vld.idx.msk [tilespmem:v13+s16+$0x0], $0xffff;
	s0 =	sshll.u32 s0, $0x8;
	[tilespmem:s10+$0x430] =	vst v7  }
0x120: {  	s0 =	sand.u32 $0x3FFFF000, s0;
	v7 =	vld.idx.msk [tilespmem:v11+s16+$0x0], $0xffff;
	[tilespmem:s2+$0x420] =	vst v8  }
0x121: {  	s8 =	sshll.u32 s8, $0x7;
	s9 =	simm.s32 $0x0;
	s13 =	sadd.s32 s0, s5;
	[tilespmem:s2+$0x430] =	vst v3;
	v3 =	vld.idx.msk [tilespmem:v4+s16+$0x0], $0xffff  }
0x122: {  	s6 =	sand.u32 $0x4, s9;
	s10 =	simm.s32 $0x0;
	s3 =	sadd.s32 s8, s13;
	[tilespmem:s31+$0x420] =	vst v2;
	v2 =	vld.idx.msk [tilespmem:v5+s16+$0x0], $0xffff  }
0x123: {  	s0 =	sor.u32 $0x3, s6;
	s4 =	sadd.s32 s30, s13;
	s7 =	sand.u32 $0x7FFFFFF8, s10;
	[tilespmem:s3+$0x430] =	vst v12;
	v4 =	vld.idx.msk [tilespmem:v6+s16+$0x0], $0xffff  }
0x124: {  	s12 =	sor.u32 s7, s0;
	[tilespmem:s4+$0x420] =	vst v13;
	v5 =	vld.idx.msk [tilespmem:v9+s16+$0x0], $0xffff  }
0x125: {  	v8 =	vld.idx.msk [tilespmem:v10+s16+$0x0], $0xffff;
	s11 =	sadd.s32 s29, s13;
	s9 =	sor.u32 s6, s7;
	v6 =	vmov s12;
	[tilespmem:s4+$0x430] =	vst v7  }
0x126: {  	s1 =	sadd.s32 s1, s13;
	s13 =	sor.u32 $0x1, s6;
	v6 =	vand.u32 $0x1F, v6;
	[tilespmem:s11+$0x430] =	vst v3;
	v3 =	vmov s9  }
0x127: {  	s8 =	sor.u32 s7, s13;
	[tilespmem:s1+$0x420] =	vst v2;
	v2 =	vand.u32 $0x1C, v3;
	v3 =	vbroadcast v6, $0x0  }
0x128: {  	[tilespmem:s1+$0x430] =	vst v4;
	s1 =	sor.u32 $0x2, s6;
	v4 =	vmov s8;
	v2 =	vbroadcast v2, $0x0  }
0x129: {  	s28 =	simm.s32 $0x4;
	[tilespmem:s3+$0x420] =	vst v5;
	s9 =	sor.u32 s7, s1;
	v4 =	vand.u32 $0x1D, v4;
	v5 =	vor.u32 v1, v3  }
0x12a: {  	s10 =	simm.s32 $0xB;
	s2 =	sshll.u32 s13, $0x7;
	[tilespmem:s11+$0x420] =	vst v8;
	s11 =	simm.s32 $0x4;
	v6 =	vmov s9;
	v4 =	vbroadcast v4, $0x0;
	v7 =	vor.u32 v0, v2  }
0x12b: {  	s3 =	sand.u32 $0x4, s28;
	s4 =	sand.u32 $0x7FFFFFF8, s11;
	_ =	swait.ge [sflag:s10], $0x400;
	v6 =	vand.u32 $0x1E, v6;
	v8 =	vor.u32 v1, v2  }
0x12c: {  	s8 =	sor.u32 $0x3, s3;
	s7 =	sor.u32 $0x1, s3;
	[sflag:s10] =	ssyncset.done $0x0;
	v6 =	vbroadcast v6, $0x0;
	v9 =	vor.u32 v0, v4  }
0x12d: {  	s12 =	sor.u32 s3, s4;
	[sflag:s10] =	ssyncadd.s32 $0xFFFFFC00;
	s10 =	sor.u32 $0x2, s3;
	v10 =	vor.u32 v1, v4  }
0x12e: {  	s11 =	sor.u32 s4, s8;
	s13 =	sor.u32 s4, s7;
	v2 =	vor.u32 v0, v3;
	s4 =	sor.u32 s4, s10;
	v11 =	vor.u32 v0, v6;
	v16 =	vld.idx.msk [tilespmem:v5+s17+$0x0], $0xffff  }
0x12f: {  	v12 =	vmov s4;
	v3 =	vor.u32 v1, v6;
	v5 =	vmov s11;
	v4 =	vld.idx.msk [tilespmem:v7+s17+$0x0], $0xffff  }
0x130: {  	s0 =	sshll.u32 s0, $0x7;
	s30 =	sshll.u32 s3, $0x7;
	s9 =	simm.s32 $0x0;
	v6 =	vmov s12;
	v7 =	vmov s13;
	v13 =	vand.u32 $0x1F, v5;
	v5 =	vld.idx.msk [tilespmem:v8+s17+$0x0], $0xffff  }
0x131: {  	s29 =	sshll.u32 s7, $0x7;
	s12 =	sshll.u32 s1, $0x7;
	s1 =	sand.u32 $0x3FFFF000, s9;
	v8 =	vand.u32 $0x1C, v6;
	v7 =	vand.u32 $0x1D, v7;
	v13 =	vbroadcast v13, $0x0;
	v6 =	vld.idx.msk [tilespmem:v9+s17+$0x0], $0xffff  }
0x132: {  	s11 =	sshll.u32 s6, $0x7;
	s6 =	simm.s32 $0x8;
	s13 =	sadd.s32 s1, s5;
	v17 =	vbroadcast v8, $0x0;
	v8 =	vand.u32 $0x1E, v12;
	v14 =	vbroadcast v7, $0x0;
	v7 =	vld.idx.msk [tilespmem:v10+s17+$0x0], $0xffff  }
0x133: {  	s1 =	sshll.u32 s10, $0x7;
	s3 =	sadd.s32 s11, s13;
	s31 =	sadd.s32 s0, s13;
	v15 =	vbroadcast v8, $0x0;
	v9 =	vor.u32 v0, v13;
	v12 =	vor.u32 v1, v13;
	v8 =	vld.idx.msk [tilespmem:v11+s17+$0x0], $0xffff  }
0x134: {  	s10 =	sadd.s32 s2, s13;
	s2 =	sadd.s32 s12, s13;
	s0 =	simm.s32 $0x8;
	v13 =	vor.u32 v0, v17;
	v11 =	vor.u32 v1, v17;
	v10 =	vor.u32 v0, v14;
	[tilespmem:s31+$0x450] =	vst v16  }
.LBB2_15:
0x135: {  	s6 =	sadd.s32 $0x8, s6  }
0x136: {  	v16 =	vor.u32 v1, v14;
	v17 =	vor.u32 v0, v15;
	s28 =	sadd.s32 $0x4, s28;
	v14 =	vld.idx.msk [tilespmem:v3+s17+$0x0], $0xffff;
	v3 =	vor.u32 v1, v15;
	s9 =	smov.u32 s1;
	s0 =	sshll.u32 s0, $0x8  }
0x137: {  	s1 =	sand.u32 $0x4, s28;
	s4 =	sshrl.u32 s6, $0x1;
	p2 =	slt.u32 s6, $0x38;
	[tilespmem:s3+$0x440] =	vst v4;
	v15 =	vld.idx.msk [tilespmem:v2+s17+$0x0], $0xffff;
	v2 =	vmov v9  }
0x138: {  	s4 =	sand.u32 $0x7FFFFFF8, s4;
	s7 =	sor.u32 $0x1, s1;
	s11 =	sor.u32 $0x3, s1;
	[tilespmem:s3+$0x450] =	vst v5  }
0x139: {  	s12 =	sor.u32 $0x2, s1;
	s3 =	sor.u32 s1, s4;
	s13 =	sor.u32 s4, s11;
	v18 =	vld.idx.msk [tilespmem:v12+s17+$0x0], $0xffff;
	[tilespmem:s10+$0x440] =	vst v6  }
0x13a: {  	v6 =	vmov s3;
	s3 =	sor.u32 s4, s7;
	s7 =	sshll.u32 s7, $0x7;
	s4 =	sor.u32 s4, s12;
	v5 =	vmov s13;
	v4 =	vld.idx.msk [tilespmem:v13+s17+$0x0], $0xffff;
	[tilespmem:s10+$0x450] =	vst v7  }
.Ltmp6:
0x13b: {  	s13 =	sshll.u32 s1, $0x7;
	s1 =	sshll.u32 s12, $0x7;
	v7 =	vmov s3;
	v9 =	vmov s4;
	v12 =	vand.u32 $0x1F, v5;
	v5 =	vld.idx.msk [tilespmem:v11+s17+$0x0], $0xffff;
	[tilespmem:s2+$0x440] =	vst v8;
	(pc) =	sbr.rel @p2 .LBB2_15-.Ltmp6, $4  }
0x13c: {  	v8 =	vand.u32 $0x1C, v6;
	s3 =	sand.u32 $0x3FFFF000, s0;
	s0 =	smov.u32 s6;
	v7 =	vand.u32 $0x1D, v7;
	v11 =	vbroadcast v12, $0x0;
	v6 =	vld.idx.msk [tilespmem:v10+s17+$0x0], $0xffff;
	[tilespmem:s2+$0x450] =	vst v14  }
0x13d: {  	s4 =	sshll.u32 s8, $0x7;
	s8 =	smov.u32 s11;
	v10 =	vbroadcast v8, $0x0;
	v8 =	vand.u32 $0x1E, v9;
	s2 =	sadd.s32 s3, s5;
	v14 =	vbroadcast v7, $0x0;
	v7 =	vld.idx.msk [tilespmem:v16+s17+$0x0], $0xffff;
	[tilespmem:s31+$0x440] =	vst v15  }
0x13e: {  	v15 =	vbroadcast v8, $0x0;
	s3 =	sadd.s32 s30, s2;
	s10 =	sadd.s32 s29, s2;
	s31 =	sadd.s32 s4, s2;
	v9 =	vor.u32 v0, v11;
	v12 =	vor.u32 v1, v11;
	v8 =	vld.idx.msk [tilespmem:v17+s17+$0x0], $0xffff  }
0x13f: {  	s2 =	sadd.s32 s9, s2;
	s29 =	smov.u32 s7;
	s30 =	smov.u32 s13;
	v13 =	vor.u32 v0, v10;
	v11 =	vor.u32 v1, v10;
	v10 =	vor.u32 v0, v14;
	[tilespmem:s31+$0x450] =	vst v18  }
0x140: {  	_ =	sdelay $0x3  }
0x141: {  	v3 =	vld.idx.msk [tilespmem:v3+s17+$0x0], $0xffff;
	[tilespmem:s3+$0x440] =	vst v4;
	v4 =	vor.u32 v1, v14  }
0x142: {  	v2 =	vld.idx.msk [tilespmem:v2+s17+$0x0], $0xffff;
	[tilespmem:s3+$0x450] =	vst v5;
	v5 =	vor.u32 v0, v15  }
0x143: {  	v12 =	vld.idx.msk [tilespmem:v12+s17+$0x0], $0xffff;
	[tilespmem:s10+$0x440] =	vst v6;
	v6 =	vor.u32 v1, v15  }
0x144: {  	v13 =	vld.idx.msk [tilespmem:v13+s17+$0x0], $0xffff;
	s0 =	sshll.u32 s0, $0x8;
	[tilespmem:s10+$0x450] =	vst v7  }
0x145: {  	s0 =	sand.u32 $0x3FFFF000, s0;
	v7 =	vld.idx.msk [tilespmem:v11+s17+$0x0], $0xffff;
	[tilespmem:s2+$0x440] =	vst v8  }
0x146: {  	s8 =	sshll.u32 s8, $0x7;
	s9 =	simm.s32 $0x0;
	s13 =	sadd.s32 s0, s5;
	[tilespmem:s2+$0x450] =	vst v3;
	v3 =	vld.idx.msk [tilespmem:v4+s17+$0x0], $0xffff  }
0x147: {  	s6 =	sand.u32 $0x4, s9;
	s10 =	simm.s32 $0x0;
	s3 =	sadd.s32 s8, s13;
	[tilespmem:s31+$0x440] =	vst v2;
	v2 =	vld.idx.msk [tilespmem:v5+s17+$0x0], $0xffff  }
0x148: {  	s0 =	sor.u32 $0x3, s6;
	s4 =	sadd.s32 s30, s13;
	s7 =	sand.u32 $0x7FFFFFF8, s10;
	[tilespmem:s3+$0x450] =	vst v12;
	v4 =	vld.idx.msk [tilespmem:v6+s17+$0x0], $0xffff  }
0x149: {  	s12 =	sor.u32 s7, s0;
	[tilespmem:s4+$0x440] =	vst v13;
	v5 =	vld.idx.msk [tilespmem:v9+s17+$0x0], $0xffff  }
0x14a: {  	v8 =	vld.idx.msk [tilespmem:v10+s17+$0x0], $0xffff;
	s11 =	sadd.s32 s29, s13;
	s9 =	sor.u32 s6, s7;
	v6 =	vmov s12;
	[tilespmem:s4+$0x450] =	vst v7  }
0x14b: {  	s1 =	sadd.s32 s1, s13;
	s13 =	sor.u32 $0x1, s6;
	v6 =	vand.u32 $0x1F, v6;
	[tilespmem:s11+$0x450] =	vst v3;
	v3 =	vmov s9  }
0x14c: {  	s8 =	sor.u32 s7, s13;
	[tilespmem:s1+$0x440] =	vst v2;
	v2 =	vand.u32 $0x1C, v3;
	v3 =	vbroadcast v6, $0x0  }
0x14d: {  	[tilespmem:s1+$0x450] =	vst v4;
	s1 =	sor.u32 $0x2, s6;
	v4 =	vmov s8;
	v2 =	vbroadcast v2, $0x0  }
0x14e: {  	s28 =	simm.s32 $0x4;
	[tilespmem:s3+$0x440] =	vst v5;
	s9 =	sor.u32 s7, s1;
	v4 =	vand.u32 $0x1D, v4;
	v5 =	vor.u32 v1, v3  }
0x14f: {  	s10 =	simm.s32 $0xC;
	s2 =	sshll.u32 s13, $0x7;
	[tilespmem:s11+$0x440] =	vst v8;
	s11 =	simm.s32 $0x4;
	v6 =	vmov s9;
	v4 =	vbroadcast v4, $0x0;
	v7 =	vor.u32 v0, v2  }
0x150: {  	s3 =	sand.u32 $0x4, s28;
	s4 =	sand.u32 $0x7FFFFFF8, s11;
	_ =	swait.ge [sflag:s10], $0x400;
	v6 =	vand.u32 $0x1E, v6;
	v8 =	vor.u32 v1, v2  }
0x151: {  	s8 =	sor.u32 $0x3, s3;
	s7 =	sor.u32 $0x1, s3;
	[sflag:s10] =	ssyncset.done $0x0;
	v6 =	vbroadcast v6, $0x0;
	v9 =	vor.u32 v0, v4  }
0x152: {  	s12 =	sor.u32 s3, s4;
	[sflag:s10] =	ssyncadd.s32 $0xFFFFFC00;
	s10 =	sor.u32 $0x2, s3;
	v10 =	vor.u32 v1, v4  }
0x153: {  	s11 =	sor.u32 s4, s8;
	s13 =	sor.u32 s4, s7;
	v2 =	vor.u32 v0, v3;
	s4 =	sor.u32 s4, s10;
	v11 =	vor.u32 v0, v6;
	v16 =	vld.idx.msk [tilespmem:v5+s18+$0x0], $0xffff  }
0x154: {  	v12 =	vmov s4;
	v3 =	vor.u32 v1, v6;
	v5 =	vmov s11;
	v4 =	vld.idx.msk [tilespmem:v7+s18+$0x0], $0xffff  }
0x155: {  	s0 =	sshll.u32 s0, $0x7;
	s30 =	sshll.u32 s3, $0x7;
	s9 =	simm.s32 $0x0;
	v6 =	vmov s12;
	v7 =	vmov s13;
	v13 =	vand.u32 $0x1F, v5;
	v5 =	vld.idx.msk [tilespmem:v8+s18+$0x0], $0xffff  }
0x156: {  	s29 =	sshll.u32 s7, $0x7;
	s12 =	sshll.u32 s1, $0x7;
	s1 =	sand.u32 $0x3FFFF000, s9;
	v8 =	vand.u32 $0x1C, v6;
	v7 =	vand.u32 $0x1D, v7;
	v13 =	vbroadcast v13, $0x0;
	v6 =	vld.idx.msk [tilespmem:v9+s18+$0x0], $0xffff  }
0x157: {  	s11 =	sshll.u32 s6, $0x7;
	s6 =	simm.s32 $0x8;
	s13 =	sadd.s32 s1, s5;
	v17 =	vbroadcast v8, $0x0;
	v8 =	vand.u32 $0x1E, v12;
	v14 =	vbroadcast v7, $0x0;
	v7 =	vld.idx.msk [tilespmem:v10+s18+$0x0], $0xffff  }
0x158: {  	s1 =	sshll.u32 s10, $0x7;
	s3 =	sadd.s32 s11, s13;
	s31 =	sadd.s32 s0, s13;
	v15 =	vbroadcast v8, $0x0;
	v9 =	vor.u32 v0, v13;
	v12 =	vor.u32 v1, v13;
	v8 =	vld.idx.msk [tilespmem:v11+s18+$0x0], $0xffff  }
0x159: {  	s10 =	sadd.s32 s2, s13;
	s2 =	sadd.s32 s12, s13;
	s0 =	simm.s32 $0x8;
	v13 =	vor.u32 v0, v17;
	v11 =	vor.u32 v1, v17;
	v10 =	vor.u32 v0, v14;
	[tilespmem:s31+$0x470] =	vst v16  }
.LBB2_17:
0x15a: {  	s6 =	sadd.s32 $0x8, s6  }
0x15b: {  	v16 =	vor.u32 v1, v14;
	v17 =	vor.u32 v0, v15;
	s28 =	sadd.s32 $0x4, s28;
	v14 =	vld.idx.msk [tilespmem:v3+s18+$0x0], $0xffff;
	v3 =	vor.u32 v1, v15;
	s9 =	smov.u32 s1;
	s0 =	sshll.u32 s0, $0x8  }
0x15c: {  	s1 =	sand.u32 $0x4, s28;
	s4 =	sshrl.u32 s6, $0x1;
	p2 =	slt.u32 s6, $0x38;
	[tilespmem:s3+$0x460] =	vst v4;
	v15 =	vld.idx.msk [tilespmem:v2+s18+$0x0], $0xffff;
	v2 =	vmov v9  }
0x15d: {  	s4 =	sand.u32 $0x7FFFFFF8, s4;
	s7 =	sor.u32 $0x1, s1;
	s11 =	sor.u32 $0x3, s1;
	[tilespmem:s3+$0x470] =	vst v5  }
0x15e: {  	s12 =	sor.u32 $0x2, s1;
	s3 =	sor.u32 s1, s4;
	s13 =	sor.u32 s4, s11;
	v18 =	vld.idx.msk [tilespmem:v12+s18+$0x0], $0xffff;
	[tilespmem:s10+$0x460] =	vst v6  }
0x15f: {  	v6 =	vmov s3;
	s3 =	sor.u32 s4, s7;
	s7 =	sshll.u32 s7, $0x7;
	s4 =	sor.u32 s4, s12;
	v5 =	vmov s13;
	v4 =	vld.idx.msk [tilespmem:v13+s18+$0x0], $0xffff;
	[tilespmem:s10+$0x470] =	vst v7  }
.Ltmp7:
0x160: {  	s13 =	sshll.u32 s1, $0x7;
	s1 =	sshll.u32 s12, $0x7;
	v7 =	vmov s3;
	v9 =	vmov s4;
	v12 =	vand.u32 $0x1F, v5;
	v5 =	vld.idx.msk [tilespmem:v11+s18+$0x0], $0xffff;
	[tilespmem:s2+$0x460] =	vst v8;
	(pc) =	sbr.rel @p2 .LBB2_17-.Ltmp7, $4  }
0x161: {  	v8 =	vand.u32 $0x1C, v6;
	s3 =	sand.u32 $0x3FFFF000, s0;
	s0 =	smov.u32 s6;
	v7 =	vand.u32 $0x1D, v7;
	v11 =	vbroadcast v12, $0x0;
	v6 =	vld.idx.msk [tilespmem:v10+s18+$0x0], $0xffff;
	[tilespmem:s2+$0x470] =	vst v14  }
0x162: {  	s4 =	sshll.u32 s8, $0x7;
	s8 =	smov.u32 s11;
	v10 =	vbroadcast v8, $0x0;
	v8 =	vand.u32 $0x1E, v9;
	s2 =	sadd.s32 s3, s5;
	v14 =	vbroadcast v7, $0x0;
	v7 =	vld.idx.msk [tilespmem:v16+s18+$0x0], $0xffff;
	[tilespmem:s31+$0x460] =	vst v15  }
0x163: {  	v15 =	vbroadcast v8, $0x0;
	s3 =	sadd.s32 s30, s2;
	s10 =	sadd.s32 s29, s2;
	s31 =	sadd.s32 s4, s2;
	v9 =	vor.u32 v0, v11;
	v12 =	vor.u32 v1, v11;
	v8 =	vld.idx.msk [tilespmem:v17+s18+$0x0], $0xffff  }
0x164: {  	s2 =	sadd.s32 s9, s2;
	s29 =	smov.u32 s7;
	s30 =	smov.u32 s13;
	v13 =	vor.u32 v0, v10;
	v11 =	vor.u32 v1, v10;
	v10 =	vor.u32 v0, v14;
	[tilespmem:s31+$0x470] =	vst v18  }
0x165: {  	_ =	sdelay $0x3  }
0x166: {  	v3 =	vld.idx.msk [tilespmem:v3+s18+$0x0], $0xffff;
	[tilespmem:s3+$0x460] =	vst v4;
	v4 =	vor.u32 v1, v14  }
0x167: {  	v2 =	vld.idx.msk [tilespmem:v2+s18+$0x0], $0xffff;
	[tilespmem:s3+$0x470] =	vst v5;
	v5 =	vor.u32 v0, v15  }
0x168: {  	v12 =	vld.idx.msk [tilespmem:v12+s18+$0x0], $0xffff;
	[tilespmem:s10+$0x460] =	vst v6;
	v6 =	vor.u32 v1, v15  }
0x169: {  	v13 =	vld.idx.msk [tilespmem:v13+s18+$0x0], $0xffff;
	s0 =	sshll.u32 s0, $0x8;
	[tilespmem:s10+$0x470] =	vst v7  }
0x16a: {  	s0 =	sand.u32 $0x3FFFF000, s0;
	v7 =	vld.idx.msk [tilespmem:v11+s18+$0x0], $0xffff;
	[tilespmem:s2+$0x460] =	vst v8  }
0x16b: {  	s8 =	sshll.u32 s8, $0x7;
	s9 =	simm.s32 $0x0;
	s13 =	sadd.s32 s0, s5;
	[tilespmem:s2+$0x470] =	vst v3;
	v3 =	vld.idx.msk [tilespmem:v4+s18+$0x0], $0xffff  }
0x16c: {  	s6 =	sand.u32 $0x4, s9;
	s10 =	simm.s32 $0x0;
	s3 =	sadd.s32 s8, s13;
	[tilespmem:s31+$0x460] =	vst v2;
	v2 =	vld.idx.msk [tilespmem:v5+s18+$0x0], $0xffff  }
0x16d: {  	s0 =	sor.u32 $0x3, s6;
	s4 =	sadd.s32 s30, s13;
	s7 =	sand.u32 $0x7FFFFFF8, s10;
	[tilespmem:s3+$0x470] =	vst v12;
	v4 =	vld.idx.msk [tilespmem:v6+s18+$0x0], $0xffff  }
0x16e: {  	s12 =	sor.u32 s7, s0;
	[tilespmem:s4+$0x460] =	vst v13;
	v5 =	vld.idx.msk [tilespmem:v9+s18+$0x0], $0xffff  }
0x16f: {  	v8 =	vld.idx.msk [tilespmem:v10+s18+$0x0], $0xffff;
	s11 =	sadd.s32 s29, s13;
	s9 =	sor.u32 s6, s7;
	v6 =	vmov s12;
	[tilespmem:s4+$0x470] =	vst v7  }
0x170: {  	s1 =	sadd.s32 s1, s13;
	s13 =	sor.u32 $0x1, s6;
	v6 =	vand.u32 $0x1F, v6;
	[tilespmem:s11+$0x470] =	vst v3;
	v3 =	vmov s9  }
0x171: {  	s8 =	sor.u32 s7, s13;
	[tilespmem:s1+$0x460] =	vst v2;
	v2 =	vand.u32 $0x1C, v3;
	v3 =	vbroadcast v6, $0x0  }
0x172: {  	[tilespmem:s1+$0x470] =	vst v4;
	s1 =	sor.u32 $0x2, s6;
	v4 =	vmov s8;
	v2 =	vbroadcast v2, $0x0  }
0x173: {  	s28 =	simm.s32 $0x4;
	[tilespmem:s3+$0x460] =	vst v5;
	s9 =	sor.u32 s7, s1;
	v4 =	vand.u32 $0x1D, v4;
	v5 =	vor.u32 v1, v3  }
0x174: {  	s10 =	simm.s32 $0xD;
	s2 =	sshll.u32 s13, $0x7;
	[tilespmem:s11+$0x460] =	vst v8;
	s11 =	simm.s32 $0x4;
	v6 =	vmov s9;
	v4 =	vbroadcast v4, $0x0;
	v7 =	vor.u32 v0, v2  }
0x175: {  	s3 =	sand.u32 $0x4, s28;
	s4 =	sand.u32 $0x7FFFFFF8, s11;
	_ =	swait.ge [sflag:s10], $0x400;
	v6 =	vand.u32 $0x1E, v6;
	v8 =	vor.u32 v1, v2  }
0x176: {  	s8 =	sor.u32 $0x3, s3;
	s7 =	sor.u32 $0x1, s3;
	[sflag:s10] =	ssyncset.done $0x0;
	v6 =	vbroadcast v6, $0x0;
	v9 =	vor.u32 v0, v4  }
0x177: {  	s12 =	sor.u32 s3, s4;
	[sflag:s10] =	ssyncadd.s32 $0xFFFFFC00;
	s10 =	sor.u32 $0x2, s3;
	v10 =	vor.u32 v1, v4  }
0x178: {  	s11 =	sor.u32 s4, s8;
	s13 =	sor.u32 s4, s7;
	v2 =	vor.u32 v0, v3;
	s4 =	sor.u32 s4, s10;
	v11 =	vor.u32 v0, v6;
	v16 =	vld.idx.msk [tilespmem:v5+s19+$0x0], $0xffff  }
0x179: {  	v12 =	vmov s4;
	v3 =	vor.u32 v1, v6;
	v5 =	vmov s11;
	v4 =	vld.idx.msk [tilespmem:v7+s19+$0x0], $0xffff  }
0x17a: {  	s0 =	sshll.u32 s0, $0x7;
	s30 =	sshll.u32 s3, $0x7;
	s9 =	simm.s32 $0x0;
	v6 =	vmov s12;
	v7 =	vmov s13;
	v13 =	vand.u32 $0x1F, v5;
	v5 =	vld.idx.msk [tilespmem:v8+s19+$0x0], $0xffff  }
0x17b: {  	s29 =	sshll.u32 s7, $0x7;
	s12 =	sshll.u32 s1, $0x7;
	s1 =	sand.u32 $0x3FFFF000, s9;
	v8 =	vand.u32 $0x1C, v6;
	v7 =	vand.u32 $0x1D, v7;
	v13 =	vbroadcast v13, $0x0;
	v6 =	vld.idx.msk [tilespmem:v9+s19+$0x0], $0xffff  }
0x17c: {  	s11 =	sshll.u32 s6, $0x7;
	s6 =	simm.s32 $0x8;
	s13 =	sadd.s32 s1, s5;
	v17 =	vbroadcast v8, $0x0;
	v8 =	vand.u32 $0x1E, v12;
	v14 =	vbroadcast v7, $0x0;
	v7 =	vld.idx.msk [tilespmem:v10+s19+$0x0], $0xffff  }
0x17d: {  	s1 =	sshll.u32 s10, $0x7;
	s3 =	sadd.s32 s11, s13;
	s31 =	sadd.s32 s0, s13;
	v15 =	vbroadcast v8, $0x0;
	v9 =	vor.u32 v0, v13;
	v12 =	vor.u32 v1, v13;
	v8 =	vld.idx.msk [tilespmem:v11+s19+$0x0], $0xffff  }
0x17e: {  	s10 =	sadd.s32 s2, s13;
	s2 =	sadd.s32 s12, s13;
	s0 =	simm.s32 $0x8;
	v13 =	vor.u32 v0, v17;
	v11 =	vor.u32 v1, v17;
	v10 =	vor.u32 v0, v14;
	[tilespmem:s31+$0x810] =	vst v16  }
.LBB2_19:
0x17f: {  	s6 =	sadd.s32 $0x8, s6  }
0x180: {  	v16 =	vor.u32 v1, v14;
	v17 =	vor.u32 v0, v15;
	s28 =	sadd.s32 $0x4, s28;
	v14 =	vld.idx.msk [tilespmem:v3+s19+$0x0], $0xffff;
	v3 =	vor.u32 v1, v15;
	s9 =	smov.u32 s1;
	s0 =	sshll.u32 s0, $0x8  }
0x181: {  	s1 =	sand.u32 $0x4, s28;
	s4 =	sshrl.u32 s6, $0x1;
	p2 =	slt.u32 s6, $0x38;
	[tilespmem:s3+$0x800] =	vst v4;
	v15 =	vld.idx.msk [tilespmem:v2+s19+$0x0], $0xffff;
	v2 =	vmov v9  }
0x182: {  	s4 =	sand.u32 $0x7FFFFFF8, s4;
	s7 =	sor.u32 $0x1, s1;
	s11 =	sor.u32 $0x3, s1;
	[tilespmem:s3+$0x810] =	vst v5  }
0x183: {  	s12 =	sor.u32 $0x2, s1;
	s3 =	sor.u32 s1, s4;
	s13 =	sor.u32 s4, s11;
	v18 =	vld.idx.msk [tilespmem:v12+s19+$0x0], $0xffff;
	[tilespmem:s10+$0x800] =	vst v6  }
0x184: {  	v6 =	vmov s3;
	s3 =	sor.u32 s4, s7;
	s7 =	sshll.u32 s7, $0x7;
	s4 =	sor.u32 s4, s12;
	v5 =	vmov s13;
	v4 =	vld.idx.msk [tilespmem:v13+s19+$0x0], $0xffff;
	[tilespmem:s10+$0x810] =	vst v7  }
.Ltmp8:
0x185: {  	s13 =	sshll.u32 s1, $0x7;
	s1 =	sshll.u32 s12, $0x7;
	v7 =	vmov s3;
	v9 =	vmov s4;
	v12 =	vand.u32 $0x1F, v5;
	v5 =	vld.idx.msk [tilespmem:v11+s19+$0x0], $0xffff;
	[tilespmem:s2+$0x800] =	vst v8;
	(pc) =	sbr.rel @p2 .LBB2_19-.Ltmp8, $4  }
0x186: {  	v8 =	vand.u32 $0x1C, v6;
	s3 =	sand.u32 $0x3FFFF000, s0;
	s0 =	smov.u32 s6;
	v7 =	vand.u32 $0x1D, v7;
	v11 =	vbroadcast v12, $0x0;
	v6 =	vld.idx.msk [tilespmem:v10+s19+$0x0], $0xffff;
	[tilespmem:s2+$0x810] =	vst v14  }
0x187: {  	s4 =	sshll.u32 s8, $0x7;
	s8 =	smov.u32 s11;
	v10 =	vbroadcast v8, $0x0;
	v8 =	vand.u32 $0x1E, v9;
	s2 =	sadd.s32 s3, s5;
	v14 =	vbroadcast v7, $0x0;
	v7 =	vld.idx.msk [tilespmem:v16+s19+$0x0], $0xffff;
	[tilespmem:s31+$0x800] =	vst v15  }
0x188: {  	v15 =	vbroadcast v8, $0x0;
	s3 =	sadd.s32 s30, s2;
	s10 =	sadd.s32 s29, s2;
	s31 =	sadd.s32 s4, s2;
	v9 =	vor.u32 v0, v11;
	v12 =	vor.u32 v1, v11;
	v8 =	vld.idx.msk [tilespmem:v17+s19+$0x0], $0xffff  }
0x189: {  	s2 =	sadd.s32 s9, s2;
	s29 =	smov.u32 s7;
	s30 =	smov.u32 s13;
	v13 =	vor.u32 v0, v10;
	v11 =	vor.u32 v1, v10;
	v10 =	vor.u32 v0, v14;
	[tilespmem:s31+$0x810] =	vst v18  }
0x18a: {  	_ =	sdelay $0x3  }
0x18b: {  	v3 =	vld.idx.msk [tilespmem:v3+s19+$0x0], $0xffff;
	[tilespmem:s3+$0x800] =	vst v4;
	v4 =	vor.u32 v1, v14  }
0x18c: {  	v2 =	vld.idx.msk [tilespmem:v2+s19+$0x0], $0xffff;
	[tilespmem:s3+$0x810] =	vst v5;
	v5 =	vor.u32 v0, v15  }
0x18d: {  	v12 =	vld.idx.msk [tilespmem:v12+s19+$0x0], $0xffff;
	[tilespmem:s10+$0x800] =	vst v6;
	v6 =	vor.u32 v1, v15  }
0x18e: {  	v13 =	vld.idx.msk [tilespmem:v13+s19+$0x0], $0xffff;
	s0 =	sshll.u32 s0, $0x8;
	[tilespmem:s10+$0x810] =	vst v7  }
0x18f: {  	s0 =	sand.u32 $0x3FFFF000, s0;
	v7 =	vld.idx.msk [tilespmem:v11+s19+$0x0], $0xffff;
	[tilespmem:s2+$0x800] =	vst v8  }
0x190: {  	s8 =	sshll.u32 s8, $0x7;
	s9 =	simm.s32 $0x0;
	s13 =	sadd.s32 s0, s5;
	[tilespmem:s2+$0x810] =	vst v3;
	v3 =	vld.idx.msk [tilespmem:v4+s19+$0x0], $0xffff  }
0x191: {  	s6 =	sand.u32 $0x4, s9;
	s10 =	simm.s32 $0x0;
	s3 =	sadd.s32 s8, s13;
	[tilespmem:s31+$0x800] =	vst v2;
	v2 =	vld.idx.msk [tilespmem:v5+s19+$0x0], $0xffff  }
0x192: {  	s0 =	sor.u32 $0x3, s6;
	s4 =	sadd.s32 s30, s13;
	s7 =	sand.u32 $0x7FFFFFF8, s10;
	[tilespmem:s3+$0x810] =	vst v12;
	v4 =	vld.idx.msk [tilespmem:v6+s19+$0x0], $0xffff  }
0x193: {  	s12 =	sor.u32 s7, s0;
	[tilespmem:s4+$0x800] =	vst v13;
	v5 =	vld.idx.msk [tilespmem:v9+s19+$0x0], $0xffff  }
0x194: {  	v8 =	vld.idx.msk [tilespmem:v10+s19+$0x0], $0xffff;
	s11 =	sadd.s32 s29, s13;
	s9 =	sor.u32 s6, s7;
	v6 =	vmov s12;
	[tilespmem:s4+$0x810] =	vst v7  }
0x195: {  	s1 =	sadd.s32 s1, s13;
	s13 =	sor.u32 $0x1, s6;
	v6 =	vand.u32 $0x1F, v6;
	[tilespmem:s11+$0x810] =	vst v3;
	v3 =	vmov s9  }
0x196: {  	s8 =	sor.u32 s7, s13;
	[tilespmem:s1+$0x800] =	vst v2;
	v2 =	vand.u32 $0x1C, v3;
	v3 =	vbroadcast v6, $0x0  }
0x197: {  	[tilespmem:s1+$0x810] =	vst v4;
	s1 =	sor.u32 $0x2, s6;
	v4 =	vmov s8;
	v2 =	vbroadcast v2, $0x0  }
0x198: {  	s28 =	simm.s32 $0x4;
	[tilespmem:s3+$0x800] =	vst v5;
	s9 =	sor.u32 s7, s1;
	v4 =	vand.u32 $0x1D, v4;
	v5 =	vor.u32 v1, v3  }
0x199: {  	s10 =	simm.s32 $0xE;
	s2 =	sshll.u32 s13, $0x7;
	[tilespmem:s11+$0x800] =	vst v8;
	s11 =	simm.s32 $0x4;
	v6 =	vmov s9;
	v4 =	vbroadcast v4, $0x0;
	v7 =	vor.u32 v0, v2  }
0x19a: {  	s3 =	sand.u32 $0x4, s28;
	s4 =	sand.u32 $0x7FFFFFF8, s11;
	_ =	swait.ge [sflag:s10], $0x400;
	v6 =	vand.u32 $0x1E, v6;
	v8 =	vor.u32 v1, v2  }
0x19b: {  	s8 =	sor.u32 $0x3, s3;
	s7 =	sor.u32 $0x1, s3;
	[sflag:s10] =	ssyncset.done $0x0;
	v6 =	vbroadcast v6, $0x0;
	v9 =	vor.u32 v0, v4  }
0x19c: {  	s12 =	sor.u32 s3, s4;
	[sflag:s10] =	ssyncadd.s32 $0xFFFFFC00;
	s10 =	sor.u32 $0x2, s3;
	v10 =	vor.u32 v1, v4  }
0x19d: {  	s11 =	sor.u32 s4, s8;
	s13 =	sor.u32 s4, s7;
	v2 =	vor.u32 v0, v3;
	s4 =	sor.u32 s4, s10;
	v11 =	vor.u32 v0, v6;
	v16 =	vld.idx.msk [tilespmem:v5+s20+$0x0], $0xffff  }
0x19e: {  	v12 =	vmov s4;
	v3 =	vor.u32 v1, v6;
	v5 =	vmov s11;
	v4 =	vld.idx.msk [tilespmem:v7+s20+$0x0], $0xffff  }
0x19f: {  	s0 =	sshll.u32 s0, $0x7;
	s30 =	sshll.u32 s3, $0x7;
	s9 =	simm.s32 $0x0;
	v6 =	vmov s12;
	v7 =	vmov s13;
	v13 =	vand.u32 $0x1F, v5;
	v5 =	vld.idx.msk [tilespmem:v8+s20+$0x0], $0xffff  }
0x1a0: {  	s29 =	sshll.u32 s7, $0x7;
	s12 =	sshll.u32 s1, $0x7;
	s1 =	sand.u32 $0x3FFFF000, s9;
	v8 =	vand.u32 $0x1C, v6;
	v7 =	vand.u32 $0x1D, v7;
	v13 =	vbroadcast v13, $0x0;
	v6 =	vld.idx.msk [tilespmem:v9+s20+$0x0], $0xffff  }
0x1a1: {  	s11 =	sshll.u32 s6, $0x7;
	s6 =	simm.s32 $0x8;
	s13 =	sadd.s32 s1, s5;
	v17 =	vbroadcast v8, $0x0;
	v8 =	vand.u32 $0x1E, v12;
	v14 =	vbroadcast v7, $0x0;
	v7 =	vld.idx.msk [tilespmem:v10+s20+$0x0], $0xffff  }
0x1a2: {  	s1 =	sshll.u32 s10, $0x7;
	s3 =	sadd.s32 s11, s13;
	s31 =	sadd.s32 s0, s13;
	v15 =	vbroadcast v8, $0x0;
	v9 =	vor.u32 v0, v13;
	v12 =	vor.u32 v1, v13;
	v8 =	vld.idx.msk [tilespmem:v11+s20+$0x0], $0xffff  }
0x1a3: {  	s10 =	sadd.s32 s2, s13;
	s2 =	sadd.s32 s12, s13;
	s0 =	simm.s32 $0x8;
	v13 =	vor.u32 v0, v17;
	v11 =	vor.u32 v1, v17;
	v10 =	vor.u32 v0, v14;
	[tilespmem:s31+$0x830] =	vst v16  }
.LBB2_21:
0x1a4: {  	s6 =	sadd.s32 $0x8, s6  }
0x1a5: {  	v16 =	vor.u32 v1, v14;
	v17 =	vor.u32 v0, v15;
	s28 =	sadd.s32 $0x4, s28;
	v14 =	vld.idx.msk [tilespmem:v3+s20+$0x0], $0xffff;
	v3 =	vor.u32 v1, v15;
	s9 =	smov.u32 s1;
	s0 =	sshll.u32 s0, $0x8  }
0x1a6: {  	s1 =	sand.u32 $0x4, s28;
	s4 =	sshrl.u32 s6, $0x1;
	p2 =	slt.u32 s6, $0x38;
	[tilespmem:s3+$0x820] =	vst v4;
	v15 =	vld.idx.msk [tilespmem:v2+s20+$0x0], $0xffff;
	v2 =	vmov v9  }
0x1a7: {  	s4 =	sand.u32 $0x7FFFFFF8, s4;
	s7 =	sor.u32 $0x1, s1;
	s11 =	sor.u32 $0x3, s1;
	[tilespmem:s3+$0x830] =	vst v5  }
0x1a8: {  	s12 =	sor.u32 $0x2, s1;
	s3 =	sor.u32 s1, s4;
	s13 =	sor.u32 s4, s11;
	v18 =	vld.idx.msk [tilespmem:v12+s20+$0x0], $0xffff;
	[tilespmem:s10+$0x820] =	vst v6  }
0x1a9: {  	v6 =	vmov s3;
	s3 =	sor.u32 s4, s7;
	s7 =	sshll.u32 s7, $0x7;
	s4 =	sor.u32 s4, s12;
	v5 =	vmov s13;
	v4 =	vld.idx.msk [tilespmem:v13+s20+$0x0], $0xffff;
	[tilespmem:s10+$0x830] =	vst v7  }
.Ltmp9:
0x1aa: {  	s13 =	sshll.u32 s1, $0x7;
	s1 =	sshll.u32 s12, $0x7;
	v7 =	vmov s3;
	v9 =	vmov s4;
	v12 =	vand.u32 $0x1F, v5;
	v5 =	vld.idx.msk [tilespmem:v11+s20+$0x0], $0xffff;
	[tilespmem:s2+$0x820] =	vst v8;
	(pc) =	sbr.rel @p2 .LBB2_21-.Ltmp9, $4  }
0x1ab: {  	v8 =	vand.u32 $0x1C, v6;
	s3 =	sand.u32 $0x3FFFF000, s0;
	s0 =	smov.u32 s6;
	v7 =	vand.u32 $0x1D, v7;
	v11 =	vbroadcast v12, $0x0;
	v6 =	vld.idx.msk [tilespmem:v10+s20+$0x0], $0xffff;
	[tilespmem:s2+$0x830] =	vst v14  }
0x1ac: {  	s4 =	sshll.u32 s8, $0x7;
	s8 =	smov.u32 s11;
	v10 =	vbroadcast v8, $0x0;
	v8 =	vand.u32 $0x1E, v9;
	s2 =	sadd.s32 s3, s5;
	v14 =	vbroadcast v7, $0x0;
	v7 =	vld.idx.msk [tilespmem:v16+s20+$0x0], $0xffff;
	[tilespmem:s31+$0x820] =	vst v15  }
0x1ad: {  	v15 =	vbroadcast v8, $0x0;
	s3 =	sadd.s32 s30, s2;
	s10 =	sadd.s32 s29, s2;
	s31 =	sadd.s32 s4, s2;
	v9 =	vor.u32 v0, v11;
	v12 =	vor.u32 v1, v11;
	v8 =	vld.idx.msk [tilespmem:v17+s20+$0x0], $0xffff  }
0x1ae: {  	s2 =	sadd.s32 s9, s2;
	s29 =	smov.u32 s7;
	s30 =	smov.u32 s13;
	v13 =	vor.u32 v0, v10;
	v11 =	vor.u32 v1, v10;
	v10 =	vor.u32 v0, v14;
	[tilespmem:s31+$0x830] =	vst v18  }
0x1af: {  	_ =	sdelay $0x3  }
0x1b0: {  	v3 =	vld.idx.msk [tilespmem:v3+s20+$0x0], $0xffff;
	[tilespmem:s3+$0x820] =	vst v4;
	v4 =	vor.u32 v1, v14  }
0x1b1: {  	v2 =	vld.idx.msk [tilespmem:v2+s20+$0x0], $0xffff;
	[tilespmem:s3+$0x830] =	vst v5;
	v5 =	vor.u32 v0, v15  }
0x1b2: {  	v12 =	vld.idx.msk [tilespmem:v12+s20+$0x0], $0xffff;
	[tilespmem:s10+$0x820] =	vst v6;
	v6 =	vor.u32 v1, v15  }
0x1b3: {  	v13 =	vld.idx.msk [tilespmem:v13+s20+$0x0], $0xffff;
	s0 =	sshll.u32 s0, $0x8;
	[tilespmem:s10+$0x830] =	vst v7  }
0x1b4: {  	s0 =	sand.u32 $0x3FFFF000, s0;
	v7 =	vld.idx.msk [tilespmem:v11+s20+$0x0], $0xffff;
	[tilespmem:s2+$0x820] =	vst v8  }
0x1b5: {  	s8 =	sshll.u32 s8, $0x7;
	s9 =	simm.s32 $0x0;
	s13 =	sadd.s32 s0, s5;
	[tilespmem:s2+$0x830] =	vst v3;
	v3 =	vld.idx.msk [tilespmem:v4+s20+$0x0], $0xffff  }
0x1b6: {  	s6 =	sand.u32 $0x4, s9;
	s10 =	simm.s32 $0x0;
	s3 =	sadd.s32 s8, s13;
	[tilespmem:s31+$0x820] =	vst v2;
	v2 =	vld.idx.msk [tilespmem:v5+s20+$0x0], $0xffff  }
0x1b7: {  	s0 =	sor.u32 $0x3, s6;
	s4 =	sadd.s32 s30, s13;
	s7 =	sand.u32 $0x7FFFFFF8, s10;
	[tilespmem:s3+$0x830] =	vst v12;
	v4 =	vld.idx.msk [tilespmem:v6+s20+$0x0], $0xffff  }
0x1b8: {  	s12 =	sor.u32 s7, s0;
	[tilespmem:s4+$0x820] =	vst v13;
	v5 =	vld.idx.msk [tilespmem:v9+s20+$0x0], $0xffff  }
0x1b9: {  	v8 =	vld.idx.msk [tilespmem:v10+s20+$0x0], $0xffff;
	s11 =	sadd.s32 s29, s13;
	s9 =	sor.u32 s6, s7;
	v6 =	vmov s12;
	[tilespmem:s4+$0x830] =	vst v7  }
0x1ba: {  	s1 =	sadd.s32 s1, s13;
	s13 =	sor.u32 $0x1, s6;
	v6 =	vand.u32 $0x1F, v6;
	[tilespmem:s11+$0x830] =	vst v3;
	v3 =	vmov s9  }
0x1bb: {  	s8 =	sor.u32 s7, s13;
	[tilespmem:s1+$0x820] =	vst v2;
	v2 =	vand.u32 $0x1C, v3;
	v3 =	vbroadcast v6, $0x0  }
0x1bc: {  	[tilespmem:s1+$0x830] =	vst v4;
	s1 =	sor.u32 $0x2, s6;
	v4 =	vmov s8;
	v2 =	vbroadcast v2, $0x0  }
0x1bd: {  	s28 =	simm.s32 $0x4;
	[tilespmem:s3+$0x820] =	vst v5;
	s9 =	sor.u32 s7, s1;
	v4 =	vand.u32 $0x1D, v4;
	v5 =	vor.u32 v1, v3  }
0x1be: {  	s10 =	simm.s32 $0xF;
	s2 =	sshll.u32 s13, $0x7;
	[tilespmem:s11+$0x820] =	vst v8;
	s11 =	simm.s32 $0x4;
	v6 =	vmov s9;
	v4 =	vbroadcast v4, $0x0;
	v7 =	vor.u32 v0, v2  }
0x1bf: {  	s3 =	sand.u32 $0x4, s28;
	s4 =	sand.u32 $0x7FFFFFF8, s11;
	_ =	swait.ge [sflag:s10], $0x400;
	v6 =	vand.u32 $0x1E, v6;
	v8 =	vor.u32 v1, v2  }
0x1c0: {  	s8 =	sor.u32 $0x3, s3;
	s7 =	sor.u32 $0x1, s3;
	[sflag:s10] =	ssyncset.done $0x0;
	v6 =	vbroadcast v6, $0x0;
	v9 =	vor.u32 v0, v4  }
0x1c1: {  	s12 =	sor.u32 s3, s4;
	[sflag:s10] =	ssyncadd.s32 $0xFFFFFC00;
	s10 =	sor.u32 $0x2, s3;
	v10 =	vor.u32 v1, v4  }
0x1c2: {  	s11 =	sor.u32 s4, s8;
	s13 =	sor.u32 s4, s7;
	v2 =	vor.u32 v0, v3;
	s4 =	sor.u32 s4, s10;
	v11 =	vor.u32 v0, v6;
	v16 =	vld.idx.msk [tilespmem:v5+s21+$0x0], $0xffff  }
0x1c3: {  	v12 =	vmov s4;
	v3 =	vor.u32 v1, v6;
	v5 =	vmov s11;
	v4 =	vld.idx.msk [tilespmem:v7+s21+$0x0], $0xffff  }
0x1c4: {  	s0 =	sshll.u32 s0, $0x7;
	s30 =	sshll.u32 s3, $0x7;
	s9 =	simm.s32 $0x0;
	v6 =	vmov s12;
	v7 =	vmov s13;
	v13 =	vand.u32 $0x1F, v5;
	v5 =	vld.idx.msk [tilespmem:v8+s21+$0x0], $0xffff  }
0x1c5: {  	s29 =	sshll.u32 s7, $0x7;
	s12 =	sshll.u32 s1, $0x7;
	s1 =	sand.u32 $0x3FFFF000, s9;
	v8 =	vand.u32 $0x1C, v6;
	v7 =	vand.u32 $0x1D, v7;
	v13 =	vbroadcast v13, $0x0;
	v6 =	vld.idx.msk [tilespmem:v9+s21+$0x0], $0xffff  }
0x1c6: {  	s11 =	sshll.u32 s6, $0x7;
	s6 =	simm.s32 $0x8;
	s13 =	sadd.s32 s1, s5;
	v17 =	vbroadcast v8, $0x0;
	v8 =	vand.u32 $0x1E, v12;
	v14 =	vbroadcast v7, $0x0;
	v7 =	vld.idx.msk [tilespmem:v10+s21+$0x0], $0xffff  }
0x1c7: {  	s1 =	sshll.u32 s10, $0x7;
	s3 =	sadd.s32 s11, s13;
	s31 =	sadd.s32 s0, s13;
	v15 =	vbroadcast v8, $0x0;
	v9 =	vor.u32 v0, v13;
	v12 =	vor.u32 v1, v13;
	v8 =	vld.idx.msk [tilespmem:v11+s21+$0x0], $0xffff  }
0x1c8: {  	s10 =	sadd.s32 s2, s13;
	s2 =	sadd.s32 s12, s13;
	s0 =	simm.s32 $0x8;
	v13 =	vor.u32 v0, v17;
	v11 =	vor.u32 v1, v17;
	v10 =	vor.u32 v0, v14;
	[tilespmem:s31+$0x850] =	vst v16  }
.LBB2_23:
0x1c9: {  	s6 =	sadd.s32 $0x8, s6  }
0x1ca: {  	v16 =	vor.u32 v1, v14;
	v17 =	vor.u32 v0, v15;
	s28 =	sadd.s32 $0x4, s28;
	v14 =	vld.idx.msk [tilespmem:v3+s21+$0x0], $0xffff;
	v3 =	vor.u32 v1, v15;
	s9 =	smov.u32 s1;
	s0 =	sshll.u32 s0, $0x8  }
0x1cb: {  	s1 =	sand.u32 $0x4, s28;
	s4 =	sshrl.u32 s6, $0x1;
	p2 =	slt.u32 s6, $0x38;
	[tilespmem:s3+$0x840] =	vst v4;
	v15 =	vld.idx.msk [tilespmem:v2+s21+$0x0], $0xffff;
	v2 =	vmov v9  }
0x1cc: {  	s4 =	sand.u32 $0x7FFFFFF8, s4;
	s7 =	sor.u32 $0x1, s1;
	s11 =	sor.u32 $0x3, s1;
	[tilespmem:s3+$0x850] =	vst v5  }
0x1cd: {  	s12 =	sor.u32 $0x2, s1;
	s3 =	sor.u32 s1, s4;
	s13 =	sor.u32 s4, s11;
	v18 =	vld.idx.msk [tilespmem:v12+s21+$0x0], $0xffff;
	[tilespmem:s10+$0x840] =	vst v6  }
0x1ce: {  	v6 =	vmov s3;
	s3 =	sor.u32 s4, s7;
	s7 =	sshll.u32 s7, $0x7;
	s4 =	sor.u32 s4, s12;
	v5 =	vmov s13;
	v4 =	vld.idx.msk [tilespmem:v13+s21+$0x0], $0xffff;
	[tilespmem:s10+$0x850] =	vst v7  }
.Ltmp10:
0x1cf: {  	s13 =	sshll.u32 s1, $0x7;
	s1 =	sshll.u32 s12, $0x7;
	v7 =	vmov s3;
	v9 =	vmov s4;
	v12 =	vand.u32 $0x1F, v5;
	v5 =	vld.idx.msk [tilespmem:v11+s21+$0x0], $0xffff;
	[tilespmem:s2+$0x840] =	vst v8;
	(pc) =	sbr.rel @p2 .LBB2_23-.Ltmp10, $4  }
0x1d0: {  	v8 =	vand.u32 $0x1C, v6;
	s3 =	sand.u32 $0x3FFFF000, s0;
	s0 =	smov.u32 s6;
	v7 =	vand.u32 $0x1D, v7;
	v11 =	vbroadcast v12, $0x0;
	v6 =	vld.idx.msk [tilespmem:v10+s21+$0x0], $0xffff;
	[tilespmem:s2+$0x850] =	vst v14  }
0x1d1: {  	s4 =	sshll.u32 s8, $0x7;
	s8 =	smov.u32 s11;
	v10 =	vbroadcast v8, $0x0;
	v8 =	vand.u32 $0x1E, v9;
	s2 =	sadd.s32 s3, s5;
	v14 =	vbroadcast v7, $0x0;
	v7 =	vld.idx.msk [tilespmem:v16+s21+$0x0], $0xffff;
	[tilespmem:s31+$0x840] =	vst v15  }
0x1d2: {  	v15 =	vbroadcast v8, $0x0;
	s3 =	sadd.s32 s30, s2;
	s10 =	sadd.s32 s29, s2;
	s31 =	sadd.s32 s4, s2;
	v9 =	vor.u32 v0, v11;
	v12 =	vor.u32 v1, v11;
	v8 =	vld.idx.msk [tilespmem:v17+s21+$0x0], $0xffff  }
0x1d3: {  	s2 =	sadd.s32 s9, s2;
	s29 =	smov.u32 s7;
	s30 =	smov.u32 s13;
	v13 =	vor.u32 v0, v10;
	v11 =	vor.u32 v1, v10;
	v10 =	vor.u32 v0, v14;
	[tilespmem:s31+$0x850] =	vst v18  }
0x1d4: {  	_ =	sdelay $0x3  }
0x1d5: {  	v3 =	vld.idx.msk [tilespmem:v3+s21+$0x0], $0xffff;
	[tilespmem:s3+$0x840] =	vst v4;
	v4 =	vor.u32 v1, v14  }
0x1d6: {  	v2 =	vld.idx.msk [tilespmem:v2+s21+$0x0], $0xffff;
	[tilespmem:s3+$0x850] =	vst v5;
	v5 =	vor.u32 v0, v15  }
0x1d7: {  	v12 =	vld.idx.msk [tilespmem:v12+s21+$0x0], $0xffff;
	[tilespmem:s10+$0x840] =	vst v6;
	v6 =	vor.u32 v1, v15  }
0x1d8: {  	v13 =	vld.idx.msk [tilespmem:v13+s21+$0x0], $0xffff;
	s0 =	sshll.u32 s0, $0x8;
	[tilespmem:s10+$0x850] =	vst v7  }
0x1d9: {  	s0 =	sand.u32 $0x3FFFF000, s0;
	v7 =	vld.idx.msk [tilespmem:v11+s21+$0x0], $0xffff;
	[tilespmem:s2+$0x840] =	vst v8  }
0x1da: {  	s8 =	sshll.u32 s8, $0x7;
	s9 =	simm.s32 $0x0;
	s13 =	sadd.s32 s0, s5;
	[tilespmem:s2+$0x850] =	vst v3;
	v3 =	vld.idx.msk [tilespmem:v4+s21+$0x0], $0xffff  }
0x1db: {  	s6 =	sand.u32 $0x4, s9;
	s10 =	simm.s32 $0x0;
	s3 =	sadd.s32 s8, s13;
	[tilespmem:s31+$0x840] =	vst v2;
	v2 =	vld.idx.msk [tilespmem:v5+s21+$0x0], $0xffff  }
0x1dc: {  	s0 =	sor.u32 $0x3, s6;
	s4 =	sadd.s32 s30, s13;
	s7 =	sand.u32 $0x7FFFFFF8, s10;
	[tilespmem:s3+$0x850] =	vst v12;
	v4 =	vld.idx.msk [tilespmem:v6+s21+$0x0], $0xffff  }
0x1dd: {  	s12 =	sor.u32 s7, s0;
	[tilespmem:s4+$0x840] =	vst v13;
	v5 =	vld.idx.msk [tilespmem:v9+s21+$0x0], $0xffff  }
0x1de: {  	v8 =	vld.idx.msk [tilespmem:v10+s21+$0x0], $0xffff;
	s11 =	sadd.s32 s29, s13;
	s9 =	sor.u32 s6, s7;
	v6 =	vmov s12;
	[tilespmem:s4+$0x850] =	vst v7  }
0x1df: {  	s1 =	sadd.s32 s1, s13;
	s13 =	sor.u32 $0x1, s6;
	v6 =	vand.u32 $0x1F, v6;
	[tilespmem:s11+$0x850] =	vst v3;
	v3 =	vmov s9  }
0x1e0: {  	s8 =	sor.u32 s7, s13;
	[tilespmem:s1+$0x840] =	vst v2;
	v2 =	vand.u32 $0x1C, v3;
	v3 =	vbroadcast v6, $0x0  }
0x1e1: {  	[tilespmem:s1+$0x850] =	vst v4;
	s1 =	sor.u32 $0x2, s6;
	v4 =	vmov s8;
	v2 =	vbroadcast v2, $0x0  }
0x1e2: {  	s28 =	simm.s32 $0x4;
	[tilespmem:s3+$0x840] =	vst v5;
	s9 =	sor.u32 s7, s1;
	v4 =	vand.u32 $0x1D, v4;
	v5 =	vor.u32 v1, v3  }
0x1e3: {  	s10 =	simm.s32 $0x10;
	s2 =	sshll.u32 s13, $0x7;
	[tilespmem:s11+$0x840] =	vst v8;
	s11 =	simm.s32 $0x4;
	v6 =	vmov s9;
	v4 =	vbroadcast v4, $0x0;
	v7 =	vor.u32 v0, v2  }
0x1e4: {  	s3 =	sand.u32 $0x4, s28;
	s4 =	sand.u32 $0x7FFFFFF8, s11;
	_ =	swait.ge [sflag:s10], $0x400;
	v6 =	vand.u32 $0x1E, v6;
	v8 =	vor.u32 v1, v2  }
0x1e5: {  	s8 =	sor.u32 $0x3, s3;
	s7 =	sor.u32 $0x1, s3;
	[sflag:s10] =	ssyncset.done $0x0;
	v6 =	vbroadcast v6, $0x0;
	v9 =	vor.u32 v0, v4  }
0x1e6: {  	s12 =	sor.u32 s3, s4;
	[sflag:s10] =	ssyncadd.s32 $0xFFFFFC00;
	s10 =	sor.u32 $0x2, s3;
	v10 =	vor.u32 v1, v4  }
0x1e7: {  	s11 =	sor.u32 s4, s8;
	s13 =	sor.u32 s4, s7;
	v2 =	vor.u32 v0, v3;
	s4 =	sor.u32 s4, s10;
	v11 =	vor.u32 v0, v6;
	v16 =	vld.idx.msk [tilespmem:v5+s22+$0x0], $0xffff  }
0x1e8: {  	v12 =	vmov s4;
	v3 =	vor.u32 v1, v6;
	v5 =	vmov s11;
	v4 =	vld.idx.msk [tilespmem:v7+s22+$0x0], $0xffff  }
0x1e9: {  	s0 =	sshll.u32 s0, $0x7;
	s30 =	sshll.u32 s3, $0x7;
	s9 =	simm.s32 $0x0;
	v6 =	vmov s12;
	v7 =	vmov s13;
	v13 =	vand.u32 $0x1F, v5;
	v5 =	vld.idx.msk [tilespmem:v8+s22+$0x0], $0xffff  }
0x1ea: {  	s29 =	sshll.u32 s7, $0x7;
	s12 =	sshll.u32 s1, $0x7;
	s1 =	sand.u32 $0x3FFFF000, s9;
	v8 =	vand.u32 $0x1C, v6;
	v7 =	vand.u32 $0x1D, v7;
	v13 =	vbroadcast v13, $0x0;
	v6 =	vld.idx.msk [tilespmem:v9+s22+$0x0], $0xffff  }
0x1eb: {  	s11 =	sshll.u32 s6, $0x7;
	s6 =	simm.s32 $0x8;
	s13 =	sadd.s32 s1, s5;
	v17 =	vbroadcast v8, $0x0;
	v8 =	vand.u32 $0x1E, v12;
	v14 =	vbroadcast v7, $0x0;
	v7 =	vld.idx.msk [tilespmem:v10+s22+$0x0], $0xffff  }
0x1ec: {  	s1 =	sshll.u32 s10, $0x7;
	s3 =	sadd.s32 s11, s13;
	s31 =	sadd.s32 s0, s13;
	v15 =	vbroadcast v8, $0x0;
	v9 =	vor.u32 v0, v13;
	v12 =	vor.u32 v1, v13;
	v8 =	vld.idx.msk [tilespmem:v11+s22+$0x0], $0xffff  }
0x1ed: {  	s10 =	sadd.s32 s2, s13;
	s2 =	sadd.s32 s12, s13;
	s0 =	simm.s32 $0x8;
	v13 =	vor.u32 v0, v17;
	v11 =	vor.u32 v1, v17;
	v10 =	vor.u32 v0, v14;
	[tilespmem:s31+$0x870] =	vst v16  }
.LBB2_25:
0x1ee: {  	s6 =	sadd.s32 $0x8, s6  }
0x1ef: {  	v16 =	vor.u32 v1, v14;
	v17 =	vor.u32 v0, v15;
	s28 =	sadd.s32 $0x4, s28;
	v14 =	vld.idx.msk [tilespmem:v3+s22+$0x0], $0xffff;
	v3 =	vor.u32 v1, v15;
	s9 =	smov.u32 s1;
	s0 =	sshll.u32 s0, $0x8  }
0x1f0: {  	s1 =	sand.u32 $0x4, s28;
	s4 =	sshrl.u32 s6, $0x1;
	p2 =	slt.u32 s6, $0x38;
	[tilespmem:s3+$0x860] =	vst v4;
	v15 =	vld.idx.msk [tilespmem:v2+s22+$0x0], $0xffff;
	v2 =	vmov v9  }
0x1f1: {  	s4 =	sand.u32 $0x7FFFFFF8, s4;
	s7 =	sor.u32 $0x1, s1;
	s11 =	sor.u32 $0x3, s1;
	[tilespmem:s3+$0x870] =	vst v5  }
0x1f2: {  	s12 =	sor.u32 $0x2, s1;
	s3 =	sor.u32 s1, s4;
	s13 =	sor.u32 s4, s11;
	v18 =	vld.idx.msk [tilespmem:v12+s22+$0x0], $0xffff;
	[tilespmem:s10+$0x860] =	vst v6  }
0x1f3: {  	v6 =	vmov s3;
	s3 =	sor.u32 s4, s7;
	s7 =	sshll.u32 s7, $0x7;
	s4 =	sor.u32 s4, s12;
	v5 =	vmov s13;
	v4 =	vld.idx.msk [tilespmem:v13+s22+$0x0], $0xffff;
	[tilespmem:s10+$0x870] =	vst v7  }
.Ltmp11:
0x1f4: {  	s13 =	sshll.u32 s1, $0x7;
	s1 =	sshll.u32 s12, $0x7;
	v7 =	vmov s3;
	v9 =	vmov s4;
	v12 =	vand.u32 $0x1F, v5;
	v5 =	vld.idx.msk [tilespmem:v11+s22+$0x0], $0xffff;
	[tilespmem:s2+$0x860] =	vst v8;
	(pc) =	sbr.rel @p2 .LBB2_25-.Ltmp11, $4  }
0x1f5: {  	v8 =	vand.u32 $0x1C, v6;
	s3 =	sand.u32 $0x3FFFF000, s0;
	s0 =	smov.u32 s6;
	v7 =	vand.u32 $0x1D, v7;
	v11 =	vbroadcast v12, $0x0;
	v6 =	vld.idx.msk [tilespmem:v10+s22+$0x0], $0xffff;
	[tilespmem:s2+$0x870] =	vst v14  }
0x1f6: {  	s4 =	sshll.u32 s8, $0x7;
	s8 =	smov.u32 s11;
	v10 =	vbroadcast v8, $0x0;
	v8 =	vand.u32 $0x1E, v9;
	s2 =	sadd.s32 s3, s5;
	v14 =	vbroadcast v7, $0x0;
	v7 =	vld.idx.msk [tilespmem:v16+s22+$0x0], $0xffff;
	[tilespmem:s31+$0x860] =	vst v15  }
0x1f7: {  	v15 =	vbroadcast v8, $0x0;
	s3 =	sadd.s32 s30, s2;
	s10 =	sadd.s32 s29, s2;
	s31 =	sadd.s32 s4, s2;
	v9 =	vor.u32 v0, v11;
	v12 =	vor.u32 v1, v11;
	v8 =	vld.idx.msk [tilespmem:v17+s22+$0x0], $0xffff  }
0x1f8: {  	s2 =	sadd.s32 s9, s2;
	s29 =	smov.u32 s7;
	s30 =	smov.u32 s13;
	v13 =	vor.u32 v0, v10;
	v11 =	vor.u32 v1, v10;
	v10 =	vor.u32 v0, v14;
	[tilespmem:s31+$0x870] =	vst v18  }
0x1f9: {  	_ =	sdelay $0x3  }
0x1fa: {  	v3 =	vld.idx.msk [tilespmem:v3+s22+$0x0], $0xffff;
	[tilespmem:s3+$0x860] =	vst v4;
	v4 =	vor.u32 v1, v14  }
0x1fb: {  	v2 =	vld.idx.msk [tilespmem:v2+s22+$0x0], $0xffff;
	[tilespmem:s3+$0x870] =	vst v5;
	v5 =	vor.u32 v0, v15  }
0x1fc: {  	v12 =	vld.idx.msk [tilespmem:v12+s22+$0x0], $0xffff;
	[tilespmem:s10+$0x860] =	vst v6;
	v6 =	vor.u32 v1, v15  }
0x1fd: {  	v13 =	vld.idx.msk [tilespmem:v13+s22+$0x0], $0xffff;
	s0 =	sshll.u32 s0, $0x8;
	[tilespmem:s10+$0x870] =	vst v7  }
0x1fe: {  	s0 =	sand.u32 $0x3FFFF000, s0;
	v7 =	vld.idx.msk [tilespmem:v11+s22+$0x0], $0xffff;
	[tilespmem:s2+$0x860] =	vst v8  }
0x1ff: {  	s8 =	sshll.u32 s8, $0x7;
	s9 =	simm.s32 $0x0;
	s13 =	sadd.s32 s0, s5;
	[tilespmem:s2+$0x870] =	vst v3;
	v3 =	vld.idx.msk [tilespmem:v4+s22+$0x0], $0xffff  }
0x200: {  	s6 =	sand.u32 $0x4, s9;
	s10 =	simm.s32 $0x0;
	s3 =	sadd.s32 s8, s13;
	[tilespmem:s31+$0x860] =	vst v2;
	v2 =	vld.idx.msk [tilespmem:v5+s22+$0x0], $0xffff  }
0x201: {  	s0 =	sor.u32 $0x3, s6;
	s4 =	sadd.s32 s30, s13;
	s7 =	sand.u32 $0x7FFFFFF8, s10;
	[tilespmem:s3+$0x870] =	vst v12;
	v4 =	vld.idx.msk [tilespmem:v6+s22+$0x0], $0xffff  }
0x202: {  	s12 =	sor.u32 s7, s0;
	[tilespmem:s4+$0x860] =	vst v13;
	v5 =	vld.idx.msk [tilespmem:v9+s22+$0x0], $0xffff  }
0x203: {  	v8 =	vld.idx.msk [tilespmem:v10+s22+$0x0], $0xffff;
	s11 =	sadd.s32 s29, s13;
	s9 =	sor.u32 s6, s7;
	v6 =	vmov s12;
	[tilespmem:s4+$0x870] =	vst v7  }
0x204: {  	s1 =	sadd.s32 s1, s13;
	s13 =	sor.u32 $0x1, s6;
	v6 =	vand.u32 $0x1F, v6;
	[tilespmem:s11+$0x870] =	vst v3;
	v3 =	vmov s9  }
0x205: {  	s8 =	sor.u32 s7, s13;
	[tilespmem:s1+$0x860] =	vst v2;
	v2 =	vand.u32 $0x1C, v3;
	v3 =	vbroadcast v6, $0x0  }
0x206: {  	[tilespmem:s1+$0x870] =	vst v4;
	s1 =	sor.u32 $0x2, s6;
	v4 =	vmov s8;
	v2 =	vbroadcast v2, $0x0  }
0x207: {  	s28 =	simm.s32 $0x4;
	[tilespmem:s3+$0x860] =	vst v5;
	s9 =	sor.u32 s7, s1;
	v4 =	vand.u32 $0x1D, v4;
	v5 =	vor.u32 v1, v3  }
0x208: {  	s10 =	simm.s32 $0x11;
	s2 =	sshll.u32 s13, $0x7;
	[tilespmem:s11+$0x860] =	vst v8;
	s11 =	simm.s32 $0x4;
	v6 =	vmov s9;
	v4 =	vbroadcast v4, $0x0;
	v7 =	vor.u32 v0, v2  }
0x209: {  	s3 =	sand.u32 $0x4, s28;
	s4 =	sand.u32 $0x7FFFFFF8, s11;
	_ =	swait.ge [sflag:s10], $0x400;
	v6 =	vand.u32 $0x1E, v6;
	v8 =	vor.u32 v1, v2  }
0x20a: {  	s8 =	sor.u32 $0x3, s3;
	s7 =	sor.u32 $0x1, s3;
	[sflag:s10] =	ssyncset.done $0x0;
	v6 =	vbroadcast v6, $0x0;
	v9 =	vor.u32 v0, v4  }
0x20b: {  	s12 =	sor.u32 s3, s4;
	[sflag:s10] =	ssyncadd.s32 $0xFFFFFC00;
	s10 =	sor.u32 $0x2, s3;
	v10 =	vor.u32 v1, v4  }
0x20c: {  	s11 =	sor.u32 s4, s8;
	s13 =	sor.u32 s4, s7;
	v2 =	vor.u32 v0, v3;
	s4 =	sor.u32 s4, s10;
	v11 =	vor.u32 v0, v6;
	v16 =	vld.idx.msk [tilespmem:v5+s23+$0x0], $0xffff  }
0x20d: {  	v12 =	vmov s4;
	v3 =	vor.u32 v1, v6;
	v5 =	vmov s11;
	v4 =	vld.idx.msk [tilespmem:v7+s23+$0x0], $0xffff  }
0x20e: {  	s0 =	sshll.u32 s0, $0x7;
	s30 =	sshll.u32 s3, $0x7;
	s9 =	simm.s32 $0x0;
	v6 =	vmov s12;
	v7 =	vmov s13;
	v13 =	vand.u32 $0x1F, v5;
	v5 =	vld.idx.msk [tilespmem:v8+s23+$0x0], $0xffff  }
0x20f: {  	s29 =	sshll.u32 s7, $0x7;
	s12 =	sshll.u32 s1, $0x7;
	s1 =	sand.u32 $0x3FFFF000, s9;
	v8 =	vand.u32 $0x1C, v6;
	v7 =	vand.u32 $0x1D, v7;
	v13 =	vbroadcast v13, $0x0;
	v6 =	vld.idx.msk [tilespmem:v9+s23+$0x0], $0xffff  }
0x210: {  	s11 =	sshll.u32 s6, $0x7;
	s6 =	simm.s32 $0x8;
	s13 =	sadd.s32 s1, s5;
	v17 =	vbroadcast v8, $0x0;
	v8 =	vand.u32 $0x1E, v12;
	v14 =	vbroadcast v7, $0x0;
	v7 =	vld.idx.msk [tilespmem:v10+s23+$0x0], $0xffff  }
0x211: {  	s1 =	sshll.u32 s10, $0x7;
	s3 =	sadd.s32 s11, s13;
	s31 =	sadd.s32 s0, s13;
	v15 =	vbroadcast v8, $0x0;
	v9 =	vor.u32 v0, v13;
	v12 =	vor.u32 v1, v13;
	v8 =	vld.idx.msk [tilespmem:v11+s23+$0x0], $0xffff  }
0x212: {  	s10 =	sadd.s32 s2, s13;
	s2 =	sadd.s32 s12, s13;
	s0 =	simm.s32 $0x8;
	v13 =	vor.u32 v0, v17;
	v11 =	vor.u32 v1, v17;
	v10 =	vor.u32 v0, v14;
	[tilespmem:s31+$0xC10] =	vst v16  }
.LBB2_27:
0x213: {  	s6 =	sadd.s32 $0x8, s6  }
0x214: {  	v16 =	vor.u32 v1, v14;
	v17 =	vor.u32 v0, v15;
	s28 =	sadd.s32 $0x4, s28;
	v14 =	vld.idx.msk [tilespmem:v3+s23+$0x0], $0xffff;
	v3 =	vor.u32 v1, v15;
	s9 =	smov.u32 s1;
	s0 =	sshll.u32 s0, $0x8  }
0x215: {  	s1 =	sand.u32 $0x4, s28;
	s4 =	sshrl.u32 s6, $0x1;
	p2 =	slt.u32 s6, $0x38;
	[tilespmem:s3+$0xC00] =	vst v4;
	v15 =	vld.idx.msk [tilespmem:v2+s23+$0x0], $0xffff;
	v2 =	vmov v9  }
0x216: {  	s4 =	sand.u32 $0x7FFFFFF8, s4;
	s7 =	sor.u32 $0x1, s1;
	s11 =	sor.u32 $0x3, s1;
	[tilespmem:s3+$0xC10] =	vst v5  }
0x217: {  	s12 =	sor.u32 $0x2, s1;
	s3 =	sor.u32 s1, s4;
	s13 =	sor.u32 s4, s11;
	v18 =	vld.idx.msk [tilespmem:v12+s23+$0x0], $0xffff;
	[tilespmem:s10+$0xC00] =	vst v6  }
0x218: {  	v6 =	vmov s3;
	s3 =	sor.u32 s4, s7;
	s7 =	sshll.u32 s7, $0x7;
	s4 =	sor.u32 s4, s12;
	v5 =	vmov s13;
	v4 =	vld.idx.msk [tilespmem:v13+s23+$0x0], $0xffff;
	[tilespmem:s10+$0xC10] =	vst v7  }
.Ltmp12:
0x219: {  	s13 =	sshll.u32 s1, $0x7;
	s1 =	sshll.u32 s12, $0x7;
	v7 =	vmov s3;
	v9 =	vmov s4;
	v12 =	vand.u32 $0x1F, v5;
	v5 =	vld.idx.msk [tilespmem:v11+s23+$0x0], $0xffff;
	[tilespmem:s2+$0xC00] =	vst v8;
	(pc) =	sbr.rel @p2 .LBB2_27-.Ltmp12, $4  }
0x21a: {  	v8 =	vand.u32 $0x1C, v6;
	s3 =	sand.u32 $0x3FFFF000, s0;
	s0 =	smov.u32 s6;
	v7 =	vand.u32 $0x1D, v7;
	v11 =	vbroadcast v12, $0x0;
	v6 =	vld.idx.msk [tilespmem:v10+s23+$0x0], $0xffff;
	[tilespmem:s2+$0xC10] =	vst v14  }
0x21b: {  	s4 =	sshll.u32 s8, $0x7;
	s8 =	smov.u32 s11;
	v10 =	vbroadcast v8, $0x0;
	v8 =	vand.u32 $0x1E, v9;
	s2 =	sadd.s32 s3, s5;
	v14 =	vbroadcast v7, $0x0;
	v7 =	vld.idx.msk [tilespmem:v16+s23+$0x0], $0xffff;
	[tilespmem:s31+$0xC00] =	vst v15  }
0x21c: {  	v15 =	vbroadcast v8, $0x0;
	s3 =	sadd.s32 s30, s2;
	s10 =	sadd.s32 s29, s2;
	s31 =	sadd.s32 s4, s2;
	v9 =	vor.u32 v0, v11;
	v12 =	vor.u32 v1, v11;
	v8 =	vld.idx.msk [tilespmem:v17+s23+$0x0], $0xffff  }
0x21d: {  	s2 =	sadd.s32 s9, s2;
	s29 =	smov.u32 s7;
	s30 =	smov.u32 s13;
	v13 =	vor.u32 v0, v10;
	v11 =	vor.u32 v1, v10;
	v10 =	vor.u32 v0, v14;
	[tilespmem:s31+$0xC10] =	vst v18  }
0x21e: {  	_ =	sdelay $0x3  }
0x21f: {  	v3 =	vld.idx.msk [tilespmem:v3+s23+$0x0], $0xffff;
	[tilespmem:s3+$0xC00] =	vst v4;
	v4 =	vor.u32 v1, v14  }
0x220: {  	v2 =	vld.idx.msk [tilespmem:v2+s23+$0x0], $0xffff;
	[tilespmem:s3+$0xC10] =	vst v5;
	v5 =	vor.u32 v0, v15  }
0x221: {  	v12 =	vld.idx.msk [tilespmem:v12+s23+$0x0], $0xffff;
	[tilespmem:s10+$0xC00] =	vst v6;
	v6 =	vor.u32 v1, v15  }
0x222: {  	v13 =	vld.idx.msk [tilespmem:v13+s23+$0x0], $0xffff;
	s0 =	sshll.u32 s0, $0x8;
	[tilespmem:s10+$0xC10] =	vst v7  }
0x223: {  	s0 =	sand.u32 $0x3FFFF000, s0;
	v7 =	vld.idx.msk [tilespmem:v11+s23+$0x0], $0xffff;
	[tilespmem:s2+$0xC00] =	vst v8  }
0x224: {  	s8 =	sshll.u32 s8, $0x7;
	s9 =	simm.s32 $0x0;
	s13 =	sadd.s32 s0, s5;
	[tilespmem:s2+$0xC10] =	vst v3;
	v3 =	vld.idx.msk [tilespmem:v4+s23+$0x0], $0xffff  }
0x225: {  	s6 =	sand.u32 $0x4, s9;
	s10 =	simm.s32 $0x0;
	s3 =	sadd.s32 s8, s13;
	[tilespmem:s31+$0xC00] =	vst v2;
	v2 =	vld.idx.msk [tilespmem:v5+s23+$0x0], $0xffff  }
0x226: {  	s0 =	sor.u32 $0x3, s6;
	s4 =	sadd.s32 s30, s13;
	s7 =	sand.u32 $0x7FFFFFF8, s10;
	[tilespmem:s3+$0xC10] =	vst v12;
	v4 =	vld.idx.msk [tilespmem:v6+s23+$0x0], $0xffff  }
0x227: {  	s12 =	sor.u32 s7, s0;
	[tilespmem:s4+$0xC00] =	vst v13;
	v5 =	vld.idx.msk [tilespmem:v9+s23+$0x0], $0xffff  }
0x228: {  	v8 =	vld.idx.msk [tilespmem:v10+s23+$0x0], $0xffff;
	s11 =	sadd.s32 s29, s13;
	s9 =	sor.u32 s6, s7;
	v6 =	vmov s12;
	[tilespmem:s4+$0xC10] =	vst v7  }
0x229: {  	s1 =	sadd.s32 s1, s13;
	s13 =	sor.u32 $0x1, s6;
	v6 =	vand.u32 $0x1F, v6;
	[tilespmem:s11+$0xC10] =	vst v3;
	v3 =	vmov s9  }
0x22a: {  	s8 =	sor.u32 s7, s13;
	[tilespmem:s1+$0xC00] =	vst v2;
	v2 =	vand.u32 $0x1C, v3;
	v3 =	vbroadcast v6, $0x0  }
0x22b: {  	[tilespmem:s1+$0xC10] =	vst v4;
	s1 =	sor.u32 $0x2, s6;
	v4 =	vmov s8;
	v2 =	vbroadcast v2, $0x0  }
0x22c: {  	s28 =	simm.s32 $0x4;
	[tilespmem:s3+$0xC00] =	vst v5;
	s9 =	sor.u32 s7, s1;
	v4 =	vand.u32 $0x1D, v4;
	v5 =	vor.u32 v1, v3  }
0x22d: {  	s10 =	simm.s32 $0x12;
	s2 =	sshll.u32 s13, $0x7;
	[tilespmem:s11+$0xC00] =	vst v8;
	s11 =	simm.s32 $0x4;
	v6 =	vmov s9;
	v4 =	vbroadcast v4, $0x0;
	v7 =	vor.u32 v0, v2  }
0x22e: {  	s3 =	sand.u32 $0x4, s28;
	s4 =	sand.u32 $0x7FFFFFF8, s11;
	_ =	swait.ge [sflag:s10], $0x400;
	v6 =	vand.u32 $0x1E, v6;
	v8 =	vor.u32 v1, v2  }
0x22f: {  	s8 =	sor.u32 $0x3, s3;
	s7 =	sor.u32 $0x1, s3;
	[sflag:s10] =	ssyncset.done $0x0;
	v6 =	vbroadcast v6, $0x0;
	v9 =	vor.u32 v0, v4  }
0x230: {  	s12 =	sor.u32 s3, s4;
	[sflag:s10] =	ssyncadd.s32 $0xFFFFFC00;
	s10 =	sor.u32 $0x2, s3;
	v10 =	vor.u32 v1, v4  }
0x231: {  	s11 =	sor.u32 s4, s8;
	s13 =	sor.u32 s4, s7;
	v2 =	vor.u32 v0, v3;
	s4 =	sor.u32 s4, s10;
	v11 =	vor.u32 v0, v6;
	v16 =	vld.idx.msk [tilespmem:v5+s24+$0x0], $0xffff  }
0x232: {  	v12 =	vmov s4;
	v3 =	vor.u32 v1, v6;
	v5 =	vmov s11;
	v4 =	vld.idx.msk [tilespmem:v7+s24+$0x0], $0xffff  }
0x233: {  	s0 =	sshll.u32 s0, $0x7;
	s30 =	sshll.u32 s3, $0x7;
	s9 =	simm.s32 $0x0;
	v6 =	vmov s12;
	v7 =	vmov s13;
	v13 =	vand.u32 $0x1F, v5;
	v5 =	vld.idx.msk [tilespmem:v8+s24+$0x0], $0xffff  }
0x234: {  	s29 =	sshll.u32 s7, $0x7;
	s12 =	sshll.u32 s1, $0x7;
	s1 =	sand.u32 $0x3FFFF000, s9;
	v8 =	vand.u32 $0x1C, v6;
	v7 =	vand.u32 $0x1D, v7;
	v13 =	vbroadcast v13, $0x0;
	v6 =	vld.idx.msk [tilespmem:v9+s24+$0x0], $0xffff  }
0x235: {  	s11 =	sshll.u32 s6, $0x7;
	s6 =	simm.s32 $0x8;
	s13 =	sadd.s32 s1, s5;
	v17 =	vbroadcast v8, $0x0;
	v8 =	vand.u32 $0x1E, v12;
	v14 =	vbroadcast v7, $0x0;
	v7 =	vld.idx.msk [tilespmem:v10+s24+$0x0], $0xffff  }
0x236: {  	s1 =	sshll.u32 s10, $0x7;
	s3 =	sadd.s32 s11, s13;
	s31 =	sadd.s32 s0, s13;
	v15 =	vbroadcast v8, $0x0;
	v9 =	vor.u32 v0, v13;
	v12 =	vor.u32 v1, v13;
	v8 =	vld.idx.msk [tilespmem:v11+s24+$0x0], $0xffff  }
0x237: {  	s10 =	sadd.s32 s2, s13;
	s2 =	sadd.s32 s12, s13;
	s0 =	simm.s32 $0x8;
	v13 =	vor.u32 v0, v17;
	v11 =	vor.u32 v1, v17;
	v10 =	vor.u32 v0, v14;
	[tilespmem:s31+$0xC30] =	vst v16  }
.LBB2_29:
0x238: {  	s6 =	sadd.s32 $0x8, s6  }
0x239: {  	v16 =	vor.u32 v1, v14;
	v17 =	vor.u32 v0, v15;
	s28 =	sadd.s32 $0x4, s28;
	v14 =	vld.idx.msk [tilespmem:v3+s24+$0x0], $0xffff;
	v3 =	vor.u32 v1, v15;
	s9 =	smov.u32 s1;
	s0 =	sshll.u32 s0, $0x8  }
0x23a: {  	s1 =	sand.u32 $0x4, s28;
	s4 =	sshrl.u32 s6, $0x1;
	p2 =	slt.u32 s6, $0x38;
	[tilespmem:s3+$0xC20] =	vst v4;
	v15 =	vld.idx.msk [tilespmem:v2+s24+$0x0], $0xffff;
	v2 =	vmov v9  }
0x23b: {  	s4 =	sand.u32 $0x7FFFFFF8, s4;
	s7 =	sor.u32 $0x1, s1;
	s11 =	sor.u32 $0x3, s1;
	[tilespmem:s3+$0xC30] =	vst v5  }
0x23c: {  	s12 =	sor.u32 $0x2, s1;
	s3 =	sor.u32 s1, s4;
	s13 =	sor.u32 s4, s11;
	v18 =	vld.idx.msk [tilespmem:v12+s24+$0x0], $0xffff;
	[tilespmem:s10+$0xC20] =	vst v6  }
0x23d: {  	v6 =	vmov s3;
	s3 =	sor.u32 s4, s7;
	s7 =	sshll.u32 s7, $0x7;
	s4 =	sor.u32 s4, s12;
	v5 =	vmov s13;
	v4 =	vld.idx.msk [tilespmem:v13+s24+$0x0], $0xffff;
	[tilespmem:s10+$0xC30] =	vst v7  }
.Ltmp13:
0x23e: {  	s13 =	sshll.u32 s1, $0x7;
	s1 =	sshll.u32 s12, $0x7;
	v7 =	vmov s3;
	v9 =	vmov s4;
	v12 =	vand.u32 $0x1F, v5;
	v5 =	vld.idx.msk [tilespmem:v11+s24+$0x0], $0xffff;
	[tilespmem:s2+$0xC20] =	vst v8;
	(pc) =	sbr.rel @p2 .LBB2_29-.Ltmp13, $4  }
0x23f: {  	v8 =	vand.u32 $0x1C, v6;
	s3 =	sand.u32 $0x3FFFF000, s0;
	s0 =	smov.u32 s6;
	v7 =	vand.u32 $0x1D, v7;
	v11 =	vbroadcast v12, $0x0;
	v6 =	vld.idx.msk [tilespmem:v10+s24+$0x0], $0xffff;
	[tilespmem:s2+$0xC30] =	vst v14  }
0x240: {  	s4 =	sshll.u32 s8, $0x7;
	s8 =	smov.u32 s11;
	v10 =	vbroadcast v8, $0x0;
	v8 =	vand.u32 $0x1E, v9;
	s2 =	sadd.s32 s3, s5;
	v14 =	vbroadcast v7, $0x0;
	v7 =	vld.idx.msk [tilespmem:v16+s24+$0x0], $0xffff;
	[tilespmem:s31+$0xC20] =	vst v15  }
0x241: {  	v15 =	vbroadcast v8, $0x0;
	s3 =	sadd.s32 s30, s2;
	s10 =	sadd.s32 s29, s2;
	s31 =	sadd.s32 s4, s2;
	v9 =	vor.u32 v0, v11;
	v12 =	vor.u32 v1, v11;
	v8 =	vld.idx.msk [tilespmem:v17+s24+$0x0], $0xffff  }
0x242: {  	s2 =	sadd.s32 s9, s2;
	s29 =	smov.u32 s7;
	s30 =	smov.u32 s13;
	v13 =	vor.u32 v0, v10;
	v11 =	vor.u32 v1, v10;
	v10 =	vor.u32 v0, v14;
	[tilespmem:s31+$0xC30] =	vst v18  }
0x243: {  	_ =	sdelay $0x3  }
0x244: {  	v3 =	vld.idx.msk [tilespmem:v3+s24+$0x0], $0xffff;
	[tilespmem:s3+$0xC20] =	vst v4;
	v4 =	vor.u32 v1, v14  }
0x245: {  	v2 =	vld.idx.msk [tilespmem:v2+s24+$0x0], $0xffff;
	[tilespmem:s3+$0xC30] =	vst v5;
	v5 =	vor.u32 v0, v15  }
0x246: {  	v12 =	vld.idx.msk [tilespmem:v12+s24+$0x0], $0xffff;
	[tilespmem:s10+$0xC20] =	vst v6;
	v6 =	vor.u32 v1, v15  }
0x247: {  	v13 =	vld.idx.msk [tilespmem:v13+s24+$0x0], $0xffff;
	s0 =	sshll.u32 s0, $0x8;
	[tilespmem:s10+$0xC30] =	vst v7  }
0x248: {  	s0 =	sand.u32 $0x3FFFF000, s0;
	v7 =	vld.idx.msk [tilespmem:v11+s24+$0x0], $0xffff;
	[tilespmem:s2+$0xC20] =	vst v8  }
0x249: {  	s8 =	sshll.u32 s8, $0x7;
	s9 =	simm.s32 $0x0;
	s13 =	sadd.s32 s0, s5;
	[tilespmem:s2+$0xC30] =	vst v3;
	v3 =	vld.idx.msk [tilespmem:v4+s24+$0x0], $0xffff  }
0x24a: {  	s6 =	sand.u32 $0x4, s9;
	s10 =	simm.s32 $0x0;
	s3 =	sadd.s32 s8, s13;
	[tilespmem:s31+$0xC20] =	vst v2;
	v2 =	vld.idx.msk [tilespmem:v5+s24+$0x0], $0xffff  }
0x24b: {  	s0 =	sor.u32 $0x3, s6;
	s4 =	sadd.s32 s30, s13;
	s7 =	sand.u32 $0x7FFFFFF8, s10;
	[tilespmem:s3+$0xC30] =	vst v12;
	v4 =	vld.idx.msk [tilespmem:v6+s24+$0x0], $0xffff  }
0x24c: {  	s12 =	sor.u32 s7, s0;
	[tilespmem:s4+$0xC20] =	vst v13;
	v5 =	vld.idx.msk [tilespmem:v9+s24+$0x0], $0xffff  }
0x24d: {  	v8 =	vld.idx.msk [tilespmem:v10+s24+$0x0], $0xffff;
	s11 =	sadd.s32 s29, s13;
	s9 =	sor.u32 s6, s7;
	v6 =	vmov s12;
	[tilespmem:s4+$0xC30] =	vst v7  }
0x24e: {  	s1 =	sadd.s32 s1, s13;
	s13 =	sor.u32 $0x1, s6;
	v6 =	vand.u32 $0x1F, v6;
	[tilespmem:s11+$0xC30] =	vst v3;
	v3 =	vmov s9  }
0x24f: {  	s8 =	sor.u32 s7, s13;
	[tilespmem:s1+$0xC20] =	vst v2;
	v2 =	vand.u32 $0x1C, v3;
	v3 =	vbroadcast v6, $0x0  }
0x250: {  	[tilespmem:s1+$0xC30] =	vst v4;
	s1 =	sor.u32 $0x2, s6;
	v4 =	vmov s8;
	v2 =	vbroadcast v2, $0x0  }
0x251: {  	s28 =	simm.s32 $0x4;
	[tilespmem:s3+$0xC20] =	vst v5;
	s9 =	sor.u32 s7, s1;
	v4 =	vand.u32 $0x1D, v4;
	v5 =	vor.u32 v1, v3  }
0x252: {  	s10 =	simm.s32 $0x13;
	s2 =	sshll.u32 s13, $0x7;
	[tilespmem:s11+$0xC20] =	vst v8;
	s11 =	simm.s32 $0x4;
	v6 =	vmov s9;
	v4 =	vbroadcast v4, $0x0;
	v7 =	vor.u32 v0, v2  }
0x253: {  	s3 =	sand.u32 $0x4, s28;
	s4 =	sand.u32 $0x7FFFFFF8, s11;
	_ =	swait.ge [sflag:s10], $0x400;
	v6 =	vand.u32 $0x1E, v6;
	v8 =	vor.u32 v1, v2  }
0x254: {  	s8 =	sor.u32 $0x3, s3;
	s7 =	sor.u32 $0x1, s3;
	[sflag:s10] =	ssyncset.done $0x0;
	v6 =	vbroadcast v6, $0x0;
	v9 =	vor.u32 v0, v4  }
0x255: {  	s12 =	sor.u32 s3, s4;
	[sflag:s10] =	ssyncadd.s32 $0xFFFFFC00;
	s10 =	sor.u32 $0x2, s3;
	v10 =	vor.u32 v1, v4  }
0x256: {  	s11 =	sor.u32 s4, s8;
	s13 =	sor.u32 s4, s7;
	v2 =	vor.u32 v0, v3;
	s4 =	sor.u32 s4, s10;
	v11 =	vor.u32 v0, v6;
	v16 =	vld.idx.msk [tilespmem:v5+s25+$0x0], $0xffff  }
0x257: {  	v12 =	vmov s4;
	v3 =	vor.u32 v1, v6;
	v5 =	vmov s11;
	v4 =	vld.idx.msk [tilespmem:v7+s25+$0x0], $0xffff  }
0x258: {  	s0 =	sshll.u32 s0, $0x7;
	s30 =	sshll.u32 s3, $0x7;
	s9 =	simm.s32 $0x0;
	v6 =	vmov s12;
	v7 =	vmov s13;
	v13 =	vand.u32 $0x1F, v5;
	v5 =	vld.idx.msk [tilespmem:v8+s25+$0x0], $0xffff  }
0x259: {  	s29 =	sshll.u32 s7, $0x7;
	s12 =	sshll.u32 s1, $0x7;
	s1 =	sand.u32 $0x3FFFF000, s9;
	v8 =	vand.u32 $0x1C, v6;
	v7 =	vand.u32 $0x1D, v7;
	v13 =	vbroadcast v13, $0x0;
	v6 =	vld.idx.msk [tilespmem:v9+s25+$0x0], $0xffff  }
0x25a: {  	s11 =	sshll.u32 s6, $0x7;
	s6 =	simm.s32 $0x8;
	s13 =	sadd.s32 s1, s5;
	v17 =	vbroadcast v8, $0x0;
	v8 =	vand.u32 $0x1E, v12;
	v14 =	vbroadcast v7, $0x0;
	v7 =	vld.idx.msk [tilespmem:v10+s25+$0x0], $0xffff  }
0x25b: {  	s1 =	sshll.u32 s10, $0x7;
	s3 =	sadd.s32 s11, s13;
	s31 =	sadd.s32 s0, s13;
	v15 =	vbroadcast v8, $0x0;
	v9 =	vor.u32 v0, v13;
	v12 =	vor.u32 v1, v13;
	v8 =	vld.idx.msk [tilespmem:v11+s25+$0x0], $0xffff  }
0x25c: {  	s10 =	sadd.s32 s2, s13;
	s2 =	sadd.s32 s12, s13;
	s0 =	simm.s32 $0x8;
	v13 =	vor.u32 v0, v17;
	v11 =	vor.u32 v1, v17;
	v10 =	vor.u32 v0, v14;
	[tilespmem:s31+$0xC50] =	vst v16  }
.LBB2_31:
0x25d: {  	s6 =	sadd.s32 $0x8, s6  }
0x25e: {  	v16 =	vor.u32 v1, v14;
	v17 =	vor.u32 v0, v15;
	s28 =	sadd.s32 $0x4, s28;
	v14 =	vld.idx.msk [tilespmem:v3+s25+$0x0], $0xffff;
	v3 =	vor.u32 v1, v15;
	s9 =	smov.u32 s1;
	s0 =	sshll.u32 s0, $0x8  }
0x25f: {  	s1 =	sand.u32 $0x4, s28;
	s4 =	sshrl.u32 s6, $0x1;
	p2 =	slt.u32 s6, $0x38;
	[tilespmem:s3+$0xC40] =	vst v4;
	v15 =	vld.idx.msk [tilespmem:v2+s25+$0x0], $0xffff;
	v2 =	vmov v9  }
0x260: {  	s4 =	sand.u32 $0x7FFFFFF8, s4;
	s7 =	sor.u32 $0x1, s1;
	s11 =	sor.u32 $0x3, s1;
	[tilespmem:s3+$0xC50] =	vst v5  }
0x261: {  	s12 =	sor.u32 $0x2, s1;
	s3 =	sor.u32 s1, s4;
	s13 =	sor.u32 s4, s11;
	v18 =	vld.idx.msk [tilespmem:v12+s25+$0x0], $0xffff;
	[tilespmem:s10+$0xC40] =	vst v6  }
0x262: {  	v6 =	vmov s3;
	s3 =	sor.u32 s4, s7;
	s7 =	sshll.u32 s7, $0x7;
	s4 =	sor.u32 s4, s12;
	v5 =	vmov s13;
	v4 =	vld.idx.msk [tilespmem:v13+s25+$0x0], $0xffff;
	[tilespmem:s10+$0xC50] =	vst v7  }
.Ltmp14:
0x263: {  	s13 =	sshll.u32 s1, $0x7;
	s1 =	sshll.u32 s12, $0x7;
	v7 =	vmov s3;
	v9 =	vmov s4;
	v12 =	vand.u32 $0x1F, v5;
	v5 =	vld.idx.msk [tilespmem:v11+s25+$0x0], $0xffff;
	[tilespmem:s2+$0xC40] =	vst v8;
	(pc) =	sbr.rel @p2 .LBB2_31-.Ltmp14, $4  }
0x264: {  	v8 =	vand.u32 $0x1C, v6;
	s3 =	sand.u32 $0x3FFFF000, s0;
	s0 =	smov.u32 s6;
	v7 =	vand.u32 $0x1D, v7;
	v11 =	vbroadcast v12, $0x0;
	v6 =	vld.idx.msk [tilespmem:v10+s25+$0x0], $0xffff;
	[tilespmem:s2+$0xC50] =	vst v14  }
0x265: {  	s4 =	sshll.u32 s8, $0x7;
	s8 =	smov.u32 s11;
	v10 =	vbroadcast v8, $0x0;
	v8 =	vand.u32 $0x1E, v9;
	s2 =	sadd.s32 s3, s5;
	v14 =	vbroadcast v7, $0x0;
	v7 =	vld.idx.msk [tilespmem:v16+s25+$0x0], $0xffff;
	[tilespmem:s31+$0xC40] =	vst v15  }
0x266: {  	v15 =	vbroadcast v8, $0x0;
	s3 =	sadd.s32 s30, s2;
	s10 =	sadd.s32 s29, s2;
	s31 =	sadd.s32 s4, s2;
	v9 =	vor.u32 v0, v11;
	v12 =	vor.u32 v1, v11;
	v8 =	vld.idx.msk [tilespmem:v17+s25+$0x0], $0xffff  }
0x267: {  	s2 =	sadd.s32 s9, s2;
	s29 =	smov.u32 s7;
	s30 =	smov.u32 s13;
	v13 =	vor.u32 v0, v10;
	v11 =	vor.u32 v1, v10;
	v10 =	vor.u32 v0, v14;
	[tilespmem:s31+$0xC50] =	vst v18  }
0x268: {  	_ =	sdelay $0x3  }
0x269: {  	v3 =	vld.idx.msk [tilespmem:v3+s25+$0x0], $0xffff;
	[tilespmem:s3+$0xC40] =	vst v4;
	v4 =	vor.u32 v1, v14  }
0x26a: {  	v2 =	vld.idx.msk [tilespmem:v2+s25+$0x0], $0xffff;
	[tilespmem:s3+$0xC50] =	vst v5;
	v5 =	vor.u32 v0, v15  }
0x26b: {  	v12 =	vld.idx.msk [tilespmem:v12+s25+$0x0], $0xffff;
	[tilespmem:s10+$0xC40] =	vst v6;
	v6 =	vor.u32 v1, v15  }
0x26c: {  	v13 =	vld.idx.msk [tilespmem:v13+s25+$0x0], $0xffff;
	s0 =	sshll.u32 s0, $0x8;
	[tilespmem:s10+$0xC50] =	vst v7  }
0x26d: {  	s0 =	sand.u32 $0x3FFFF000, s0;
	v7 =	vld.idx.msk [tilespmem:v11+s25+$0x0], $0xffff;
	[tilespmem:s2+$0xC40] =	vst v8  }
0x26e: {  	s8 =	sshll.u32 s8, $0x7;
	s9 =	simm.s32 $0x0;
	s13 =	sadd.s32 s0, s5;
	[tilespmem:s2+$0xC50] =	vst v3;
	v3 =	vld.idx.msk [tilespmem:v4+s25+$0x0], $0xffff  }
0x26f: {  	s6 =	sand.u32 $0x4, s9;
	s10 =	simm.s32 $0x0;
	s3 =	sadd.s32 s8, s13;
	[tilespmem:s31+$0xC40] =	vst v2;
	v2 =	vld.idx.msk [tilespmem:v5+s25+$0x0], $0xffff  }
0x270: {  	s0 =	sor.u32 $0x3, s6;
	s4 =	sadd.s32 s30, s13;
	s7 =	sand.u32 $0x7FFFFFF8, s10;
	[tilespmem:s3+$0xC50] =	vst v12;
	v4 =	vld.idx.msk [tilespmem:v6+s25+$0x0], $0xffff  }
0x271: {  	s12 =	sor.u32 s7, s0;
	[tilespmem:s4+$0xC40] =	vst v13;
	v5 =	vld.idx.msk [tilespmem:v9+s25+$0x0], $0xffff  }
0x272: {  	v8 =	vld.idx.msk [tilespmem:v10+s25+$0x0], $0xffff;
	s11 =	sadd.s32 s29, s13;
	s9 =	sor.u32 s6, s7;
	v6 =	vmov s12;
	[tilespmem:s4+$0xC50] =	vst v7  }
0x273: {  	s1 =	sadd.s32 s1, s13;
	s13 =	sor.u32 $0x1, s6;
	v6 =	vand.u32 $0x1F, v6;
	[tilespmem:s11+$0xC50] =	vst v3;
	v3 =	vmov s9  }
0x274: {  	s8 =	sor.u32 s7, s13;
	[tilespmem:s1+$0xC40] =	vst v2;
	v2 =	vand.u32 $0x1C, v3;
	v3 =	vbroadcast v6, $0x0  }
0x275: {  	[tilespmem:s1+$0xC50] =	vst v4;
	s1 =	sor.u32 $0x2, s6;
	v4 =	vmov s8;
	v2 =	vbroadcast v2, $0x0  }
0x276: {  	s28 =	simm.s32 $0x4;
	[tilespmem:s3+$0xC40] =	vst v5;
	s9 =	sor.u32 s7, s1;
	v4 =	vand.u32 $0x1D, v4;
	v5 =	vor.u32 v1, v3  }
0x277: {  	s10 =	simm.s32 $0x14;
	s2 =	sshll.u32 s13, $0x7;
	[tilespmem:s11+$0xC40] =	vst v8;
	s11 =	simm.s32 $0x4;
	v6 =	vmov s9;
	v4 =	vbroadcast v4, $0x0;
	v7 =	vor.u32 v0, v2  }
0x278: {  	s3 =	sand.u32 $0x4, s28;
	s4 =	sand.u32 $0x7FFFFFF8, s11;
	_ =	swait.ge [sflag:s10], $0x400;
	v6 =	vand.u32 $0x1E, v6;
	v8 =	vor.u32 v1, v2  }
0x279: {  	s8 =	sor.u32 $0x3, s3;
	s7 =	sor.u32 $0x1, s3;
	[sflag:s10] =	ssyncset.done $0x0;
	v6 =	vbroadcast v6, $0x0;
	v9 =	vor.u32 v0, v4  }
0x27a: {  	s12 =	sor.u32 s3, s4;
	[sflag:s10] =	ssyncadd.s32 $0xFFFFFC00;
	s10 =	sor.u32 $0x2, s3;
	v10 =	vor.u32 v1, v4  }
0x27b: {  	s11 =	sor.u32 s4, s8;
	s13 =	sor.u32 s4, s7;
	v2 =	vor.u32 v0, v3;
	s4 =	sor.u32 s4, s10;
	v11 =	vor.u32 v0, v6;
	v16 =	vld.idx.msk [tilespmem:v5+s26+$0x0], $0xffff  }
0x27c: {  	v12 =	vmov s4;
	v3 =	vor.u32 v1, v6;
	v5 =	vmov s11;
	v4 =	vld.idx.msk [tilespmem:v7+s26+$0x0], $0xffff  }
0x27d: {  	s0 =	sshll.u32 s0, $0x7;
	s30 =	sshll.u32 s3, $0x7;
	s9 =	simm.s32 $0x0;
	v6 =	vmov s12;
	v7 =	vmov s13;
	v13 =	vand.u32 $0x1F, v5;
	v5 =	vld.idx.msk [tilespmem:v8+s26+$0x0], $0xffff  }
0x27e: {  	s29 =	sshll.u32 s7, $0x7;
	s12 =	sshll.u32 s1, $0x7;
	s1 =	sand.u32 $0x3FFFF000, s9;
	v8 =	vand.u32 $0x1C, v6;
	v7 =	vand.u32 $0x1D, v7;
	v13 =	vbroadcast v13, $0x0;
	v6 =	vld.idx.msk [tilespmem:v9+s26+$0x0], $0xffff  }
0x27f: {  	s31 =	sshll.u32 s10, $0x7;
	s11 =	sshll.u32 s6, $0x7;
	s13 =	sadd.s32 s1, s5;
	v9 =	vbroadcast v8, $0x0;
	v8 =	vand.u32 $0x1E, v12;
	v14 =	vbroadcast v7, $0x0;
	v7 =	vld.idx.msk [tilespmem:v10+s26+$0x0], $0xffff  }
0x280: {  	s6 =	simm.s32 $0x8;
	s3 =	sadd.s32 s11, s13;
	s1 =	sadd.s32 s0, s13;
	v15 =	vbroadcast v8, $0x0;
	v10 =	vor.u32 v0, v13;
	v12 =	vor.u32 v1, v13;
	v8 =	vld.idx.msk [tilespmem:v11+s26+$0x0], $0xffff  }
0x281: {  	s10 =	sadd.s32 s2, s13;
	s2 =	sadd.s32 s12, s13;
	s0 =	simm.s32 $0x8;
	v13 =	vor.u32 v0, v9;
	v11 =	vor.u32 v1, v9;
	v9 =	vor.u32 v0, v14;
	[tilespmem:s1+$0xC70] =	vst v16  }
.LBB2_33:
0x282: {  	s6 =	sadd.s32 $0x8, s6  }
0x283: {  	v16 =	vor.u32 v1, v14;
	v17 =	vor.u32 v0, v15;
	s28 =	sadd.s32 $0x4, s28;
	v14 =	vld.idx.msk [tilespmem:v3+s26+$0x0], $0xffff;
	v3 =	vor.u32 v1, v15;
	s9 =	smov.u32 s31;
	s0 =	sshll.u32 s0, $0x8  }
0x284: {  	s4 =	sand.u32 $0x4, s28;
	s7 =	sshrl.u32 s6, $0x1;
	p2 =	slt.u32 s6, $0x38;
	[tilespmem:s3+$0xC60] =	vst v4;
	v15 =	vld.idx.msk [tilespmem:v2+s26+$0x0], $0xffff;
	v2 =	vmov v10  }
0x285: {  	s7 =	sand.u32 $0x7FFFFFF8, s7;
	s11 =	sor.u32 $0x1, s4;
	s12 =	sor.u32 $0x3, s4;
	[tilespmem:s3+$0xC70] =	vst v5  }
0x286: {  	s13 =	sor.u32 $0x2, s4;
	s3 =	sor.u32 s4, s7;
	s31 =	sor.u32 s7, s12;
	v18 =	vld.idx.msk [tilespmem:v12+s26+$0x0], $0xffff;
	[tilespmem:s10+$0xC60] =	vst v6  }
0x287: {  	v6 =	vmov s3;
	s3 =	sor.u32 s7, s11;
	s11 =	sshll.u32 s11, $0x7;
	s7 =	sor.u32 s7, s13;
	v5 =	vmov s31;
	v4 =	vld.idx.msk [tilespmem:v13+s26+$0x0], $0xffff;
	[tilespmem:s10+$0xC70] =	vst v7  }
.Ltmp15:
0x288: {  	s4 =	sshll.u32 s4, $0x7;
	s31 =	sshll.u32 s13, $0x7;
	v7 =	vmov s3;
	v10 =	vmov s7;
	v12 =	vand.u32 $0x1F, v5;
	v5 =	vld.idx.msk [tilespmem:v11+s26+$0x0], $0xffff;
	[tilespmem:s2+$0xC60] =	vst v8;
	(pc) =	sbr.rel @p2 .LBB2_33-.Ltmp15, $4  }
0x289: {  	v8 =	vand.u32 $0x1C, v6;
	s3 =	sand.u32 $0x3FFFF000, s0;
	s0 =	smov.u32 s6;
	v7 =	vand.u32 $0x1D, v7;
	v11 =	vbroadcast v12, $0x0;
	v6 =	vld.idx.msk [tilespmem:v9+s26+$0x0], $0xffff;
	[tilespmem:s2+$0xC70] =	vst v14  }
0x28a: {  	s7 =	sshll.u32 s8, $0x7;
	s8 =	smov.u32 s12;
	v9 =	vbroadcast v8, $0x0;
	v8 =	vand.u32 $0x1E, v10;
	s2 =	sadd.s32 s3, s5;
	v14 =	vbroadcast v7, $0x0;
	v7 =	vld.idx.msk [tilespmem:v16+s26+$0x0], $0xffff;
	[tilespmem:s1+$0xC60] =	vst v15  }
0x28b: {  	v15 =	vbroadcast v8, $0x0;
	s3 =	sadd.s32 s30, s2;
	s10 =	sadd.s32 s29, s2;
	s1 =	sadd.s32 s7, s2;
	v10 =	vor.u32 v0, v11;
	v12 =	vor.u32 v1, v11;
	v8 =	vld.idx.msk [tilespmem:v17+s26+$0x0], $0xffff  }
0x28c: {  	s2 =	sadd.s32 s9, s2;
	s29 =	smov.u32 s11;
	s30 =	smov.u32 s4;
	v13 =	vor.u32 v0, v9;
	v11 =	vor.u32 v1, v9;
	v9 =	vor.u32 v0, v14;
	[tilespmem:s1+$0xC70] =	vst v18  }
0x28d: {  	_ =	sdelay $0x3  }
0x28e: {  	v3 =	vld.idx.msk [tilespmem:v3+s26+$0x0], $0xffff;
	[tilespmem:s3+$0xC60] =	vst v4  }
0x28f: {  	v57 =	vor.u32 v1, v14;
	v2 =	vld.idx.msk [tilespmem:v2+s26+$0x0], $0xffff;
	[tilespmem:s3+$0xC70] =	vst v5  }
0x290: {  	v58 =	vor.u32 v0, v15;
	v12 =	vld.idx.msk [tilespmem:v12+s26+$0x0], $0xffff;
	[tilespmem:s10+$0xC60] =	vst v6  }
0x291: {  	v59 =	vor.u32 v1, v15;
	v13 =	vld.idx.msk [tilespmem:v13+s26+$0x0], $0xffff;
	s0 =	sshll.u32 s0, $0x8;
	[tilespmem:s10+$0xC70] =	vst v7  }
0x292: {  	v60 =	vld.idx.msk [tilespmem:v11+s26+$0x0], $0xffff;
	s0 =	sand.u32 $0x3FFFF000, s0;
	[tilespmem:s2+$0xC60] =	vst v8  }
0x293: {  	v61 =	vld.idx.msk [tilespmem:v9+s26+$0x0], $0xffff;
	s12 =	sshll.u32 s8, $0x7;
	s0 =	sadd.s32 s0, s5;
	[tilespmem:s2+$0xC70] =	vst v3  }
0x294: {  	s13 =	sadd.s32 s12, s0;
	v3 =	vld.idx.msk [tilespmem:v57+s26+$0x0], $0xffff;
	[tilespmem:s1+$0xC60] =	vst v2  }
0x295: {  	s28 =	sadd.s32 s30, s0;
	v2 =	vld.idx.msk [tilespmem:v58+s26+$0x0], $0xffff;
	[tilespmem:s13+$0xC70] =	vst v12  }
0x296: {  	v62 =	vld.idx.msk [tilespmem:v59+s26+$0x0], $0xffff;
	[tilespmem:s28+$0xC60] =	vst v13  }
0x297: {  	v63 =	vld.idx.msk [tilespmem:v10+s26+$0x0], $0xffff;
	s29 =	sadd.s32 s29, s0;
	[tilespmem:s28+$0xC70] =	vst v60  }
0x298: {  	[tilespmem:s29+$0xC60] =	vst v61  }
0x299: {  	s0 =	sadd.s32 s31, s0;
	[tilespmem:s29+$0xC70] =	vst v3  }
0x29a: {  	[tilespmem:s0+$0xC60] =	vst v2  }
0x29b: {  	s6 =	rddreg [dreg:$0xe];
	[tilespmem:s0+$0xC70] =	vst v62  }
0x29c: {  	[tilespmem:s13+$0xC60] =	vst v63;
	p2 =	seq.s32 s6, $0x31  }
0x29d: {  	s1 =	rddreg [dreg:$0x10];
	_ =	strace $0x9000004B;
	p1 =	por p2, p1  }
0x29e: {  	s2 =	rddreg [dreg:$0x7];
	s1 =	sshll.u32 @p1 s1, $0x13;
	_ =	strace @p1 $0x8000004C  }
0x29f: {  	s0 =	simm.s32 $0x1;
	s1 =	sor.u32 @p1 s2, s1;
	s2 =	rddreg [dreg:$0x11]  }
0x2a0: {  	s0 =	simm.s32 @!p0 $0x0;
	p0 =	seq.s32 s6, $0x0;
	s3 =	rddreg [dreg:$0x1]  }
0x2a1: {  	s4 =	simm.s32 @p1 $0x20000;
	s30 =	rddreg [dreg:$0xd];
	s1 =	sshrl.u32 @p1 s1, $0x3  }
0x2a2: {  	s2 =	sadd.s32 @p1 $0x3, s2;
	s1 =	sadd.s32 @p1 s3, s1;
	s3 =	simm.s32 @p1 $0x1000  }
0x2a3: {  	[hbm4b:s1+s3] =	stream.strided.scatter @p1 [tilespmem:s5], [sflag:s2], $0x4000, s4, s3, $0x200038;
	[tilespmem:$0xC400] =	vst v63  }
0x2a4: {  	s5 =	sadd.s32 s0, s30;
	s0 =	simm.s32 $0x1;
	_ =	strace @p1 $0x9000004C  }
0x2a5: {  	s2 =	simm.s32 $0x1;
	s0 =	simm.s32 @!p1 $0x0;
	s3 =	rddreg [dreg:$0xa]  }
0x2a6: {  	p1 =	sne.s32 s6, $0x0;
	s6 =	sadd.s32 $0x1, s6;
	s1 =	sand.u32 @!p0 $0x1, s3  }
0x2a7: {  	_ =	strace @!p0 $0x8000004D;
	s2 =	simm.s32 @!p1 $0x0;
	s1 =	sadd.s32 @!p0 $0x3, s1  }
0x2a8: {  	p1 =	sne.s32 s6, $0x32;
	s7 =	rddreg [dreg:$0xb];
	_ =	swait.ge @!p0 [sflag:s1], $0x4000  }
.Ltmp16:
0x2a9: {  	[sflag:s1] =	ssyncset.done @!p0 $0x0;
	(pc) =	sbr.rel @p1 .LBB2_2-.Ltmp16, $4  }
0x2aa: {  	[sflag:s1] =	ssyncadd.s32 @!p0 $0xFFFFC000  }
0x2ab: {  	_ =	strace @!p0 $0x9000004D  }
0x2ac: {  	s11 =	simm.s32 $0x8400;
	s3 =	sadd.s32 s2, s3;
	s31 =	rddreg [dreg:$0xc]  }
0x2ad: {  	s7 =	sadd.s32 s0, s7;
	s1 =	rddreg [dreg:$0xf];
	s4 =	sadd.s32 s0, s31  }
0x2ae: {  	_ =	strace $0x8000004E;
	s0 =	simm.s32 $0x4  }
0x2af: {  	_ =	swait.ge [sflag:s0], $0x4000  }
0x2b0: {  	s1 =	rddreg [dreg:$0x9]  }
0x2b1: {  	s31 =	rddreg [dreg:$0x8];
	s1 =	sadd.s32 $0x1, s1  }
0x2b2: {  	p0 =	sne.s32 s1, s31  }
.Ltmp17:
0x2b3: {  	_ = 	snop;
	(pc) =	sbr.rel @p0 .LBB2_1-.Ltmp17, $4  }
0x2b4: {  	_ = 	snop  }
0x2b5: {  	[sflag:s0] =	ssyncset.done $0x0  }
0x2b6: {  	[sflag:s0] =	ssyncadd.s32 $0xFFFFC000  }
0x2b7: {  	_ =	strace $0x9000004E  }
0x2b8: {  	_ =	sfence.sel $0x180000  }
0x2b9: {  	[bflag:$0x0] =	sbarrier.arrive $0xFFFF  }
0x2ba: {  	_ =	strace $0x90000047  }
0x2bb: {  	s0 =	stileid.u32;
	[bflag:$0x2] =	sbarrier.arrive $0xFFFF  }
0x2bc: {  	p0 =	sne.s32 s0, $0x0;
	s0 =	rddreg [dreg:$0x2]  }
0x2bd: {  	s0 =	sadd.s32 @!p0 $0x100000, s0  }
0x2be: {  	[sflag:s0] =	ssyncadd.tile.s32 @!p0 $0x1;
	_ =	shalt  }
.Lfunc_end2:
_tile_overlayer_lowered:
.L_overlay_start_2:
0x2bf: {  	(tag) =	ssettag $0x2  }
0x2c0: {  	s0 =	rddreg [dreg:$0x0];
	s2 =	stileid.u32  }
0x2c1: {  	s1 =	rddreg [dreg:$0x1];
	p0 =	sne.s32 s2, $0x0  }
0x2c2: {  	s3 =	rddreg [dreg:$0x2];
	[bflag:$0x3] =	sbarrier.arrive $0xFFFF;
	s2 =	simm.s32 @!p0 $0x1C01  }
0x2c3: {  	[timem:s3], [sflag:s2] =	dma.local @!p0 [hbm:s0], s1  }
0x2c4: {  	s0 =	simm.s32 @!p0 $0x1  }
0x2c5: {  	_ =	swait.ge @!p0 [sflag:s0], s1  }
0x2c6: {  	s1 =	ssub.s32 @!p0 $0x0, s1;
	[sflag:s0] =	ssyncset.done @!p0 $0x0  }
0x2c7: {  	[sflag:s0] =	ssyncadd.s32 @!p0 s1  }
0x2c8: {  	[bflag:$0x3] =	sbarrier.arrive $0xFFFF  }
0x2c9: {  	_ =	shalt  }

</sc_bundles>
